<compile_context>
chip_gen: v7x
topology: tpu7x:2x2x1
jax: 0.10.2.dev20260603
libtpu: 0.0.44.dev20260713+nightly
codegen_flags: <defaults>
</compile_context>

<pallas_src>
import jax
import jax.numpy as jnp
from jax import lax
from jax.experimental import pallas as pl
from jax.experimental.pallas import tpu as pltpu
from jax.experimental.pallas import tpu_sc as plsc

VOCAB = 256
D_MODEL = 384

_NC = 2
_NS = 16
_NW = _NC * _NS

_N = 4 * 8192
_BPW = _N // _NW
_CH = 128
_NCH = _BPW // _CH
_NBUF = 2


def _table_body(e_ref, w_ref, b_ref, t_ref):
    t_ref[...] = lax.dot_general(
        e_ref[...], w_ref[...],
        dimension_numbers=(((1,), (1,)), ((), ())),
        preferred_element_type=jnp.float32,
    ) + b_ref[...]


_fuse_table = pl.pallas_call(
    _table_body,
    out_shape=jax.ShapeDtypeStruct((VOCAB, D_MODEL), jnp.float32),
)


_ROWS_PER_B = 8192 // _BPW


def _gather_body(ids_hbm, table_hbm, out_hbm, idx_v, rows_v, *sems):
    wid = lax.axis_index("s") * _NC + lax.axis_index("c")
    bb = wid // _ROWS_PER_B
    s0 = (wid % _ROWS_PER_B) * _BPW

    pltpu.sync_copy(ids_hbm.at[pl.ds(wid * _BPW, _BPW)], idx_v)
    for i in range(_BPW // 16):
        sl = pl.ds(i * 16, 16)
        idx_v[sl] = jnp.clip(idx_v[sl], 0, VOCAB - 1)

    gsems = sems[:_NBUF]
    ssems = sems[_NBUF:]
    gh = [None] * _NBUF
    sh = [None] * _NBUF

    def start_gather(c):
        buf = c % _NBUF
        if sh[buf] is not None:
            sh[buf].wait()
        gh[buf] = pltpu.async_copy(
            table_hbm.at[idx_v.at[pl.ds(c * _CH, _CH)]],
            rows_v.at[buf], gsems[buf])

    for k in range(min(_NBUF - 1, _NCH)):
        start_gather(k)
    for c in range(_NCH):
        buf = c % _NBUF
        gh[buf].wait()
        sh[buf] = pltpu.async_copy(
            rows_v.at[buf],
            out_hbm.at[bb, pl.ds(s0 + c * _CH, _CH)], ssems[buf])
        nxt = c + _NBUF - 1
        if nxt < _NCH:
            start_gather(nxt)
    for buf in range(_NBUF):
        if sh[buf] is not None:
            sh[buf].wait()


_gather = pl.kernel(
    _gather_body,
    out_type=jax.ShapeDtypeStruct((4, 8192, D_MODEL), jnp.float32),
    mesh=plsc.VectorSubcoreMesh(core_axis_name="c", subcore_axis_name="s"),
    scratch_types=[
        pltpu.VMEM((_BPW,), jnp.int32),
        pltpu.VMEM((_NBUF, _CH, D_MODEL), jnp.float32),
    ] + [pltpu.SemaphoreType.DMA] * (2 * _NBUF),
)


@jax.jit
def kernel(byte_ids, embed_table, W, b):
    table = _fuse_table(embed_table, W, b.reshape(1, D_MODEL))
    return _gather(byte_ids.reshape(-1), table)

# --- scband reference (transcript-rebuilt; emitter-appended) ---
"""Pipeline reference for scband-byte-patch-encoder-46943992545748 (READ-ONLY COPY).

The authoritative reference and input builder live on the scoring server;
editing this copy changes nothing except your own understanding.
"""

import jax, jax.numpy as jnp
import numpy as np

VOCAB = 256
D_MODEL = 384
B, S = 4, 8192

def setup_inputs(seed: int = 0) -> dict:
    key = jax.random.key(seed)
    k1, k2, k3, k4 = jax.random.split(key, 4)
    byte_ids = jax.random.randint(k1, (B, S), 0, VOCAB, dtype=jnp.int64 if jax.config.jax_enable_x64 else jnp.int32).astype(jnp.int32)
    embed_table = jax.random.normal(k2, (VOCAB, D_MODEL), dtype=jnp.float32)
    lim = 1.0 / np.sqrt(D_MODEL)
    W = jax.random.uniform(k3, (D_MODEL, D_MODEL), dtype=jnp.float32, minval=-lim, maxval=lim)
    b = jax.random.uniform(k4, (D_MODEL,), dtype=jnp.float32, minval=-lim, maxval=lim)
    return {"byte_ids": byte_ids, "embed_table": embed_table, "W": W, "b": b}

def reference(byte_ids, embed_table, W, b):
    ids = jnp.clip(byte_ids, 0, 255)
    x = jnp.take(embed_table, ids, axis=0)  # [B, S, d_model]
    # torch nn.Linear: y = x @ W.T + b
    out = jnp.einsum('bsd,ed->bse', x, W) + b
    return out

if __name__ == "__main__":
    import jax
    _d = setup_inputs()
    print(jax.jit(kernel)(*tuple(_d.values())))

</pallas_src>

<mosaic_0001>
#map = affine_map<(d0, d1) -> (0)>
#map1 = affine_map<(d0, d1) -> (0, 0)>
#map2 = affine_map<(d0, d1) -> (0, 0, 0)>
module attributes {stable_mosaic.version = 14 : i64} {
  func.func @_gather_body(%arg0: i32, %arg1: i32, %arg2: memref<32768xi32, #tpu.memory_space<hbm>>, %arg3: memref<256x384xf32, #tpu.memory_space<hbm>>, %arg4: memref<4x8192x384xf32, #tpu.memory_space<hbm>>, %arg5: memref<1024xi32, #tpu.memory_space<vmem>>, %arg6: memref<2x128x384xf32, #tpu.memory_space<vmem>>, %arg7: memref<!tpu.dma_semaphore, #tpu.memory_space<semaphore_mem>>, %arg8: memref<!tpu.dma_semaphore, #tpu.memory_space<semaphore_mem>>, %arg9: memref<!tpu.dma_semaphore, #tpu.memory_space<semaphore_mem>>, %arg10: memref<!tpu.dma_semaphore, #tpu.memory_space<semaphore_mem>>) attributes {dimension_semantics = [#tpu.dimension_semantics<core_parallel>, #tpu.dimension_semantics<subcore_parallel>], iteration_bounds = array<i64: 2, 16>, scalar_prefetch = 0 : i64, scratch_operands = 6 : i64, tpu.core_type = #tpu.core_type<sc_vector_subcore>, window_params = [{transform_indices = #map}, {transform_indices = #map1}, {transform_indices = #map2}]} {
    %mul3A = arith.constant 2 : i32
    %mul3A_0 = arith.muli %arg1, %mul3A : i32
    %add3A = arith.addi %mul3A_0, %arg0 : i32
    %jit3A = arith.constant 8 : i32
    %div3A = arith.divsi %add3A, %jit3A : i32
    %sign3A = arith.constant 0 : i32
    %sign3A_1 = arith.cmpi sgt, %add3A, %sign3A : i32
    %sign3A_2 = arith.extui %sign3A_1 : i1 to i32
    %sign3A_3 = arith.constant 0 : i32
    %sign3A_4 = arith.cmpi slt, %add3A, %sign3A_3 : i32
    %sign3A_5 = arith.extui %sign3A_4 : i1 to i32
    %sign3A_6 = arith.subi %sign3A_2, %sign3A_5 : i32
    %sign3A_7 = arith.constant 0 : i32
    %sign3A_8 = arith.cmpi sgt, %jit3A, %sign3A_7 : i32
    %sign3A_9 = arith.extui %sign3A_8 : i1 to i32
    %sign3A_10 = arith.constant 0 : i32
    %sign3A_11 = arith.cmpi slt, %jit3A, %sign3A_10 : i32
    %sign3A_12 = arith.extui %sign3A_11 : i1 to i32
    %sign3A_13 = arith.subi %sign3A_9, %sign3A_12 : i32
    %ne3A = arith.cmpi ne, %sign3A_6, %sign3A_13 : i32
    %rem3A = arith.remsi %add3A, %jit3A : i32
    %ne3A_14 = arith.constant 0 : i32
    %ne3A_15 = arith.cmpi ne, %rem3A, %ne3A_14 : i32
    %and3A = arith.andi %ne3A, %ne3A_15 : i1
    %sub3A = arith.constant 1 : i32
    %sub3A_16 = arith.subi %div3A, %sub3A : i32
    %select_n3A = arith.select %and3A, %sub3A_16, %div3A : i32
    %jit3A_17 = arith.constant 8 : i32
    %eq3A = arith.constant 0 : i32
    %eq3A_18 = arith.cmpi eq, %jit3A_17, %eq3A : i32
    %jit3A_19 = arith.constant 1 : i32
    %select_n3A_20 = arith.select %eq3A_18, %jit3A_19, %jit3A_17 : i32
    %rem3A_21 = arith.remsi %add3A, %select_n3A_20 : i32
    %ne3A_22 = arith.constant 0 : i32
    %ne3A_23 = arith.cmpi ne, %rem3A_21, %ne3A_22 : i32
    %lt3A = arith.constant 0 : i32
    %lt3A_24 = arith.cmpi slt, %rem3A_21, %lt3A : i32
    %lt3A_25 = arith.constant 0 : i32
    %lt3A_26 = arith.cmpi slt, %select_n3A_20, %lt3A_25 : i32
    %ne3A_27 = arith.xori %lt3A_24, %lt3A_26 : i1
    %and3A_28 = arith.andi %ne3A_27, %ne3A_23 : i1
    %add3A_29 = arith.addi %rem3A_21, %select_n3A_20 : i32
    %select_n3A_30 = arith.select %and3A_28, %add3A_29, %rem3A_21 : i32
    %mul3A_31 = arith.constant 1024 : i32
    %mul3A_32 = arith.muli %select_n3A_30, %mul3A_31 : i32
    %mul3A_33 = arith.constant 1024 : i32
    %mul3A_34 = arith.muli %add3A, %mul3A_33 : i32
    "tpu.region"() ({
      %run_scoped3A = tpu.sem_alloc : memref<!tpu.dma_semaphore, #tpu.memory_space<semaphore_mem>>
      %dma_start3A_1277 = tpu.memref_slice %arg2[%mul3A_34] : memref<32768xi32, #tpu.memory_space<hbm>> -> memref<1024xi32, #tpu.memory_space<hbm>>
      %dma_start3A_1278 = tpu.memref_slice %arg2[%mul3A_34] : memref<32768xi32, #tpu.memory_space<hbm>> -> memref<1024xi32, #tpu.memory_space<hbm>>
      tpu.enqueue_dma source(%dma_start3A_1278 : memref<1024xi32, #tpu.memory_space<hbm>>) target(%arg5 : memref<1024xi32, #tpu.memory_space<vmem>>) target_semaphore(%run_scoped3A : memref<!tpu.dma_semaphore, #tpu.memory_space<semaphore_mem>>)
      %dma_wait3A_1279 = tpu.memref_slice %arg2[%mul3A_34] : memref<32768xi32, #tpu.memory_space<hbm>> -> memref<1024xi32, #tpu.memory_space<hbm>>
      %dma_wait3A_1280 = tpu.memref_slice %arg2[%mul3A_34] : memref<32768xi32, #tpu.memory_space<hbm>> -> memref<1024xi32, #tpu.memory_space<hbm>>
      tpu.wait_dma2 semaphore(%run_scoped3A : memref<!tpu.dma_semaphore, #tpu.memory_space<semaphore_mem>>) src(%dma_wait3A_1280 : memref<1024xi32, #tpu.memory_space<hbm>>) dst(%arg5 : memref<1024xi32, #tpu.memory_space<vmem>>)
      tpu.yield
    }) : () -> ()
    %get3A = arith.constant 0 : index
    %get3A_35 = tpu.vector_load %arg5[%get3A] {strides = array<i32>} : memref<1024xi32, #tpu.memory_space<vmem>>, vector<16xi32>,
    %get3A_36 = vector.shape_cast %get3A_35 : vector<16xi32> to vector<16xi32>
    %jit3A_37 = arith.constant 0 : i32
    %jit3A_38 = arith.constant 255 : i32
    %max3A = vector.broadcast %jit3A_37 : i32 to vector<16xi32>
    %max3A_39 = arith.maxsi %max3A, %get3A_36 : vector<16xi32>
    %min3A = vector.broadcast %jit3A_38 : i32 to vector<16xi32>
    %min3A_40 = arith.minsi %min3A, %max3A_39 : vector<16xi32>
    %swap3A = arith.constant 0 : index
    %swap3A_41 = tpu.vector_load %arg5[%swap3A] {strides = array<i32>} : memref<1024xi32, #tpu.memory_space<vmem>>, vector<16xi32>,
    %swap3A_42 = vector.shape_cast %swap3A_41 : vector<16xi32> to vector<16xi32>
    %swap3A_43 = vector.shape_cast %min3A_40 : vector<16xi32> to vector<16xi32>
    tpu.vector_store %arg5[%swap3A], %swap3A_43 {strides = array<i32>} : memref<1024xi32, #tpu.memory_space<vmem>>, vector<16xi32>,
    %get3A_44 = arith.constant 16 : index
    %get3A_45 = tpu.vector_load %arg5[%get3A_44] {strides = array<i32>} : memref<1024xi32, #tpu.memory_space<vmem>>, vector<16xi32>,
    %get3A_46 = vector.shape_cast %get3A_45 : vector<16xi32> to vector<16xi32>
    %jit3A_47 = arith.constant 0 : i32
    %jit3A_48 = arith.constant 255 : i32
    %max3A_49 = vector.broadcast %jit3A_47 : i32 to vector<16xi32>
    %max3A_50 = arith.maxsi %max3A_49, %get3A_46 : vector<16xi32>
    %min3A_51 = vector.broadcast %jit3A_48 : i32 to vector<16xi32>
    %min3A_52 = arith.minsi %min3A_51, %max3A_50 : vector<16xi32>
    %swap3A_53 = arith.constant 16 : index
    %swap3A_54 = tpu.vector_load %arg5[%swap3A_53] {strides = array<i32>} : memref<1024xi32, #tpu.memory_space<vmem>>, vector<16xi32>,
    %swap3A_55 = vector.shape_cast %swap3A_54 : vector<16xi32> to vector<16xi32>
    %swap3A_56 = vector.shape_cast %min3A_52 : vector<16xi32> to vector<16xi32>
    tpu.vector_store %arg5[%swap3A_53], %swap3A_56 {strides = array<i32>} : memref<1024xi32, #tpu.memory_space<vmem>>, vector<16xi32>,
    %get3A_57 = arith.constant 32 : index
    %get3A_58 = tpu.vector_load %arg5[%get3A_57] {strides = array<i32>} : memref<1024xi32, #tpu.memory_space<vmem>>, vector<16xi32>,
    %get3A_59 = vector.shape_cast %get3A_58 : vector<16xi32> to vector<16xi32>
    %jit3A_60 = arith.constant 0 : i32
    %jit3A_61 = arith.constant 255 : i32
    %max3A_62 = vector.broadcast %jit3A_60 : i32 to vector<16xi32>
    %max3A_63 = arith.maxsi %max3A_62, %get3A_59 : vector<16xi32>
    %min3A_64 = vector.broadcast %jit3A_61 : i32 to vector<16xi32>
    %min3A_65 = arith.minsi %min3A_64, %max3A_63 : vector<16xi32>
    %swap3A_66 = arith.constant 32 : index
    %swap3A_67 = tpu.vector_load %arg5[%swap3A_66] {strides = array<i32>} : memref<1024xi32, #tpu.memory_space<vmem>>, vector<16xi32>,
    %swap3A_68 = vector.shape_cast %swap3A_67 : vector<16xi32> to vector<16xi32>
    %swap3A_69 = vector.shape_cast %min3A_65 : vector<16xi32> to vector<16xi32>
    tpu.vector_store %arg5[%swap3A_66], %swap3A_69 {strides = array<i32>} : memref<1024xi32, #tpu.memory_space<vmem>>, vector<16xi32>,
    %get3A_70 = arith.constant 48 : index
    %get3A_71 = tpu.vector_load %arg5[%get3A_70] {strides = array<i32>} : memref<1024xi32, #tpu.memory_space<vmem>>, vector<16xi32>,
    %get3A_72 = vector.shape_cast %get3A_71 : vector<16xi32> to vector<16xi32>
    %jit3A_73 = arith.constant 0 : i32
    %jit3A_74 = arith.constant 255 : i32
    %max3A_75 = vector.broadcast %jit3A_73 : i32 to vector<16xi32>
    %max3A_76 = arith.maxsi %max3A_75, %get3A_72 : vector<16xi32>
    %min3A_77 = vector.broadcast %jit3A_74 : i32 to vector<16xi32>
    %min3A_78 = arith.minsi %min3A_77, %max3A_76 : vector<16xi32>
    %swap3A_79 = arith.constant 48 : index
    %swap3A_80 = tpu.vector_load %arg5[%swap3A_79] {strides = array<i32>} : memref<1024xi32, #tpu.memory_space<vmem>>, vector<16xi32>,
    %swap3A_81 = vector.shape_cast %swap3A_80 : vector<16xi32> to vector<16xi32>
    %swap3A_82 = vector.shape_cast %min3A_78 : vector<16xi32> to vector<16xi32>
    tpu.vector_store %arg5[%swap3A_79], %swap3A_82 {strides = array<i32>} : memref<1024xi32, #tpu.memory_space<vmem>>, vector<16xi32>,
    %get3A_83 = arith.constant 64 : index
    %get3A_84 = tpu.vector_load %arg5[%get3A_83] {strides = array<i32>} : memref<1024xi32, #tpu.memory_space<vmem>>, vector<16xi32>,
    %get3A_85 = vector.shape_cast %get3A_84 : vector<16xi32> to vector<16xi32>
    %jit3A_86 = arith.constant 0 : i32
    %jit3A_87 = arith.constant 255 : i32
    %max3A_88 = vector.broadcast %jit3A_86 : i32 to vector<16xi32>
    %max3A_89 = arith.maxsi %max3A_88, %get3A_85 : vector<16xi32>
    %min3A_90 = vector.broadcast %jit3A_87 : i32 to vector<16xi32>
    %min3A_91 = arith.minsi %min3A_90, %max3A_89 : vector<16xi32>
    %swap3A_92 = arith.constant 64 : index
    %swap3A_93 = tpu.vector_load %arg5[%swap3A_92] {strides = array<i32>} : memref<1024xi32, #tpu.memory_space<vmem>>, vector<16xi32>,
    %swap3A_94 = vector.shape_cast %swap3A_93 : vector<16xi32> to vector<16xi32>
    %swap3A_95 = vector.shape_cast %min3A_91 : vector<16xi32> to vector<16xi32>
    tpu.vector_store %arg5[%swap3A_92], %swap3A_95 {strides = array<i32>} : memref<1024xi32, #tpu.memory_space<vmem>>, vector<16xi32>,
    %get3A_96 = arith.constant 80 : index
    %get3A_97 = tpu.vector_load %arg5[%get3A_96] {strides = array<i32>} : memref<1024xi32, #tpu.memory_space<vmem>>, vector<16xi32>,
    %get3A_98 = vector.shape_cast %get3A_97 : vector<16xi32> to vector<16xi32>
    %jit3A_99 = arith.constant 0 : i32
    %jit3A_100 = arith.constant 255 : i32
    %max3A_101 = vector.broadcast %jit3A_99 : i32 to vector<16xi32>
    %max3A_102 = arith.maxsi %max3A_101, %get3A_98 : vector<16xi32>
    %min3A_103 = vector.broadcast %jit3A_100 : i32 to vector<16xi32>
    %min3A_104 = arith.minsi %min3A_103, %max3A_102 : vector<16xi32>
    %swap3A_105 = arith.constant 80 : index
    %swap3A_106 = tpu.vector_load %arg5[%swap3A_105] {strides = array<i32>} : memref<1024xi32, #tpu.memory_space<vmem>>, vector<16xi32>,
    %swap3A_107 = vector.shape_cast %swap3A_106 : vector<16xi32> to vector<16xi32>
    %swap3A_108 = vector.shape_cast %min3A_104 : vector<16xi32> to vector<16xi32>
    tpu.vector_store %arg5[%swap3A_105], %swap3A_108 {strides = array<i32>} : memref<1024xi32, #tpu.memory_space<vmem>>, vector<16xi32>,
    %get3A_109 = arith.constant 96 : index
    %get3A_110 = tpu.vector_load %arg5[%get3A_109] {strides = array<i32>} : memref<1024xi32, #tpu.memory_space<vmem>>, vector<16xi32>,
    %get3A_111 = vector.shape_cast %get3A_110 : vector<16xi32> to vector<16xi32>
    %jit3A_112 = arith.constant 0 : i32
    %jit3A_113 = arith.constant 255 : i32
    %max3A_114 = vector.broadcast %jit3A_112 : i32 to vector<16xi32>
    %max3A_115 = arith.maxsi %max3A_114, %get3A_111 : vector<16xi32>
    %min3A_116 = vector.broadcast %jit3A_113 : i32 to vector<16xi32>
    %min3A_117 = arith.minsi %min3A_116, %max3A_115 : vector<16xi32>
    %swap3A_118 = arith.constant 96 : index
    %swap3A_119 = tpu.vector_load %arg5[%swap3A_118] {strides = array<i32>} : memref<1024xi32, #tpu.memory_space<vmem>>, vector<16xi32>,
    %swap3A_120 = vector.shape_cast %swap3A_119 : vector<16xi32> to vector<16xi32>
    %swap3A_121 = vector.shape_cast %min3A_117 : vector<16xi32> to vector<16xi32>
    tpu.vector_store %arg5[%swap3A_118], %swap3A_121 {strides = array<i32>} : memref<1024xi32, #tpu.memory_space<vmem>>, vector<16xi32>,
    %get3A_122 = arith.constant 112 : index
    %get3A_123 = tpu.vector_load %arg5[%get3A_122] {strides = array<i32>} : memref<1024xi32, #tpu.memory_space<vmem>>, vector<16xi32>,
    %get3A_124 = vector.shape_cast %get3A_123 : vector<16xi32> to vector<16xi32>
    %jit3A_125 = arith.constant 0 : i32
    %jit3A_126 = arith.constant 255 : i32
    %max3A_127 = vector.broadcast %jit3A_125 : i32 to vector<16xi32>
    %max3A_128 = arith.maxsi %max3A_127, %get3A_124 : vector<16xi32>
    %min3A_129 = vector.broadcast %jit3A_126 : i32 to vector<16xi32>
    %min3A_130 = arith.minsi %min3A_129, %max3A_128 : vector<16xi32>
    %swap3A_131 = arith.constant 112 : index
    %swap3A_132 = tpu.vector_load %arg5[%swap3A_131] {strides = array<i32>} : memref<1024xi32, #tpu.memory_space<vmem>>, vector<16xi32>,
    %swap3A_133 = vector.shape_cast %swap3A_132 : vector<16xi32> to vector<16xi32>
    %swap3A_134 = vector.shape_cast %min3A_130 : vector<16xi32> to vector<16xi32>
    tpu.vector_store %arg5[%swap3A_131], %swap3A_134 {strides = array<i32>} : memref<1024xi32, #tpu.memory_space<vmem>>, vector<16xi32>,
    %get3A_135 = arith.constant 128 : index
    %get3A_136 = tpu.vector_load %arg5[%get3A_135] {strides = array<i32>} : memref<1024xi32, #tpu.memory_space<vmem>>, vector<16xi32>,
    %get3A_137 = vector.shape_cast %get3A_136 : vector<16xi32> to vector<16xi32>
    %jit3A_138 = arith.constant 0 : i32
    %jit3A_139 = arith.constant 255 : i32
    %max3A_140 = vector.broadcast %jit3A_138 : i32 to vector<16xi32>
    %max3A_141 = arith.maxsi %max3A_140, %get3A_137 : vector<16xi32>
    %min3A_142 = vector.broadcast %jit3A_139 : i32 to vector<16xi32>
    %min3A_143 = arith.minsi %min3A_142, %max3A_141 : vector<16xi32>
    %swap3A_144 = arith.constant 128 : index
    %swap3A_145 = tpu.vector_load %arg5[%swap3A_144] {strides = array<i32>} : memref<1024xi32, #tpu.memory_space<vmem>>, vector<16xi32>,
    %swap3A_146 = vector.shape_cast %swap3A_145 : vector<16xi32> to vector<16xi32>
    %swap3A_147 = vector.shape_cast %min3A_143 : vector<16xi32> to vector<16xi32>
    tpu.vector_store %arg5[%swap3A_144], %swap3A_147 {strides = array<i32>} : memref<1024xi32, #tpu.memory_space<vmem>>, vector<16xi32>,
    %get3A_148 = arith.constant 144 : index
    %get3A_149 = tpu.vector_load %arg5[%get3A_148] {strides = array<i32>} : memref<1024xi32, #tpu.memory_space<vmem>>, vector<16xi32>,
    %get3A_150 = vector.shape_cast %get3A_149 : vector<16xi32> to vector<16xi32>
    %jit3A_151 = arith.constant 0 : i32
    %jit3A_152 = arith.constant 255 : i32
    %max3A_153 = vector.broadcast %jit3A_151 : i32 to vector<16xi32>
    %max3A_154 = arith.maxsi %max3A_153, %get3A_150 : vector<16xi32>
    %min3A_155 = vector.broadcast %jit3A_152 : i32 to vector<16xi32>
    %min3A_156 = arith.minsi %min3A_155, %max3A_154 : vector<16xi32>
    %swap3A_157 = arith.constant 144 : index
    %swap3A_158 = tpu.vector_load %arg5[%swap3A_157] {strides = array<i32>} : memref<1024xi32, #tpu.memory_space<vmem>>, vector<16xi32>,
    %swap3A_159 = vector.shape_cast %swap3A_158 : vector<16xi32> to vector<16xi32>
    %swap3A_160 = vector.shape_cast %min3A_156 : vector<16xi32> to vector<16xi32>
    tpu.vector_store %arg5[%swap3A_157], %swap3A_160 {strides = array<i32>} : memref<1024xi32, #tpu.memory_space<vmem>>, vector<16xi32>,
    %get3A_161 = arith.constant 160 : index
    %get3A_162 = tpu.vector_load %arg5[%get3A_161] {strides = array<i32>} : memref<1024xi32, #tpu.memory_space<vmem>>, vector<16xi32>,
    %get3A_163 = vector.shape_cast %get3A_162 : vector<16xi32> to vector<16xi32>
    %jit3A_164 = arith.constant 0 : i32
    %jit3A_165 = arith.constant 255 : i32
    %max3A_166 = vector.broadcast %jit3A_164 : i32 to vector<16xi32>
    %max3A_167 = arith.maxsi %max3A_166, %get3A_163 : vector<16xi32>
    %min3A_168 = vector.broadcast %jit3A_165 : i32 to vector<16xi32>
    %min3A_169 = arith.minsi %min3A_168, %max3A_167 : vector<16xi32>
    %swap3A_170 = arith.constant 160 : index
    %swap3A_171 = tpu.vector_load %arg5[%swap3A_170] {strides = array<i32>} : memref<1024xi32, #tpu.memory_space<vmem>>, vector<16xi32>,
    %swap3A_172 = vector.shape_cast %swap3A_171 : vector<16xi32> to vector<16xi32>
    %swap3A_173 = vector.shape_cast %min3A_169 : vector<16xi32> to vector<16xi32>
    tpu.vector_store %arg5[%swap3A_170], %swap3A_173 {strides = array<i32>} : memref<1024xi32, #tpu.memory_space<vmem>>, vector<16xi32>,
    %get3A_174 = arith.constant 176 : index
    %get3A_175 = tpu.vector_load %arg5[%get3A_174] {strides = array<i32>} : memref<1024xi32, #tpu.memory_space<vmem>>, vector<16xi32>,
    %get3A_176 = vector.shape_cast %get3A_175 : vector<16xi32> to vector<16xi32>
    %jit3A_177 = arith.constant 0 : i32
    %jit3A_178 = arith.constant 255 : i32
    %max3A_179 = vector.broadcast %jit3A_177 : i32 to vector<16xi32>
    %max3A_180 = arith.maxsi %max3A_179, %get3A_176 : vector<16xi32>
    %min3A_181 = vector.broadcast %jit3A_178 : i32 to vector<16xi32>
    %min3A_182 = arith.minsi %min3A_181, %max3A_180 : vector<16xi32>
    %swap3A_183 = arith.constant 176 : index
    %swap3A_184 = tpu.vector_load %arg5[%swap3A_183] {strides = array<i32>} : memref<1024xi32, #tpu.memory_space<vmem>>, vector<16xi32>,
    %swap3A_185 = vector.shape_cast %swap3A_184 : vector<16xi32> to vector<16xi32>
    %swap3A_186 = vector.shape_cast %min3A_182 : vector<16xi32> to vector<16xi32>
    tpu.vector_store %arg5[%swap3A_183], %swap3A_186 {strides = array<i32>} : memref<1024xi32, #tpu.memory_space<vmem>>, vector<16xi32>,
    %get3A_187 = arith.constant 192 : index
    %get3A_188 = tpu.vector_load %arg5[%get3A_187] {strides = array<i32>} : memref<1024xi32, #tpu.memory_space<vmem>>, vector<16xi32>,
    %get3A_189 = vector.shape_cast %get3A_188 : vector<16xi32> to vector<16xi32>
    %jit3A_190 = arith.constant 0 : i32
    %jit3A_191 = arith.constant 255 : i32
    %max3A_192 = vector.broadcast %jit3A_190 : i32 to vector<16xi32>
    %max3A_193 = arith.maxsi %max3A_192, %get3A_189 : vector<16xi32>
    %min3A_194 = vector.broadcast %jit3A_191 : i32 to vector<16xi32>
    %min3A_195 = arith.minsi %min3A_194, %max3A_193 : vector<16xi32>
    %swap3A_196 = arith.constant 192 : index
    %swap3A_197 = tpu.vector_load %arg5[%swap3A_196] {strides = array<i32>} : memref<1024xi32, #tpu.memory_space<vmem>>, vector<16xi32>,
    %swap3A_198 = vector.shape_cast %swap3A_197 : vector<16xi32> to vector<16xi32>
    %swap3A_199 = vector.shape_cast %min3A_195 : vector<16xi32> to vector<16xi32>
    tpu.vector_store %arg5[%swap3A_196], %swap3A_199 {strides = array<i32>} : memref<1024xi32, #tpu.memory_space<vmem>>, vector<16xi32>,
    %get3A_200 = arith.constant 208 : index
    %get3A_201 = tpu.vector_load %arg5[%get3A_200] {strides = array<i32>} : memref<1024xi32, #tpu.memory_space<vmem>>, vector<16xi32>,
    %get3A_202 = vector.shape_cast %get3A_201 : vector<16xi32> to vector<16xi32>
    %jit3A_203 = arith.constant 0 : i32
    %jit3A_204 = arith.constant 255 : i32
    %max3A_205 = vector.broadcast %jit3A_203 : i32 to vector<16xi32>
    %max3A_206 = arith.maxsi %max3A_205, %get3A_202 : vector<16xi32>
    %min3A_207 = vector.broadcast %jit3A_204 : i32 to vector<16xi32>
    %min3A_208 = arith.minsi %min3A_207, %max3A_206 : vector<16xi32>
    %swap3A_209 = arith.constant 208 : index
    %swap3A_210 = tpu.vector_load %arg5[%swap3A_209] {strides = array<i32>} : memref<1024xi32, #tpu.memory_space<vmem>>, vector<16xi32>,
    %swap3A_211 = vector.shape_cast %swap3A_210 : vector<16xi32> to vector<16xi32>
    %swap3A_212 = vector.shape_cast %min3A_208 : vector<16xi32> to vector<16xi32>
    tpu.vector_store %arg5[%swap3A_209], %swap3A_212 {strides = array<i32>} : memref<1024xi32, #tpu.memory_space<vmem>>, vector<16xi32>,
    %get3A_213 = arith.constant 224 : index
    %get3A_214 = tpu.vector_load %arg5[%get3A_213] {strides = array<i32>} : memref<1024xi32, #tpu.memory_space<vmem>>, vector<16xi32>,
    %get3A_215 = vector.shape_cast %get3A_214 : vector<16xi32> to vector<16xi32>
    %jit3A_216 = arith.constant 0 : i32
    %jit3A_217 = arith.constant 255 : i32
    %max3A_218 = vector.broadcast %jit3A_216 : i32 to vector<16xi32>
    %max3A_219 = arith.maxsi %max3A_218, %get3A_215 : vector<16xi32>
    %min3A_220 = vector.broadcast %jit3A_217 : i32 to vector<16xi32>
    %min3A_221 = arith.minsi %min3A_220, %max3A_219 : vector<16xi32>
    %swap3A_222 = arith.constant 224 : index
    %swap3A_223 = tpu.vector_load %arg5[%swap3A_222] {strides = array<i32>} : memref<1024xi32, #tpu.memory_space<vmem>>, vector<16xi32>,
    %swap3A_224 = vector.shape_cast %swap3A_223 : vector<16xi32> to vector<16xi32>
    %swap3A_225 = vector.shape_cast %min3A_221 : vector<16xi32> to vector<16xi32>
    tpu.vector_store %arg5[%swap3A_222], %swap3A_225 {strides = array<i32>} : memref<1024xi32, #tpu.memory_space<vmem>>, vector<16xi32>,
    %get3A_226 = arith.constant 240 : index
    %get3A_227 = tpu.vector_load %arg5[%get3A_226] {strides = array<i32>} : memref<1024xi32, #tpu.memory_space<vmem>>, vector<16xi32>,
    %get3A_228 = vector.shape_cast %get3A_227 : vector<16xi32> to vector<16xi32>
    %jit3A_229 = arith.constant 0 : i32
    %jit3A_230 = arith.constant 255 : i32
    %max3A_231 = vector.broadcast %jit3A_229 : i32 to vector<16xi32>
    %max3A_232 = arith.maxsi %max3A_231, %get3A_228 : vector<16xi32>
    %min3A_233 = vector.broadcast %jit3A_230 : i32 to vector<16xi32>
    %min3A_234 = arith.minsi %min3A_233, %max3A_232 : vector<16xi32>
    %swap3A_235 = arith.constant 240 : index
    %swap3A_236 = tpu.vector_load %arg5[%swap3A_235] {strides = array<i32>} : memref<1024xi32, #tpu.memory_space<vmem>>, vector<16xi32>,
    %swap3A_237 = vector.shape_cast %swap3A_236 : vector<16xi32> to vector<16xi32>
    %swap3A_238 = vector.shape_cast %min3A_234 : vector<16xi32> to vector<16xi32>
    tpu.vector_store %arg5[%swap3A_235], %swap3A_238 {strides = array<i32>} : memref<1024xi32, #tpu.memory_space<vmem>>, vector<16xi32>,
    %get3A_239 = arith.constant 256 : index
    %get3A_240 = tpu.vector_load %arg5[%get3A_239] {strides = array<i32>} : memref<1024xi32, #tpu.memory_space<vmem>>, vector<16xi32>,
    %get3A_241 = vector.shape_cast %get3A_240 : vector<16xi32> to vector<16xi32>
    %jit3A_242 = arith.constant 0 : i32
    %jit3A_243 = arith.constant 255 : i32
    %max3A_244 = vector.broadcast %jit3A_242 : i32 to vector<16xi32>
    %max3A_245 = arith.maxsi %max3A_244, %get3A_241 : vector<16xi32>
    %min3A_246 = vector.broadcast %jit3A_243 : i32 to vector<16xi32>
    %min3A_247 = arith.minsi %min3A_246, %max3A_245 : vector<16xi32>
    %swap3A_248 = arith.constant 256 : index
    %swap3A_249 = tpu.vector_load %arg5[%swap3A_248] {strides = array<i32>} : memref<1024xi32, #tpu.memory_space<vmem>>, vector<16xi32>,
    %swap3A_250 = vector.shape_cast %swap3A_249 : vector<16xi32> to vector<16xi32>
    %swap3A_251 = vector.shape_cast %min3A_247 : vector<16xi32> to vector<16xi32>
    tpu.vector_store %arg5[%swap3A_248], %swap3A_251 {strides = array<i32>} : memref<1024xi32, #tpu.memory_space<vmem>>, vector<16xi32>,
    %get3A_252 = arith.constant 272 : index
    %get3A_253 = tpu.vector_load %arg5[%get3A_252] {strides = array<i32>} : memref<1024xi32, #tpu.memory_space<vmem>>, vector<16xi32>,
    %get3A_254 = vector.shape_cast %get3A_253 : vector<16xi32> to vector<16xi32>
    %jit3A_255 = arith.constant 0 : i32
    %jit3A_256 = arith.constant 255 : i32
    %max3A_257 = vector.broadcast %jit3A_255 : i32 to vector<16xi32>
    %max3A_258 = arith.maxsi %max3A_257, %get3A_254 : vector<16xi32>
    %min3A_259 = vector.broadcast %jit3A_256 : i32 to vector<16xi32>
    %min3A_260 = arith.minsi %min3A_259, %max3A_258 : vector<16xi32>
    %swap3A_261 = arith.constant 272 : index
    %swap3A_262 = tpu.vector_load %arg5[%swap3A_261] {strides = array<i32>} : memref<1024xi32, #tpu.memory_space<vmem>>, vector<16xi32>,
    %swap3A_263 = vector.shape_cast %swap3A_262 : vector<16xi32> to vector<16xi32>
    %swap3A_264 = vector.shape_cast %min3A_260 : vector<16xi32> to vector<16xi32>
    tpu.vector_store %arg5[%swap3A_261], %swap3A_264 {strides = array<i32>} : memref<1024xi32, #tpu.memory_space<vmem>>, vector<16xi32>,
    %get3A_265 = arith.constant 288 : index
    %get3A_266 = tpu.vector_load %arg5[%get3A_265] {strides = array<i32>} : memref<1024xi32, #tpu.memory_space<vmem>>, vector<16xi32>,
    %get3A_267 = vector.shape_cast %get3A_266 : vector<16xi32> to vector<16xi32>
    %jit3A_268 = arith.constant 0 : i32
    %jit3A_269 = arith.constant 255 : i32
    %max3A_270 = vector.broadcast %jit3A_268 : i32 to vector<16xi32>
    %max3A_271 = arith.maxsi %max3A_270, %get3A_267 : vector<16xi32>
    %min3A_272 = vector.broadcast %jit3A_269 : i32 to vector<16xi32>
    %min3A_273 = arith.minsi %min3A_272, %max3A_271 : vector<16xi32>
    %swap3A_274 = arith.constant 288 : index
    %swap3A_275 = tpu.vector_load %arg5[%swap3A_274] {strides = array<i32>} : memref<1024xi32, #tpu.memory_space<vmem>>, vector<16xi32>,
    %swap3A_276 = vector.shape_cast %swap3A_275 : vector<16xi32> to vector<16xi32>
    %swap3A_277 = vector.shape_cast %min3A_273 : vector<16xi32> to vector<16xi32>
    tpu.vector_store %arg5[%swap3A_274], %swap3A_277 {strides = array<i32>} : memref<1024xi32, #tpu.memory_space<vmem>>, vector<16xi32>,
    %get3A_278 = arith.constant 304 : index
    %get3A_279 = tpu.vector_load %arg5[%get3A_278] {strides = array<i32>} : memref<1024xi32, #tpu.memory_space<vmem>>, vector<16xi32>,
    %get3A_280 = vector.shape_cast %get3A_279 : vector<16xi32> to vector<16xi32>
    %jit3A_281 = arith.constant 0 : i32
    %jit3A_282 = arith.constant 255 : i32
    %max3A_283 = vector.broadcast %jit3A_281 : i32 to vector<16xi32>
    %max3A_284 = arith.maxsi %max3A_283, %get3A_280 : vector<16xi32>
    %min3A_285 = vector.broadcast %jit3A_282 : i32 to vector<16xi32>
    %min3A_286 = arith.minsi %min3A_285, %max3A_284 : vector<16xi32>
    %swap3A_287 = arith.constant 304 : index
    %swap3A_288 = tpu.vector_load %arg5[%swap3A_287] {strides = array<i32>} : memref<1024xi32, #tpu.memory_space<vmem>>, vector<16xi32>,
    %swap3A_289 = vector.shape_cast %swap3A_288 : vector<16xi32> to vector<16xi32>
    %swap3A_290 = vector.shape_cast %min3A_286 : vector<16xi32> to vector<16xi32>
    tpu.vector_store %arg5[%swap3A_287], %swap3A_290 {strides = array<i32>} : memref<1024xi32, #tpu.memory_space<vmem>>, vector<16xi32>,
    %get3A_291 = arith.constant 320 : index
    %get3A_292 = tpu.vector_load %arg5[%get3A_291] {strides = array<i32>} : memref<1024xi32, #tpu.memory_space<vmem>>, vector<16xi32>,
    %get3A_293 = vector.shape_cast %get3A_292 : vector<16xi32> to vector<16xi32>
    %jit3A_294 = arith.constant 0 : i32
    %jit3A_295 = arith.constant 255 : i32
    %max3A_296 = vector.broadcast %jit3A_294 : i32 to vector<16xi32>
    %max3A_297 = arith.maxsi %max3A_296, %get3A_293 : vector<16xi32>
    %min3A_298 = vector.broadcast %jit3A_295 : i32 to vector<16xi32>
    %min3A_299 = arith.minsi %min3A_298, %max3A_297 : vector<16xi32>
    %swap3A_300 = arith.constant 320 : index
    %swap3A_301 = tpu.vector_load %arg5[%swap3A_300] {strides = array<i32>} : memref<1024xi32, #tpu.memory_space<vmem>>, vector<16xi32>,
    %swap3A_302 = vector.shape_cast %swap3A_301 : vector<16xi32> to vector<16xi32>
    %swap3A_303 = vector.shape_cast %min3A_299 : vector<16xi32> to vector<16xi32>
    tpu.vector_store %arg5[%swap3A_300], %swap3A_303 {strides = array<i32>} : memref<1024xi32, #tpu.memory_space<vmem>>, vector<16xi32>,
    %get3A_304 = arith.constant 336 : index
    %get3A_305 = tpu.vector_load %arg5[%get3A_304] {strides = array<i32>} : memref<1024xi32, #tpu.memory_space<vmem>>, vector<16xi32>,
    %get3A_306 = vector.shape_cast %get3A_305 : vector<16xi32> to vector<16xi32>
    %jit3A_307 = arith.constant 0 : i32
    %jit3A_308 = arith.constant 255 : i32
    %max3A_309 = vector.broadcast %jit3A_307 : i32 to vector<16xi32>
    %max3A_310 = arith.maxsi %max3A_309, %get3A_306 : vector<16xi32>
    %min3A_311 = vector.broadcast %jit3A_308 : i32 to vector<16xi32>
    %min3A_312 = arith.minsi %min3A_311, %max3A_310 : vector<16xi32>
    %swap3A_313 = arith.constant 336 : index
    %swap3A_314 = tpu.vector_load %arg5[%swap3A_313] {strides = array<i32>} : memref<1024xi32, #tpu.memory_space<vmem>>, vector<16xi32>,
    %swap3A_315 = vector.shape_cast %swap3A_314 : vector<16xi32> to vector<16xi32>
    %swap3A_316 = vector.shape_cast %min3A_312 : vector<16xi32> to vector<16xi32>
    tpu.vector_store %arg5[%swap3A_313], %swap3A_316 {strides = array<i32>} : memref<1024xi32, #tpu.memory_space<vmem>>, vector<16xi32>,
    %get3A_317 = arith.constant 352 : index
    %get3A_318 = tpu.vector_load %arg5[%get3A_317] {strides = array<i32>} : memref<1024xi32, #tpu.memory_space<vmem>>, vector<16xi32>,
    %get3A_319 = vector.shape_cast %get3A_318 : vector<16xi32> to vector<16xi32>
    %jit3A_320 = arith.constant 0 : i32
    %jit3A_321 = arith.constant 255 : i32
    %max3A_322 = vector.broadcast %jit3A_320 : i32 to vector<16xi32>
    %max3A_323 = arith.maxsi %max3A_322, %get3A_319 : vector<16xi32>
    %min3A_324 = vector.broadcast %jit3A_321 : i32 to vector<16xi32>
    %min3A_325 = arith.minsi %min3A_324, %max3A_323 : vector<16xi32>
    %swap3A_326 = arith.constant 352 : index
    %swap3A_327 = tpu.vector_load %arg5[%swap3A_326] {strides = array<i32>} : memref<1024xi32, #tpu.memory_space<vmem>>, vector<16xi32>,
    %swap3A_328 = vector.shape_cast %swap3A_327 : vector<16xi32> to vector<16xi32>
    %swap3A_329 = vector.shape_cast %min3A_325 : vector<16xi32> to vector<16xi32>
    tpu.vector_store %arg5[%swap3A_326], %swap3A_329 {strides = array<i32>} : memref<1024xi32, #tpu.memory_space<vmem>>, vector<16xi32>,
    %get3A_330 = arith.constant 368 : index
    %get3A_331 = tpu.vector_load %arg5[%get3A_330] {strides = array<i32>} : memref<1024xi32, #tpu.memory_space<vmem>>, vector<16xi32>,
    %get3A_332 = vector.shape_cast %get3A_331 : vector<16xi32> to vector<16xi32>
    %jit3A_333 = arith.constant 0 : i32
    %jit3A_334 = arith.constant 255 : i32
    %max3A_335 = vector.broadcast %jit3A_333 : i32 to vector<16xi32>
    %max3A_336 = arith.maxsi %max3A_335, %get3A_332 : vector<16xi32>
    %min3A_337 = vector.broadcast %jit3A_334 : i32 to vector<16xi32>
    %min3A_338 = arith.minsi %min3A_337, %max3A_336 : vector<16xi32>
    %swap3A_339 = arith.constant 368 : index
    %swap3A_340 = tpu.vector_load %arg5[%swap3A_339] {strides = array<i32>} : memref<1024xi32, #tpu.memory_space<vmem>>, vector<16xi32>,
    %swap3A_341 = vector.shape_cast %swap3A_340 : vector<16xi32> to vector<16xi32>
    %swap3A_342 = vector.shape_cast %min3A_338 : vector<16xi32> to vector<16xi32>
    tpu.vector_store %arg5[%swap3A_339], %swap3A_342 {strides = array<i32>} : memref<1024xi32, #tpu.memory_space<vmem>>, vector<16xi32>,
    %get3A_343 = arith.constant 384 : index
    %get3A_344 = tpu.vector_load %arg5[%get3A_343] {strides = array<i32>} : memref<1024xi32, #tpu.memory_space<vmem>>, vector<16xi32>,
    %get3A_345 = vector.shape_cast %get3A_344 : vector<16xi32> to vector<16xi32>
    %jit3A_346 = arith.constant 0 : i32
    %jit3A_347 = arith.constant 255 : i32
    %max3A_348 = vector.broadcast %jit3A_346 : i32 to vector<16xi32>
    %max3A_349 = arith.maxsi %max3A_348, %get3A_345 : vector<16xi32>
    %min3A_350 = vector.broadcast %jit3A_347 : i32 to vector<16xi32>
    %min3A_351 = arith.minsi %min3A_350, %max3A_349 : vector<16xi32>
    %swap3A_352 = arith.constant 384 : index
    %swap3A_353 = tpu.vector_load %arg5[%swap3A_352] {strides = array<i32>} : memref<1024xi32, #tpu.memory_space<vmem>>, vector<16xi32>,
    %swap3A_354 = vector.shape_cast %swap3A_353 : vector<16xi32> to vector<16xi32>
    %swap3A_355 = vector.shape_cast %min3A_351 : vector<16xi32> to vector<16xi32>
    tpu.vector_store %arg5[%swap3A_352], %swap3A_355 {strides = array<i32>} : memref<1024xi32, #tpu.memory_space<vmem>>, vector<16xi32>,
    %get3A_356 = arith.constant 400 : index
    %get3A_357 = tpu.vector_load %arg5[%get3A_356] {strides = array<i32>} : memref<1024xi32, #tpu.memory_space<vmem>>, vector<16xi32>,
    %get3A_358 = vector.shape_cast %get3A_357 : vector<16xi32> to vector<16xi32>
    %jit3A_359 = arith.constant 0 : i32
    %jit3A_360 = arith.constant 255 : i32
    %max3A_361 = vector.broadcast %jit3A_359 : i32 to vector<16xi32>
    %max3A_362 = arith.maxsi %max3A_361, %get3A_358 : vector<16xi32>
    %min3A_363 = vector.broadcast %jit3A_360 : i32 to vector<16xi32>
    %min3A_364 = arith.minsi %min3A_363, %max3A_362 : vector<16xi32>
    %swap3A_365 = arith.constant 400 : index
    %swap3A_366 = tpu.vector_load %arg5[%swap3A_365] {strides = array<i32>} : memref<1024xi32, #tpu.memory_space<vmem>>, vector<16xi32>,
    %swap3A_367 = vector.shape_cast %swap3A_366 : vector<16xi32> to vector<16xi32>
    %swap3A_368 = vector.shape_cast %min3A_364 : vector<16xi32> to vector<16xi32>
    tpu.vector_store %arg5[%swap3A_365], %swap3A_368 {strides = array<i32>} : memref<1024xi32, #tpu.memory_space<vmem>>, vector<16xi32>,
    %get3A_369 = arith.constant 416 : index
    %get3A_370 = tpu.vector_load %arg5[%get3A_369] {strides = array<i32>} : memref<1024xi32, #tpu.memory_space<vmem>>, vector<16xi32>,
    %get3A_371 = vector.shape_cast %get3A_370 : vector<16xi32> to vector<16xi32>
    %jit3A_372 = arith.constant 0 : i32
    %jit3A_373 = arith.constant 255 : i32
    %max3A_374 = vector.broadcast %jit3A_372 : i32 to vector<16xi32>
    %max3A_375 = arith.maxsi %max3A_374, %get3A_371 : vector<16xi32>
    %min3A_376 = vector.broadcast %jit3A_373 : i32 to vector<16xi32>
    %min3A_377 = arith.minsi %min3A_376, %max3A_375 : vector<16xi32>
    %swap3A_378 = arith.constant 416 : index
    %swap3A_379 = tpu.vector_load %arg5[%swap3A_378] {strides = array<i32>} : memref<1024xi32, #tpu.memory_space<vmem>>, vector<16xi32>,
    %swap3A_380 = vector.shape_cast %swap3A_379 : vector<16xi32> to vector<16xi32>
    %swap3A_381 = vector.shape_cast %min3A_377 : vector<16xi32> to vector<16xi32>
    tpu.vector_store %arg5[%swap3A_378], %swap3A_381 {strides = array<i32>} : memref<1024xi32, #tpu.memory_space<vmem>>, vector<16xi32>,
    %get3A_382 = arith.constant 432 : index
    %get3A_383 = tpu.vector_load %arg5[%get3A_382] {strides = array<i32>} : memref<1024xi32, #tpu.memory_space<vmem>>, vector<16xi32>,
    %get3A_384 = vector.shape_cast %get3A_383 : vector<16xi32> to vector<16xi32>
    %jit3A_385 = arith.constant 0 : i32
    %jit3A_386 = arith.constant 255 : i32
    %max3A_387 = vector.broadcast %jit3A_385 : i32 to vector<16xi32>
    %max3A_388 = arith.maxsi %max3A_387, %get3A_384 : vector<16xi32>
    %min3A_389 = vector.broadcast %jit3A_386 : i32 to vector<16xi32>
    %min3A_390 = arith.minsi %min3A_389, %max3A_388 : vector<16xi32>
    %swap3A_391 = arith.constant 432 : index
    %swap3A_392 = tpu.vector_load %arg5[%swap3A_391] {strides = array<i32>} : memref<1024xi32, #tpu.memory_space<vmem>>, vector<16xi32>,
    %swap3A_393 = vector.shape_cast %swap3A_392 : vector<16xi32> to vector<16xi32>
    %swap3A_394 = vector.shape_cast %min3A_390 : vector<16xi32> to vector<16xi32>
    tpu.vector_store %arg5[%swap3A_391], %swap3A_394 {strides = array<i32>} : memref<1024xi32, #tpu.memory_space<vmem>>, vector<16xi32>,
    %get3A_395 = arith.constant 448 : index
    %get3A_396 = tpu.vector_load %arg5[%get3A_395] {strides = array<i32>} : memref<1024xi32, #tpu.memory_space<vmem>>, vector<16xi32>,
    %get3A_397 = vector.shape_cast %get3A_396 : vector<16xi32> to vector<16xi32>
    %jit3A_398 = arith.constant 0 : i32
    %jit3A_399 = arith.constant 255 : i32
    %max3A_400 = vector.broadcast %jit3A_398 : i32 to vector<16xi32>
    %max3A_401 = arith.maxsi %max3A_400, %get3A_397 : vector<16xi32>
    %min3A_402 = vector.broadcast %jit3A_399 : i32 to vector<16xi32>
    %min3A_403 = arith.minsi %min3A_402, %max3A_401 : vector<16xi32>
    %swap3A_404 = arith.constant 448 : index
    %swap3A_405 = tpu.vector_load %arg5[%swap3A_404] {strides = array<i32>} : memref<1024xi32, #tpu.memory_space<vmem>>, vector<16xi32>,
    %swap3A_406 = vector.shape_cast %swap3A_405 : vector<16xi32> to vector<16xi32>
    %swap3A_407 = vector.shape_cast %min3A_403 : vector<16xi32> to vector<16xi32>
    tpu.vector_store %arg5[%swap3A_404], %swap3A_407 {strides = array<i32>} : memref<1024xi32, #tpu.memory_space<vmem>>, vector<16xi32>,
    %get3A_408 = arith.constant 464 : index
    %get3A_409 = tpu.vector_load %arg5[%get3A_408] {strides = array<i32>} : memref<1024xi32, #tpu.memory_space<vmem>>, vector<16xi32>,
    %get3A_410 = vector.shape_cast %get3A_409 : vector<16xi32> to vector<16xi32>
    %jit3A_411 = arith.constant 0 : i32
    %jit3A_412 = arith.constant 255 : i32
    %max3A_413 = vector.broadcast %jit3A_411 : i32 to vector<16xi32>
    %max3A_414 = arith.maxsi %max3A_413, %get3A_410 : vector<16xi32>
    %min3A_415 = vector.broadcast %jit3A_412 : i32 to vector<16xi32>
    %min3A_416 = arith.minsi %min3A_415, %max3A_414 : vector<16xi32>
    %swap3A_417 = arith.constant 464 : index
    %swap3A_418 = tpu.vector_load %arg5[%swap3A_417] {strides = array<i32>} : memref<1024xi32, #tpu.memory_space<vmem>>, vector<16xi32>,
    %swap3A_419 = vector.shape_cast %swap3A_418 : vector<16xi32> to vector<16xi32>
    %swap3A_420 = vector.shape_cast %min3A_416 : vector<16xi32> to vector<16xi32>
    tpu.vector_store %arg5[%swap3A_417], %swap3A_420 {strides = array<i32>} : memref<1024xi32, #tpu.memory_space<vmem>>, vector<16xi32>,
    %get3A_421 = arith.constant 480 : index
    %get3A_422 = tpu.vector_load %arg5[%get3A_421] {strides = array<i32>} : memref<1024xi32, #tpu.memory_space<vmem>>, vector<16xi32>,
    %get3A_423 = vector.shape_cast %get3A_422 : vector<16xi32> to vector<16xi32>
    %jit3A_424 = arith.constant 0 : i32
    %jit3A_425 = arith.constant 255 : i32
    %max3A_426 = vector.broadcast %jit3A_424 : i32 to vector<16xi32>
    %max3A_427 = arith.maxsi %max3A_426, %get3A_423 : vector<16xi32>
    %min3A_428 = vector.broadcast %jit3A_425 : i32 to vector<16xi32>
    %min3A_429 = arith.minsi %min3A_428, %max3A_427 : vector<16xi32>
    %swap3A_430 = arith.constant 480 : index
    %swap3A_431 = tpu.vector_load %arg5[%swap3A_430] {strides = array<i32>} : memref<1024xi32, #tpu.memory_space<vmem>>, vector<16xi32>,
    %swap3A_432 = vector.shape_cast %swap3A_431 : vector<16xi32> to vector<16xi32>
    %swap3A_433 = vector.shape_cast %min3A_429 : vector<16xi32> to vector<16xi32>
    tpu.vector_store %arg5[%swap3A_430], %swap3A_433 {strides = array<i32>} : memref<1024xi32, #tpu.memory_space<vmem>>, vector<16xi32>,
    %get3A_434 = arith.constant 496 : index
    %get3A_435 = tpu.vector_load %arg5[%get3A_434] {strides = array<i32>} : memref<1024xi32, #tpu.memory_space<vmem>>, vector<16xi32>,
    %get3A_436 = vector.shape_cast %get3A_435 : vector<16xi32> to vector<16xi32>
    %jit3A_437 = arith.constant 0 : i32
    %jit3A_438 = arith.constant 255 : i32
    %max3A_439 = vector.broadcast %jit3A_437 : i32 to vector<16xi32>
    %max3A_440 = arith.maxsi %max3A_439, %get3A_436 : vector<16xi32>
    %min3A_441 = vector.broadcast %jit3A_438 : i32 to vector<16xi32>
    %min3A_442 = arith.minsi %min3A_441, %max3A_440 : vector<16xi32>
    %swap3A_443 = arith.constant 496 : index
    %swap3A_444 = tpu.vector_load %arg5[%swap3A_443] {strides = array<i32>} : memref<1024xi32, #tpu.memory_space<vmem>>, vector<16xi32>,
    %swap3A_445 = vector.shape_cast %swap3A_444 : vector<16xi32> to vector<16xi32>
    %swap3A_446 = vector.shape_cast %min3A_442 : vector<16xi32> to vector<16xi32>
    tpu.vector_store %arg5[%swap3A_443], %swap3A_446 {strides = array<i32>} : memref<1024xi32, #tpu.memory_space<vmem>>, vector<16xi32>,
    %get3A_447 = arith.constant 512 : index
    %get3A_448 = tpu.vector_load %arg5[%get3A_447] {strides = array<i32>} : memref<1024xi32, #tpu.memory_space<vmem>>, vector<16xi32>,
    %get3A_449 = vector.shape_cast %get3A_448 : vector<16xi32> to vector<16xi32>
    %jit3A_450 = arith.constant 0 : i32
    %jit3A_451 = arith.constant 255 : i32
    %max3A_452 = vector.broadcast %jit3A_450 : i32 to vector<16xi32>
    %max3A_453 = arith.maxsi %max3A_452, %get3A_449 : vector<16xi32>
    %min3A_454 = vector.broadcast %jit3A_451 : i32 to vector<16xi32>
    %min3A_455 = arith.minsi %min3A_454, %max3A_453 : vector<16xi32>
    %swap3A_456 = arith.constant 512 : index
    %swap3A_457 = tpu.vector_load %arg5[%swap3A_456] {strides = array<i32>} : memref<1024xi32, #tpu.memory_space<vmem>>, vector<16xi32>,
    %swap3A_458 = vector.shape_cast %swap3A_457 : vector<16xi32> to vector<16xi32>
    %swap3A_459 = vector.shape_cast %min3A_455 : vector<16xi32> to vector<16xi32>
    tpu.vector_store %arg5[%swap3A_456], %swap3A_459 {strides = array<i32>} : memref<1024xi32, #tpu.memory_space<vmem>>, vector<16xi32>,
    %get3A_460 = arith.constant 528 : index
    %get3A_461 = tpu.vector_load %arg5[%get3A_460] {strides = array<i32>} : memref<1024xi32, #tpu.memory_space<vmem>>, vector<16xi32>,
    %get3A_462 = vector.shape_cast %get3A_461 : vector<16xi32> to vector<16xi32>
    %jit3A_463 = arith.constant 0 : i32
    %jit3A_464 = arith.constant 255 : i32
    %max3A_465 = vector.broadcast %jit3A_463 : i32 to vector<16xi32>
    %max3A_466 = arith.maxsi %max3A_465, %get3A_462 : vector<16xi32>
    %min3A_467 = vector.broadcast %jit3A_464 : i32 to vector<16xi32>
    %min3A_468 = arith.minsi %min3A_467, %max3A_466 : vector<16xi32>
    %swap3A_469 = arith.constant 528 : index
    %swap3A_470 = tpu.vector_load %arg5[%swap3A_469] {strides = array<i32>} : memref<1024xi32, #tpu.memory_space<vmem>>, vector<16xi32>,
    %swap3A_471 = vector.shape_cast %swap3A_470 : vector<16xi32> to vector<16xi32>
    %swap3A_472 = vector.shape_cast %min3A_468 : vector<16xi32> to vector<16xi32>
    tpu.vector_store %arg5[%swap3A_469], %swap3A_472 {strides = array<i32>} : memref<1024xi32, #tpu.memory_space<vmem>>, vector<16xi32>,
    %get3A_473 = arith.constant 544 : index
    %get3A_474 = tpu.vector_load %arg5[%get3A_473] {strides = array<i32>} : memref<1024xi32, #tpu.memory_space<vmem>>, vector<16xi32>,
    %get3A_475 = vector.shape_cast %get3A_474 : vector<16xi32> to vector<16xi32>
    %jit3A_476 = arith.constant 0 : i32
    %jit3A_477 = arith.constant 255 : i32
    %max3A_478 = vector.broadcast %jit3A_476 : i32 to vector<16xi32>
    %max3A_479 = arith.maxsi %max3A_478, %get3A_475 : vector<16xi32>
    %min3A_480 = vector.broadcast %jit3A_477 : i32 to vector<16xi32>
    %min3A_481 = arith.minsi %min3A_480, %max3A_479 : vector<16xi32>
    %swap3A_482 = arith.constant 544 : index
    %swap3A_483 = tpu.vector_load %arg5[%swap3A_482] {strides = array<i32>} : memref<1024xi32, #tpu.memory_space<vmem>>, vector<16xi32>,
    %swap3A_484 = vector.shape_cast %swap3A_483 : vector<16xi32> to vector<16xi32>
    %swap3A_485 = vector.shape_cast %min3A_481 : vector<16xi32> to vector<16xi32>
    tpu.vector_store %arg5[%swap3A_482], %swap3A_485 {strides = array<i32>} : memref<1024xi32, #tpu.memory_space<vmem>>, vector<16xi32>,
    %get3A_486 = arith.constant 560 : index
    %get3A_487 = tpu.vector_load %arg5[%get3A_486] {strides = array<i32>} : memref<1024xi32, #tpu.memory_space<vmem>>, vector<16xi32>,
    %get3A_488 = vector.shape_cast %get3A_487 : vector<16xi32> to vector<16xi32>
    %jit3A_489 = arith.constant 0 : i32
    %jit3A_490 = arith.constant 255 : i32
    %max3A_491 = vector.broadcast %jit3A_489 : i32 to vector<16xi32>
    %max3A_492 = arith.maxsi %max3A_491, %get3A_488 : vector<16xi32>
    %min3A_493 = vector.broadcast %jit3A_490 : i32 to vector<16xi32>
    %min3A_494 = arith.minsi %min3A_493, %max3A_492 : vector<16xi32>
    %swap3A_495 = arith.constant 560 : index
    %swap3A_496 = tpu.vector_load %arg5[%swap3A_495] {strides = array<i32>} : memref<1024xi32, #tpu.memory_space<vmem>>, vector<16xi32>,
    %swap3A_497 = vector.shape_cast %swap3A_496 : vector<16xi32> to vector<16xi32>
    %swap3A_498 = vector.shape_cast %min3A_494 : vector<16xi32> to vector<16xi32>
    tpu.vector_store %arg5[%swap3A_495], %swap3A_498 {strides = array<i32>} : memref<1024xi32, #tpu.memory_space<vmem>>, vector<16xi32>,
    %get3A_499 = arith.constant 576 : index
    %get3A_500 = tpu.vector_load %arg5[%get3A_499] {strides = array<i32>} : memref<1024xi32, #tpu.memory_space<vmem>>, vector<16xi32>,
    %get3A_501 = vector.shape_cast %get3A_500 : vector<16xi32> to vector<16xi32>
    %jit3A_502 = arith.constant 0 : i32
    %jit3A_503 = arith.constant 255 : i32
    %max3A_504 = vector.broadcast %jit3A_502 : i32 to vector<16xi32>
    %max3A_505 = arith.maxsi %max3A_504, %get3A_501 : vector<16xi32>
    %min3A_506 = vector.broadcast %jit3A_503 : i32 to vector<16xi32>
    %min3A_507 = arith.minsi %min3A_506, %max3A_505 : vector<16xi32>
    %swap3A_508 = arith.constant 576 : index
    %swap3A_509 = tpu.vector_load %arg5[%swap3A_508] {strides = array<i32>} : memref<1024xi32, #tpu.memory_space<vmem>>, vector<16xi32>,
    %swap3A_510 = vector.shape_cast %swap3A_509 : vector<16xi32> to vector<16xi32>
    %swap3A_511 = vector.shape_cast %min3A_507 : vector<16xi32> to vector<16xi32>
    tpu.vector_store %arg5[%swap3A_508], %swap3A_511 {strides = array<i32>} : memref<1024xi32, #tpu.memory_space<vmem>>, vector<16xi32>,
    %get3A_512 = arith.constant 592 : index
    %get3A_513 = tpu.vector_load %arg5[%get3A_512] {strides = array<i32>} : memref<1024xi32, #tpu.memory_space<vmem>>, vector<16xi32>,
    %get3A_514 = vector.shape_cast %get3A_513 : vector<16xi32> to vector<16xi32>
    %jit3A_515 = arith.constant 0 : i32
    %jit3A_516 = arith.constant 255 : i32
    %max3A_517 = vector.broadcast %jit3A_515 : i32 to vector<16xi32>
    %max3A_518 = arith.maxsi %max3A_517, %get3A_514 : vector<16xi32>
    %min3A_519 = vector.broadcast %jit3A_516 : i32 to vector<16xi32>
    %min3A_520 = arith.minsi %min3A_519, %max3A_518 : vector<16xi32>
    %swap3A_521 = arith.constant 592 : index
    %swap3A_522 = tpu.vector_load %arg5[%swap3A_521] {strides = array<i32>} : memref<1024xi32, #tpu.memory_space<vmem>>, vector<16xi32>,
    %swap3A_523 = vector.shape_cast %swap3A_522 : vector<16xi32> to vector<16xi32>
    %swap3A_524 = vector.shape_cast %min3A_520 : vector<16xi32> to vector<16xi32>
    tpu.vector_store %arg5[%swap3A_521], %swap3A_524 {strides = array<i32>} : memref<1024xi32, #tpu.memory_space<vmem>>, vector<16xi32>,
    %get3A_525 = arith.constant 608 : index
    %get3A_526 = tpu.vector_load %arg5[%get3A_525] {strides = array<i32>} : memref<1024xi32, #tpu.memory_space<vmem>>, vector<16xi32>,
    %get3A_527 = vector.shape_cast %get3A_526 : vector<16xi32> to vector<16xi32>
    %jit3A_528 = arith.constant 0 : i32
    %jit3A_529 = arith.constant 255 : i32
    %max3A_530 = vector.broadcast %jit3A_528 : i32 to vector<16xi32>
    %max3A_531 = arith.maxsi %max3A_530, %get3A_527 : vector<16xi32>
    %min3A_532 = vector.broadcast %jit3A_529 : i32 to vector<16xi32>
    %min3A_533 = arith.minsi %min3A_532, %max3A_531 : vector<16xi32>
    %swap3A_534 = arith.constant 608 : index
    %swap3A_535 = tpu.vector_load %arg5[%swap3A_534] {strides = array<i32>} : memref<1024xi32, #tpu.memory_space<vmem>>, vector<16xi32>,
    %swap3A_536 = vector.shape_cast %swap3A_535 : vector<16xi32> to vector<16xi32>
    %swap3A_537 = vector.shape_cast %min3A_533 : vector<16xi32> to vector<16xi32>
    tpu.vector_store %arg5[%swap3A_534], %swap3A_537 {strides = array<i32>} : memref<1024xi32, #tpu.memory_space<vmem>>, vector<16xi32>,
    %get3A_538 = arith.constant 624 : index
    %get3A_539 = tpu.vector_load %arg5[%get3A_538] {strides = array<i32>} : memref<1024xi32, #tpu.memory_space<vmem>>, vector<16xi32>,
    %get3A_540 = vector.shape_cast %get3A_539 : vector<16xi32> to vector<16xi32>
    %jit3A_541 = arith.constant 0 : i32
    %jit3A_542 = arith.constant 255 : i32
    %max3A_543 = vector.broadcast %jit3A_541 : i32 to vector<16xi32>
    %max3A_544 = arith.maxsi %max3A_543, %get3A_540 : vector<16xi32>
    %min3A_545 = vector.broadcast %jit3A_542 : i32 to vector<16xi32>
    %min3A_546 = arith.minsi %min3A_545, %max3A_544 : vector<16xi32>
    %swap3A_547 = arith.constant 624 : index
    %swap3A_548 = tpu.vector_load %arg5[%swap3A_547] {strides = array<i32>} : memref<1024xi32, #tpu.memory_space<vmem>>, vector<16xi32>,
    %swap3A_549 = vector.shape_cast %swap3A_548 : vector<16xi32> to vector<16xi32>
    %swap3A_550 = vector.shape_cast %min3A_546 : vector<16xi32> to vector<16xi32>
    tpu.vector_store %arg5[%swap3A_547], %swap3A_550 {strides = array<i32>} : memref<1024xi32, #tpu.memory_space<vmem>>, vector<16xi32>,
    %get3A_551 = arith.constant 640 : index
    %get3A_552 = tpu.vector_load %arg5[%get3A_551] {strides = array<i32>} : memref<1024xi32, #tpu.memory_space<vmem>>, vector<16xi32>,
    %get3A_553 = vector.shape_cast %get3A_552 : vector<16xi32> to vector<16xi32>
    %jit3A_554 = arith.constant 0 : i32
    %jit3A_555 = arith.constant 255 : i32
    %max3A_556 = vector.broadcast %jit3A_554 : i32 to vector<16xi32>
    %max3A_557 = arith.maxsi %max3A_556, %get3A_553 : vector<16xi32>
    %min3A_558 = vector.broadcast %jit3A_555 : i32 to vector<16xi32>
    %min3A_559 = arith.minsi %min3A_558, %max3A_557 : vector<16xi32>
    %swap3A_560 = arith.constant 640 : index
    %swap3A_561 = tpu.vector_load %arg5[%swap3A_560] {strides = array<i32>} : memref<1024xi32, #tpu.memory_space<vmem>>, vector<16xi32>,
    %swap3A_562 = vector.shape_cast %swap3A_561 : vector<16xi32> to vector<16xi32>
    %swap3A_563 = vector.shape_cast %min3A_559 : vector<16xi32> to vector<16xi32>
    tpu.vector_store %arg5[%swap3A_560], %swap3A_563 {strides = array<i32>} : memref<1024xi32, #tpu.memory_space<vmem>>, vector<16xi32>,
    %get3A_564 = arith.constant 656 : index
    %get3A_565 = tpu.vector_load %arg5[%get3A_564] {strides = array<i32>} : memref<1024xi32, #tpu.memory_space<vmem>>, vector<16xi32>,
    %get3A_566 = vector.shape_cast %get3A_565 : vector<16xi32> to vector<16xi32>
    %jit3A_567 = arith.constant 0 : i32
    %jit3A_568 = arith.constant 255 : i32
    %max3A_569 = vector.broadcast %jit3A_567 : i32 to vector<16xi32>
    %max3A_570 = arith.maxsi %max3A_569, %get3A_566 : vector<16xi32>
    %min3A_571 = vector.broadcast %jit3A_568 : i32 to vector<16xi32>
    %min3A_572 = arith.minsi %min3A_571, %max3A_570 : vector<16xi32>
    %swap3A_573 = arith.constant 656 : index
    %swap3A_574 = tpu.vector_load %arg5[%swap3A_573] {strides = array<i32>} : memref<1024xi32, #tpu.memory_space<vmem>>, vector<16xi32>,
    %swap3A_575 = vector.shape_cast %swap3A_574 : vector<16xi32> to vector<16xi32>
    %swap3A_576 = vector.shape_cast %min3A_572 : vector<16xi32> to vector<16xi32>
    tpu.vector_store %arg5[%swap3A_573], %swap3A_576 {strides = array<i32>} : memref<1024xi32, #tpu.memory_space<vmem>>, vector<16xi32>,
    %get3A_577 = arith.constant 672 : index
    %get3A_578 = tpu.vector_load %arg5[%get3A_577] {strides = array<i32>} : memref<1024xi32, #tpu.memory_space<vmem>>, vector<16xi32>,
    %get3A_579 = vector.shape_cast %get3A_578 : vector<16xi32> to vector<16xi32>
    %jit3A_580 = arith.constant 0 : i32
    %jit3A_581 = arith.constant 255 : i32
    %max3A_582 = vector.broadcast %jit3A_580 : i32 to vector<16xi32>
    %max3A_583 = arith.maxsi %max3A_582, %get3A_579 : vector<16xi32>
    %min3A_584 = vector.broadcast %jit3A_581 : i32 to vector<16xi32>
    %min3A_585 = arith.minsi %min3A_584, %max3A_583 : vector<16xi32>
    %swap3A_586 = arith.constant 672 : index
    %swap3A_587 = tpu.vector_load %arg5[%swap3A_586] {strides = array<i32>} : memref<1024xi32, #tpu.memory_space<vmem>>, vector<16xi32>,
    %swap3A_588 = vector.shape_cast %swap3A_587 : vector<16xi32> to vector<16xi32>
    %swap3A_589 = vector.shape_cast %min3A_585 : vector<16xi32> to vector<16xi32>
    tpu.vector_store %arg5[%swap3A_586], %swap3A_589 {strides = array<i32>} : memref<1024xi32, #tpu.memory_space<vmem>>, vector<16xi32>,
    %get3A_590 = arith.constant 688 : index
    %get3A_591 = tpu.vector_load %arg5[%get3A_590] {strides = array<i32>} : memref<1024xi32, #tpu.memory_space<vmem>>, vector<16xi32>,
    %get3A_592 = vector.shape_cast %get3A_591 : vector<16xi32> to vector<16xi32>
    %jit3A_593 = arith.constant 0 : i32
    %jit3A_594 = arith.constant 255 : i32
    %max3A_595 = vector.broadcast %jit3A_593 : i32 to vector<16xi32>
    %max3A_596 = arith.maxsi %max3A_595, %get3A_592 : vector<16xi32>
    %min3A_597 = vector.broadcast %jit3A_594 : i32 to vector<16xi32>
    %min3A_598 = arith.minsi %min3A_597, %max3A_596 : vector<16xi32>
    %swap3A_599 = arith.constant 688 : index
    %swap3A_600 = tpu.vector_load %arg5[%swap3A_599] {strides = array<i32>} : memref<1024xi32, #tpu.memory_space<vmem>>, vector<16xi32>,
    %swap3A_601 = vector.shape_cast %swap3A_600 : vector<16xi32> to vector<16xi32>
    %swap3A_602 = vector.shape_cast %min3A_598 : vector<16xi32> to vector<16xi32>
    tpu.vector_store %arg5[%swap3A_599], %swap3A_602 {strides = array<i32>} : memref<1024xi32, #tpu.memory_space<vmem>>, vector<16xi32>,
    %get3A_603 = arith.constant 704 : index
    %get3A_604 = tpu.vector_load %arg5[%get3A_603] {strides = array<i32>} : memref<1024xi32, #tpu.memory_space<vmem>>, vector<16xi32>,
    %get3A_605 = vector.shape_cast %get3A_604 : vector<16xi32> to vector<16xi32>
    %jit3A_606 = arith.constant 0 : i32
    %jit3A_607 = arith.constant 255 : i32
    %max3A_608 = vector.broadcast %jit3A_606 : i32 to vector<16xi32>
    %max3A_609 = arith.maxsi %max3A_608, %get3A_605 : vector<16xi32>
    %min3A_610 = vector.broadcast %jit3A_607 : i32 to vector<16xi32>
    %min3A_611 = arith.minsi %min3A_610, %max3A_609 : vector<16xi32>
    %swap3A_612 = arith.constant 704 : index
    %swap3A_613 = tpu.vector_load %arg5[%swap3A_612] {strides = array<i32>} : memref<1024xi32, #tpu.memory_space<vmem>>, vector<16xi32>,
    %swap3A_614 = vector.shape_cast %swap3A_613 : vector<16xi32> to vector<16xi32>
    %swap3A_615 = vector.shape_cast %min3A_611 : vector<16xi32> to vector<16xi32>
    tpu.vector_store %arg5[%swap3A_612], %swap3A_615 {strides = array<i32>} : memref<1024xi32, #tpu.memory_space<vmem>>, vector<16xi32>,
    %get3A_616 = arith.constant 720 : index
    %get3A_617 = tpu.vector_load %arg5[%get3A_616] {strides = array<i32>} : memref<1024xi32, #tpu.memory_space<vmem>>, vector<16xi32>,
    %get3A_618 = vector.shape_cast %get3A_617 : vector<16xi32> to vector<16xi32>
    %jit3A_619 = arith.constant 0 : i32
    %jit3A_620 = arith.constant 255 : i32
    %max3A_621 = vector.broadcast %jit3A_619 : i32 to vector<16xi32>
    %max3A_622 = arith.maxsi %max3A_621, %get3A_618 : vector<16xi32>
    %min3A_623 = vector.broadcast %jit3A_620 : i32 to vector<16xi32>
    %min3A_624 = arith.minsi %min3A_623, %max3A_622 : vector<16xi32>
    %swap3A_625 = arith.constant 720 : index
    %swap3A_626 = tpu.vector_load %arg5[%swap3A_625] {strides = array<i32>} : memref<1024xi32, #tpu.memory_space<vmem>>, vector<16xi32>,
    %swap3A_627 = vector.shape_cast %swap3A_626 : vector<16xi32> to vector<16xi32>
    %swap3A_628 = vector.shape_cast %min3A_624 : vector<16xi32> to vector<16xi32>
    tpu.vector_store %arg5[%swap3A_625], %swap3A_628 {strides = array<i32>} : memref<1024xi32, #tpu.memory_space<vmem>>, vector<16xi32>,
    %get3A_629 = arith.constant 736 : index
    %get3A_630 = tpu.vector_load %arg5[%get3A_629] {strides = array<i32>} : memref<1024xi32, #tpu.memory_space<vmem>>, vector<16xi32>,
    %get3A_631 = vector.shape_cast %get3A_630 : vector<16xi32> to vector<16xi32>
    %jit3A_632 = arith.constant 0 : i32
    %jit3A_633 = arith.constant 255 : i32
    %max3A_634 = vector.broadcast %jit3A_632 : i32 to vector<16xi32>
    %max3A_635 = arith.maxsi %max3A_634, %get3A_631 : vector<16xi32>
    %min3A_636 = vector.broadcast %jit3A_633 : i32 to vector<16xi32>
    %min3A_637 = arith.minsi %min3A_636, %max3A_635 : vector<16xi32>
    %swap3A_638 = arith.constant 736 : index
    %swap3A_639 = tpu.vector_load %arg5[%swap3A_638] {strides = array<i32>} : memref<1024xi32, #tpu.memory_space<vmem>>, vector<16xi32>,
    %swap3A_640 = vector.shape_cast %swap3A_639 : vector<16xi32> to vector<16xi32>
    %swap3A_641 = vector.shape_cast %min3A_637 : vector<16xi32> to vector<16xi32>
    tpu.vector_store %arg5[%swap3A_638], %swap3A_641 {strides = array<i32>} : memref<1024xi32, #tpu.memory_space<vmem>>, vector<16xi32>,
    %get3A_642 = arith.constant 752 : index
    %get3A_643 = tpu.vector_load %arg5[%get3A_642] {strides = array<i32>} : memref<1024xi32, #tpu.memory_space<vmem>>, vector<16xi32>,
    %get3A_644 = vector.shape_cast %get3A_643 : vector<16xi32> to vector<16xi32>
    %jit3A_645 = arith.constant 0 : i32
    %jit3A_646 = arith.constant 255 : i32
    %max3A_647 = vector.broadcast %jit3A_645 : i32 to vector<16xi32>
    %max3A_648 = arith.maxsi %max3A_647, %get3A_644 : vector<16xi32>
    %min3A_649 = vector.broadcast %jit3A_646 : i32 to vector<16xi32>
    %min3A_650 = arith.minsi %min3A_649, %max3A_648 : vector<16xi32>
    %swap3A_651 = arith.constant 752 : index
    %swap3A_652 = tpu.vector_load %arg5[%swap3A_651] {strides = array<i32>} : memref<1024xi32, #tpu.memory_space<vmem>>, vector<16xi32>,
    %swap3A_653 = vector.shape_cast %swap3A_652 : vector<16xi32> to vector<16xi32>
    %swap3A_654 = vector.shape_cast %min3A_650 : vector<16xi32> to vector<16xi32>
    tpu.vector_store %arg5[%swap3A_651], %swap3A_654 {strides = array<i32>} : memref<1024xi32, #tpu.memory_space<vmem>>, vector<16xi32>,
    %get3A_655 = arith.constant 768 : index
    %get3A_656 = tpu.vector_load %arg5[%get3A_655] {strides = array<i32>} : memref<1024xi32, #tpu.memory_space<vmem>>, vector<16xi32>,
    %get3A_657 = vector.shape_cast %get3A_656 : vector<16xi32> to vector<16xi32>
    %jit3A_658 = arith.constant 0 : i32
    %jit3A_659 = arith.constant 255 : i32
    %max3A_660 = vector.broadcast %jit3A_658 : i32 to vector<16xi32>
    %max3A_661 = arith.maxsi %max3A_660, %get3A_657 : vector<16xi32>
    %min3A_662 = vector.broadcast %jit3A_659 : i32 to vector<16xi32>
    %min3A_663 = arith.minsi %min3A_662, %max3A_661 : vector<16xi32>
    %swap3A_664 = arith.constant 768 : index
    %swap3A_665 = tpu.vector_load %arg5[%swap3A_664] {strides = array<i32>} : memref<1024xi32, #tpu.memory_space<vmem>>, vector<16xi32>,
    %swap3A_666 = vector.shape_cast %swap3A_665 : vector<16xi32> to vector<16xi32>
    %swap3A_667 = vector.shape_cast %min3A_663 : vector<16xi32> to vector<16xi32>
    tpu.vector_store %arg5[%swap3A_664], %swap3A_667 {strides = array<i32>} : memref<1024xi32, #tpu.memory_space<vmem>>, vector<16xi32>,
    %get3A_668 = arith.constant 784 : index
    %get3A_669 = tpu.vector_load %arg5[%get3A_668] {strides = array<i32>} : memref<1024xi32, #tpu.memory_space<vmem>>, vector<16xi32>,
    %get3A_670 = vector.shape_cast %get3A_669 : vector<16xi32> to vector<16xi32>
    %jit3A_671 = arith.constant 0 : i32
    %jit3A_672 = arith.constant 255 : i32
    %max3A_673 = vector.broadcast %jit3A_671 : i32 to vector<16xi32>
    %max3A_674 = arith.maxsi %max3A_673, %get3A_670 : vector<16xi32>
    %min3A_675 = vector.broadcast %jit3A_672 : i32 to vector<16xi32>
    %min3A_676 = arith.minsi %min3A_675, %max3A_674 : vector<16xi32>
    %swap3A_677 = arith.constant 784 : index
    %swap3A_678 = tpu.vector_load %arg5[%swap3A_677] {strides = array<i32>} : memref<1024xi32, #tpu.memory_space<vmem>>, vector<16xi32>,
    %swap3A_679 = vector.shape_cast %swap3A_678 : vector<16xi32> to vector<16xi32>
    %swap3A_680 = vector.shape_cast %min3A_676 : vector<16xi32> to vector<16xi32>
    tpu.vector_store %arg5[%swap3A_677], %swap3A_680 {strides = array<i32>} : memref<1024xi32, #tpu.memory_space<vmem>>, vector<16xi32>,
    %get3A_681 = arith.constant 800 : index
    %get3A_682 = tpu.vector_load %arg5[%get3A_681] {strides = array<i32>} : memref<1024xi32, #tpu.memory_space<vmem>>, vector<16xi32>,
    %get3A_683 = vector.shape_cast %get3A_682 : vector<16xi32> to vector<16xi32>
    %jit3A_684 = arith.constant 0 : i32
    %jit3A_685 = arith.constant 255 : i32
    %max3A_686 = vector.broadcast %jit3A_684 : i32 to vector<16xi32>
    %max3A_687 = arith.maxsi %max3A_686, %get3A_683 : vector<16xi32>
    %min3A_688 = vector.broadcast %jit3A_685 : i32 to vector<16xi32>
    %min3A_689 = arith.minsi %min3A_688, %max3A_687 : vector<16xi32>
    %swap3A_690 = arith.constant 800 : index
    %swap3A_691 = tpu.vector_load %arg5[%swap3A_690] {strides = array<i32>} : memref<1024xi32, #tpu.memory_space<vmem>>, vector<16xi32>,
    %swap3A_692 = vector.shape_cast %swap3A_691 : vector<16xi32> to vector<16xi32>
    %swap3A_693 = vector.shape_cast %min3A_689 : vector<16xi32> to vector<16xi32>
    tpu.vector_store %arg5[%swap3A_690], %swap3A_693 {strides = array<i32>} : memref<1024xi32, #tpu.memory_space<vmem>>, vector<16xi32>,
    %get3A_694 = arith.constant 816 : index
    %get3A_695 = tpu.vector_load %arg5[%get3A_694] {strides = array<i32>} : memref<1024xi32, #tpu.memory_space<vmem>>, vector<16xi32>,
    %get3A_696 = vector.shape_cast %get3A_695 : vector<16xi32> to vector<16xi32>
    %jit3A_697 = arith.constant 0 : i32
    %jit3A_698 = arith.constant 255 : i32
    %max3A_699 = vector.broadcast %jit3A_697 : i32 to vector<16xi32>
    %max3A_700 = arith.maxsi %max3A_699, %get3A_696 : vector<16xi32>
    %min3A_701 = vector.broadcast %jit3A_698 : i32 to vector<16xi32>
    %min3A_702 = arith.minsi %min3A_701, %max3A_700 : vector<16xi32>
    %swap3A_703 = arith.constant 816 : index
    %swap3A_704 = tpu.vector_load %arg5[%swap3A_703] {strides = array<i32>} : memref<1024xi32, #tpu.memory_space<vmem>>, vector<16xi32>,
    %swap3A_705 = vector.shape_cast %swap3A_704 : vector<16xi32> to vector<16xi32>
    %swap3A_706 = vector.shape_cast %min3A_702 : vector<16xi32> to vector<16xi32>
    tpu.vector_store %arg5[%swap3A_703], %swap3A_706 {strides = array<i32>} : memref<1024xi32, #tpu.memory_space<vmem>>, vector<16xi32>,
    %get3A_707 = arith.constant 832 : index
    %get3A_708 = tpu.vector_load %arg5[%get3A_707] {strides = array<i32>} : memref<1024xi32, #tpu.memory_space<vmem>>, vector<16xi32>,
    %get3A_709 = vector.shape_cast %get3A_708 : vector<16xi32> to vector<16xi32>
    %jit3A_710 = arith.constant 0 : i32
    %jit3A_711 = arith.constant 255 : i32
    %max3A_712 = vector.broadcast %jit3A_710 : i32 to vector<16xi32>
    %max3A_713 = arith.maxsi %max3A_712, %get3A_709 : vector<16xi32>
    %min3A_714 = vector.broadcast %jit3A_711 : i32 to vector<16xi32>
    %min3A_715 = arith.minsi %min3A_714, %max3A_713 : vector<16xi32>
    %swap3A_716 = arith.constant 832 : index
    %swap3A_717 = tpu.vector_load %arg5[%swap3A_716] {strides = array<i32>} : memref<1024xi32, #tpu.memory_space<vmem>>, vector<16xi32>,
    %swap3A_718 = vector.shape_cast %swap3A_717 : vector<16xi32> to vector<16xi32>
    %swap3A_719 = vector.shape_cast %min3A_715 : vector<16xi32> to vector<16xi32>
    tpu.vector_store %arg5[%swap3A_716], %swap3A_719 {strides = array<i32>} : memref<1024xi32, #tpu.memory_space<vmem>>, vector<16xi32>,
    %get3A_720 = arith.constant 848 : index
    %get3A_721 = tpu.vector_load %arg5[%get3A_720] {strides = array<i32>} : memref<1024xi32, #tpu.memory_space<vmem>>, vector<16xi32>,
    %get3A_722 = vector.shape_cast %get3A_721 : vector<16xi32> to vector<16xi32>
    %jit3A_723 = arith.constant 0 : i32
    %jit3A_724 = arith.constant 255 : i32
    %max3A_725 = vector.broadcast %jit3A_723 : i32 to vector<16xi32>
    %max3A_726 = arith.maxsi %max3A_725, %get3A_722 : vector<16xi32>
    %min3A_727 = vector.broadcast %jit3A_724 : i32 to vector<16xi32>
    %min3A_728 = arith.minsi %min3A_727, %max3A_726 : vector<16xi32>
    %swap3A_729 = arith.constant 848 : index
    %swap3A_730 = tpu.vector_load %arg5[%swap3A_729] {strides = array<i32>} : memref<1024xi32, #tpu.memory_space<vmem>>, vector<16xi32>,
    %swap3A_731 = vector.shape_cast %swap3A_730 : vector<16xi32> to vector<16xi32>
    %swap3A_732 = vector.shape_cast %min3A_728 : vector<16xi32> to vector<16xi32>
    tpu.vector_store %arg5[%swap3A_729], %swap3A_732 {strides = array<i32>} : memref<1024xi32, #tpu.memory_space<vmem>>, vector<16xi32>,
    %get3A_733 = arith.constant 864 : index
    %get3A_734 = tpu.vector_load %arg5[%get3A_733] {strides = array<i32>} : memref<1024xi32, #tpu.memory_space<vmem>>, vector<16xi32>,
    %get3A_735 = vector.shape_cast %get3A_734 : vector<16xi32> to vector<16xi32>
    %jit3A_736 = arith.constant 0 : i32
    %jit3A_737 = arith.constant 255 : i32
    %max3A_738 = vector.broadcast %jit3A_736 : i32 to vector<16xi32>
    %max3A_739 = arith.maxsi %max3A_738, %get3A_735 : vector<16xi32>
    %min3A_740 = vector.broadcast %jit3A_737 : i32 to vector<16xi32>
    %min3A_741 = arith.minsi %min3A_740, %max3A_739 : vector<16xi32>
    %swap3A_742 = arith.constant 864 : index
    %swap3A_743 = tpu.vector_load %arg5[%swap3A_742] {strides = array<i32>} : memref<1024xi32, #tpu.memory_space<vmem>>, vector<16xi32>,
    %swap3A_744 = vector.shape_cast %swap3A_743 : vector<16xi32> to vector<16xi32>
    %swap3A_745 = vector.shape_cast %min3A_741 : vector<16xi32> to vector<16xi32>
    tpu.vector_store %arg5[%swap3A_742], %swap3A_745 {strides = array<i32>} : memref<1024xi32, #tpu.memory_space<vmem>>, vector<16xi32>,
    %get3A_746 = arith.constant 880 : index
    %get3A_747 = tpu.vector_load %arg5[%get3A_746] {strides = array<i32>} : memref<1024xi32, #tpu.memory_space<vmem>>, vector<16xi32>,
    %get3A_748 = vector.shape_cast %get3A_747 : vector<16xi32> to vector<16xi32>
    %jit3A_749 = arith.constant 0 : i32
    %jit3A_750 = arith.constant 255 : i32
    %max3A_751 = vector.broadcast %jit3A_749 : i32 to vector<16xi32>
    %max3A_752 = arith.maxsi %max3A_751, %get3A_748 : vector<16xi32>
    %min3A_753 = vector.broadcast %jit3A_750 : i32 to vector<16xi32>
    %min3A_754 = arith.minsi %min3A_753, %max3A_752 : vector<16xi32>
    %swap3A_755 = arith.constant 880 : index
    %swap3A_756 = tpu.vector_load %arg5[%swap3A_755] {strides = array<i32>} : memref<1024xi32, #tpu.memory_space<vmem>>, vector<16xi32>,
    %swap3A_757 = vector.shape_cast %swap3A_756 : vector<16xi32> to vector<16xi32>
    %swap3A_758 = vector.shape_cast %min3A_754 : vector<16xi32> to vector<16xi32>
    tpu.vector_store %arg5[%swap3A_755], %swap3A_758 {strides = array<i32>} : memref<1024xi32, #tpu.memory_space<vmem>>, vector<16xi32>,
    %get3A_759 = arith.constant 896 : index
    %get3A_760 = tpu.vector_load %arg5[%get3A_759] {strides = array<i32>} : memref<1024xi32, #tpu.memory_space<vmem>>, vector<16xi32>,
    %get3A_761 = vector.shape_cast %get3A_760 : vector<16xi32> to vector<16xi32>
    %jit3A_762 = arith.constant 0 : i32
    %jit3A_763 = arith.constant 255 : i32
    %max3A_764 = vector.broadcast %jit3A_762 : i32 to vector<16xi32>
    %max3A_765 = arith.maxsi %max3A_764, %get3A_761 : vector<16xi32>
    %min3A_766 = vector.broadcast %jit3A_763 : i32 to vector<16xi32>
    %min3A_767 = arith.minsi %min3A_766, %max3A_765 : vector<16xi32>
    %swap3A_768 = arith.constant 896 : index
    %swap3A_769 = tpu.vector_load %arg5[%swap3A_768] {strides = array<i32>} : memref<1024xi32, #tpu.memory_space<vmem>>, vector<16xi32>,
    %swap3A_770 = vector.shape_cast %swap3A_769 : vector<16xi32> to vector<16xi32>
    %swap3A_771 = vector.shape_cast %min3A_767 : vector<16xi32> to vector<16xi32>
    tpu.vector_store %arg5[%swap3A_768], %swap3A_771 {strides = array<i32>} : memref<1024xi32, #tpu.memory_space<vmem>>, vector<16xi32>,
    %get3A_772 = arith.constant 912 : index
    %get3A_773 = tpu.vector_load %arg5[%get3A_772] {strides = array<i32>} : memref<1024xi32, #tpu.memory_space<vmem>>, vector<16xi32>,
    %get3A_774 = vector.shape_cast %get3A_773 : vector<16xi32> to vector<16xi32>
    %jit3A_775 = arith.constant 0 : i32
    %jit3A_776 = arith.constant 255 : i32
    %max3A_777 = vector.broadcast %jit3A_775 : i32 to vector<16xi32>
    %max3A_778 = arith.maxsi %max3A_777, %get3A_774 : vector<16xi32>
    %min3A_779 = vector.broadcast %jit3A_776 : i32 to vector<16xi32>
    %min3A_780 = arith.minsi %min3A_779, %max3A_778 : vector<16xi32>
    %swap3A_781 = arith.constant 912 : index
    %swap3A_782 = tpu.vector_load %arg5[%swap3A_781] {strides = array<i32>} : memref<1024xi32, #tpu.memory_space<vmem>>, vector<16xi32>,
    %swap3A_783 = vector.shape_cast %swap3A_782 : vector<16xi32> to vector<16xi32>
    %swap3A_784 = vector.shape_cast %min3A_780 : vector<16xi32> to vector<16xi32>
    tpu.vector_store %arg5[%swap3A_781], %swap3A_784 {strides = array<i32>} : memref<1024xi32, #tpu.memory_space<vmem>>, vector<16xi32>,
    %get3A_785 = arith.constant 928 : index
    %get3A_786 = tpu.vector_load %arg5[%get3A_785] {strides = array<i32>} : memref<1024xi32, #tpu.memory_space<vmem>>, vector<16xi32>,
    %get3A_787 = vector.shape_cast %get3A_786 : vector<16xi32> to vector<16xi32>
    %jit3A_788 = arith.constant 0 : i32
    %jit3A_789 = arith.constant 255 : i32
    %max3A_790 = vector.broadcast %jit3A_788 : i32 to vector<16xi32>
    %max3A_791 = arith.maxsi %max3A_790, %get3A_787 : vector<16xi32>
    %min3A_792 = vector.broadcast %jit3A_789 : i32 to vector<16xi32>
    %min3A_793 = arith.minsi %min3A_792, %max3A_791 : vector<16xi32>
    %swap3A_794 = arith.constant 928 : index
    %swap3A_795 = tpu.vector_load %arg5[%swap3A_794] {strides = array<i32>} : memref<1024xi32, #tpu.memory_space<vmem>>, vector<16xi32>,
    %swap3A_796 = vector.shape_cast %swap3A_795 : vector<16xi32> to vector<16xi32>
    %swap3A_797 = vector.shape_cast %min3A_793 : vector<16xi32> to vector<16xi32>
    tpu.vector_store %arg5[%swap3A_794], %swap3A_797 {strides = array<i32>} : memref<1024xi32, #tpu.memory_space<vmem>>, vector<16xi32>,
    %get3A_798 = arith.constant 944 : index
    %get3A_799 = tpu.vector_load %arg5[%get3A_798] {strides = array<i32>} : memref<1024xi32, #tpu.memory_space<vmem>>, vector<16xi32>,
    %get3A_800 = vector.shape_cast %get3A_799 : vector<16xi32> to vector<16xi32>
    %jit3A_801 = arith.constant 0 : i32
    %jit3A_802 = arith.constant 255 : i32
    %max3A_803 = vector.broadcast %jit3A_801 : i32 to vector<16xi32>
    %max3A_804 = arith.maxsi %max3A_803, %get3A_800 : vector<16xi32>
    %min3A_805 = vector.broadcast %jit3A_802 : i32 to vector<16xi32>
    %min3A_806 = arith.minsi %min3A_805, %max3A_804 : vector<16xi32>
    %swap3A_807 = arith.constant 944 : index
    %swap3A_808 = tpu.vector_load %arg5[%swap3A_807] {strides = array<i32>} : memref<1024xi32, #tpu.memory_space<vmem>>, vector<16xi32>,
    %swap3A_809 = vector.shape_cast %swap3A_808 : vector<16xi32> to vector<16xi32>
    %swap3A_810 = vector.shape_cast %min3A_806 : vector<16xi32> to vector<16xi32>
    tpu.vector_store %arg5[%swap3A_807], %swap3A_810 {strides = array<i32>} : memref<1024xi32, #tpu.memory_space<vmem>>, vector<16xi32>,
    %get3A_811 = arith.constant 960 : index
    %get3A_812 = tpu.vector_load %arg5[%get3A_811] {strides = array<i32>} : memref<1024xi32, #tpu.memory_space<vmem>>, vector<16xi32>,
    %get3A_813 = vector.shape_cast %get3A_812 : vector<16xi32> to vector<16xi32>
    %jit3A_814 = arith.constant 0 : i32
    %jit3A_815 = arith.constant 255 : i32
    %max3A_816 = vector.broadcast %jit3A_814 : i32 to vector<16xi32>
    %max3A_817 = arith.maxsi %max3A_816, %get3A_813 : vector<16xi32>
    %min3A_818 = vector.broadcast %jit3A_815 : i32 to vector<16xi32>
    %min3A_819 = arith.minsi %min3A_818, %max3A_817 : vector<16xi32>
    %swap3A_820 = arith.constant 960 : index
    %swap3A_821 = tpu.vector_load %arg5[%swap3A_820] {strides = array<i32>} : memref<1024xi32, #tpu.memory_space<vmem>>, vector<16xi32>,
    %swap3A_822 = vector.shape_cast %swap3A_821 : vector<16xi32> to vector<16xi32>
    %swap3A_823 = vector.shape_cast %min3A_819 : vector<16xi32> to vector<16xi32>
    tpu.vector_store %arg5[%swap3A_820], %swap3A_823 {strides = array<i32>} : memref<1024xi32, #tpu.memory_space<vmem>>, vector<16xi32>,
    %get3A_824 = arith.constant 976 : index
    %get3A_825 = tpu.vector_load %arg5[%get3A_824] {strides = array<i32>} : memref<1024xi32, #tpu.memory_space<vmem>>, vector<16xi32>,
    %get3A_826 = vector.shape_cast %get3A_825 : vector<16xi32> to vector<16xi32>
    %jit3A_827 = arith.constant 0 : i32
    %jit3A_828 = arith.constant 255 : i32
    %max3A_829 = vector.broadcast %jit3A_827 : i32 to vector<16xi32>
    %max3A_830 = arith.maxsi %max3A_829, %get3A_826 : vector<16xi32>
    %min3A_831 = vector.broadcast %jit3A_828 : i32 to vector<16xi32>
    %min3A_832 = arith.minsi %min3A_831, %max3A_830 : vector<16xi32>
    %swap3A_833 = arith.constant 976 : index
    %swap3A_834 = tpu.vector_load %arg5[%swap3A_833] {strides = array<i32>} : memref<1024xi32, #tpu.memory_space<vmem>>, vector<16xi32>,
    %swap3A_835 = vector.shape_cast %swap3A_834 : vector<16xi32> to vector<16xi32>
    %swap3A_836 = vector.shape_cast %min3A_832 : vector<16xi32> to vector<16xi32>
    tpu.vector_store %arg5[%swap3A_833], %swap3A_836 {strides = array<i32>} : memref<1024xi32, #tpu.memory_space<vmem>>, vector<16xi32>,
    %get3A_837 = arith.constant 992 : index
    %get3A_838 = tpu.vector_load %arg5[%get3A_837] {strides = array<i32>} : memref<1024xi32, #tpu.memory_space<vmem>>, vector<16xi32>,
    %get3A_839 = vector.shape_cast %get3A_838 : vector<16xi32> to vector<16xi32>
    %jit3A_840 = arith.constant 0 : i32
    %jit3A_841 = arith.constant 255 : i32
    %max3A_842 = vector.broadcast %jit3A_840 : i32 to vector<16xi32>
    %max3A_843 = arith.maxsi %max3A_842, %get3A_839 : vector<16xi32>
    %min3A_844 = vector.broadcast %jit3A_841 : i32 to vector<16xi32>
    %min3A_845 = arith.minsi %min3A_844, %max3A_843 : vector<16xi32>
    %swap3A_846 = arith.constant 992 : index
    %swap3A_847 = tpu.vector_load %arg5[%swap3A_846] {strides = array<i32>} : memref<1024xi32, #tpu.memory_space<vmem>>, vector<16xi32>,
    %swap3A_848 = vector.shape_cast %swap3A_847 : vector<16xi32> to vector<16xi32>
    %swap3A_849 = vector.shape_cast %min3A_845 : vector<16xi32> to vector<16xi32>
    tpu.vector_store %arg5[%swap3A_846], %swap3A_849 {strides = array<i32>} : memref<1024xi32, #tpu.memory_space<vmem>>, vector<16xi32>,
    %get3A_850 = arith.constant 1008 : index
    %get3A_851 = tpu.vector_load %arg5[%get3A_850] {strides = array<i32>} : memref<1024xi32, #tpu.memory_space<vmem>>, vector<16xi32>,
    %get3A_852 = vector.shape_cast %get3A_851 : vector<16xi32> to vector<16xi32>
    %jit3A_853 = arith.constant 0 : i32
    %jit3A_854 = arith.constant 255 : i32
    %max3A_855 = vector.broadcast %jit3A_853 : i32 to vector<16xi32>
    %max3A_856 = arith.maxsi %max3A_855, %get3A_852 : vector<16xi32>
    %min3A_857 = vector.broadcast %jit3A_854 : i32 to vector<16xi32>
    %min3A_858 = arith.minsi %min3A_857, %max3A_856 : vector<16xi32>
    %swap3A_859 = arith.constant 1008 : index
    %swap3A_860 = tpu.vector_load %arg5[%swap3A_859] {strides = array<i32>} : memref<1024xi32, #tpu.memory_space<vmem>>, vector<16xi32>,
    %swap3A_861 = vector.shape_cast %swap3A_860 : vector<16xi32> to vector<16xi32>
    %swap3A_862 = vector.shape_cast %min3A_858 : vector<16xi32> to vector<16xi32>
    tpu.vector_store %arg5[%swap3A_859], %swap3A_862 {strides = array<i32>} : memref<1024xi32, #tpu.memory_space<vmem>>, vector<16xi32>,
    %dma_start3A = arith.constant 0 : i32
    %dma_start3A_863 = arith.constant 0 : i32
    %dma_start3A_864 = arith.constant 0 : i32
    %dma_start3A_865 = tpu.memref_slice %arg6[%dma_start3A, %dma_start3A_863, %dma_start3A_864] : memref<2x128x384xf32, #tpu.memory_space<vmem>> -> memref<1x128x384xf32, #tpu.memory_space<vmem>>
    %dma_start3A_866 = tpu.memref_squeeze %dma_start3A_865 : memref<1x128x384xf32, #tpu.memory_space<vmem>> -> memref<128x384xf32, #tpu.memory_space<vmem>>
    %dma_start3A_867 = arith.constant 0 : i32
    %dma_start3A_868 = tpu.memref_slice %arg5[%dma_start3A_867] : memref<1024xi32, #tpu.memory_space<vmem>> -> memref<128xi32, #tpu.memory_space<vmem>>
    %dma_start3A_869 = arith.constant 0 : i32
    %dma_start3A_870 = arith.constant 0 : i32
    %dma_start3A_871 = tpu.memref_slice %arg3[%dma_start3A_869, %dma_start3A_870] : memref<256x384xf32, #tpu.memory_space<hbm>> -> memref<256x384xf32, #tpu.memory_space<hbm>>
    tpu.enqueue_indirect_dma source(%dma_start3A_871 : memref<256x384xf32, #tpu.memory_space<hbm>>) target(%dma_start3A_866 : memref<128x384xf32, #tpu.memory_space<vmem>>) offsets(%dma_start3A_868 : memref<128xi32, #tpu.memory_space<vmem>>) semaphore(%arg7 : memref<!tpu.dma_semaphore, #tpu.memory_space<semaphore_mem>>)
    %dma_wait3A = arith.constant 0 : i32
    %dma_wait3A_872 = arith.constant 0 : i32
    %dma_wait3A_873 = arith.constant 0 : i32
    %dma_wait3A_874 = tpu.memref_slice %arg6[%dma_wait3A, %dma_wait3A_872, %dma_wait3A_873] : memref<2x128x384xf32, #tpu.memory_space<vmem>> -> memref<1x128x384xf32, #tpu.memory_space<vmem>>
    %dma_wait3A_875 = tpu.memref_squeeze %dma_wait3A_874 : memref<1x128x384xf32, #tpu.memory_space<vmem>> -> memref<128x384xf32, #tpu.memory_space<vmem>>
    %dma_wait3A_876 = arith.constant 0 : i32
    %dma_wait3A_877 = tpu.memref_slice %arg5[%dma_wait3A_876] : memref<1024xi32, #tpu.memory_space<vmem>> -> memref<128xi32, #tpu.memory_space<vmem>>
    %dma_wait3A_878 = arith.constant 0 : i32
    %dma_wait3A_879 = arith.constant 0 : i32
    %dma_wait3A_880 = tpu.memref_slice %arg3[%dma_wait3A_878, %dma_wait3A_879] : memref<256x384xf32, #tpu.memory_space<hbm>> -> memref<256x384xf32, #tpu.memory_space<hbm>>
    tpu.wait_indirect_dma semaphore(%arg7 : memref<!tpu.dma_semaphore, #tpu.memory_space<semaphore_mem>>) src(%dma_wait3A_880 : memref<256x384xf32, #tpu.memory_space<hbm>>) dst(%dma_wait3A_875 : memref<128x384xf32, #tpu.memory_space<vmem>>)
    %add3A_881 = arith.constant 0 : i32
    %add3A_882 = arith.addi %mul3A_32, %add3A_881 : i32
    %dma_start3A_883 = arith.constant 0 : i32
    %dma_start3A_884 = arith.constant 0 : i32
    %dma_start3A_885 = arith.constant 0 : i32
    %dma_start3A_886 = tpu.memref_slice %arg6[%dma_start3A_883, %dma_start3A_884, %dma_start3A_885] : memref<2x128x384xf32, #tpu.memory_space<vmem>> -> memref<1x128x384xf32, #tpu.memory_space<vmem>>
    %dma_start3A_887 = tpu.memref_squeeze %dma_start3A_886 : memref<1x128x384xf32, #tpu.memory_space<vmem>> -> memref<128x384xf32, #tpu.memory_space<vmem>>
    %dma_start3A_888 = arith.constant 0 : i32
    %dma_start3A_889 = tpu.memref_slice %arg4[%select_n3A, %add3A_882, %dma_start3A_888] : memref<4x8192x384xf32, #tpu.memory_space<hbm>> -> memref<1x128x384xf32, #tpu.memory_space<hbm>>
    %dma_start3A_890 = tpu.memref_squeeze %dma_start3A_889 : memref<1x128x384xf32, #tpu.memory_space<hbm>> -> memref<128x384xf32, #tpu.memory_space<hbm>>
    %dma_start3A_891 = arith.constant 0 : i32
    %dma_start3A_892 = tpu.memref_slice %arg4[%select_n3A, %add3A_882, %dma_start3A_891] : memref<4x8192x384xf32, #tpu.memory_space<hbm>> -> memref<1x128x384xf32, #tpu.memory_space<hbm>>
    %dma_start3A_893 = tpu.memref_squeeze %dma_start3A_892 : memref<1x128x384xf32, #tpu.memory_space<hbm>> -> memref<128x384xf32, #tpu.memory_space<hbm>>
    %dma_start3A_894 = arith.constant 0 : i32
    %dma_start3A_895 = arith.constant 0 : i32
    %dma_start3A_896 = tpu.memref_slice %arg6[%dma_start3A_883, %dma_start3A_894, %dma_start3A_895] : memref<2x128x384xf32, #tpu.memory_space<vmem>> -> memref<1x128x384xf32, #tpu.memory_space<vmem>>
    %dma_start3A_897 = tpu.memref_squeeze %dma_start3A_896 : memref<1x128x384xf32, #tpu.memory_space<vmem>> -> memref<128x384xf32, #tpu.memory_space<vmem>>
    tpu.enqueue_dma source(%dma_start3A_897 : memref<128x384xf32, #tpu.memory_space<vmem>>) target(%dma_start3A_893 : memref<128x384xf32, #tpu.memory_space<hbm>>) target_semaphore(%arg9 : memref<!tpu.dma_semaphore, #tpu.memory_space<semaphore_mem>>)
    %dma_start3A_898 = arith.constant 1 : i32
    %dma_start3A_899 = arith.constant 0 : i32
    %dma_start3A_900 = arith.constant 0 : i32
    %dma_start3A_901 = tpu.memref_slice %arg6[%dma_start3A_898, %dma_start3A_899, %dma_start3A_900] : memref<2x128x384xf32, #tpu.memory_space<vmem>> -> memref<1x128x384xf32, #tpu.memory_space<vmem>>
    %dma_start3A_902 = tpu.memref_squeeze %dma_start3A_901 : memref<1x128x384xf32, #tpu.memory_space<vmem>> -> memref<128x384xf32, #tpu.memory_space<vmem>>
    %dma_start3A_903 = arith.constant 128 : i32
    %dma_start3A_904 = tpu.memref_slice %arg5[%dma_start3A_903] : memref<1024xi32, #tpu.memory_space<vmem>> -> memref<128xi32, #tpu.memory_space<vmem>>
    %dma_start3A_905 = arith.constant 0 : i32
    %dma_start3A_906 = arith.constant 0 : i32
    %dma_start3A_907 = tpu.memref_slice %arg3[%dma_start3A_905, %dma_start3A_906] : memref<256x384xf32, #tpu.memory_space<hbm>> -> memref<256x384xf32, #tpu.memory_space<hbm>>
    tpu.enqueue_indirect_dma source(%dma_start3A_907 : memref<256x384xf32, #tpu.memory_space<hbm>>) target(%dma_start3A_902 : memref<128x384xf32, #tpu.memory_space<vmem>>) offsets(%dma_start3A_904 : memref<128xi32, #tpu.memory_space<vmem>>) semaphore(%arg8 : memref<!tpu.dma_semaphore, #tpu.memory_space<semaphore_mem>>)
    %dma_wait3A_908 = arith.constant 1 : i32
    %dma_wait3A_909 = arith.constant 0 : i32
    %dma_wait3A_910 = arith.constant 0 : i32
    %dma_wait3A_911 = tpu.memref_slice %arg6[%dma_wait3A_908, %dma_wait3A_909, %dma_wait3A_910] : memref<2x128x384xf32, #tpu.memory_space<vmem>> -> memref<1x128x384xf32, #tpu.memory_space<vmem>>
    %dma_wait3A_912 = tpu.memref_squeeze %dma_wait3A_911 : memref<1x128x384xf32, #tpu.memory_space<vmem>> -> memref<128x384xf32, #tpu.memory_space<vmem>>
    %dma_wait3A_913 = arith.constant 128 : i32
    %dma_wait3A_914 = tpu.memref_slice %arg5[%dma_wait3A_913] : memref<1024xi32, #tpu.memory_space<vmem>> -> memref<128xi32, #tpu.memory_space<vmem>>
    %dma_wait3A_915 = arith.constant 0 : i32
    %dma_wait3A_916 = arith.constant 0 : i32
    %dma_wait3A_917 = tpu.memref_slice %arg3[%dma_wait3A_915, %dma_wait3A_916] : memref<256x384xf32, #tpu.memory_space<hbm>> -> memref<256x384xf32, #tpu.memory_space<hbm>>
    tpu.wait_indirect_dma semaphore(%arg8 : memref<!tpu.dma_semaphore, #tpu.memory_space<semaphore_mem>>) src(%dma_wait3A_917 : memref<256x384xf32, #tpu.memory_space<hbm>>) dst(%dma_wait3A_912 : memref<128x384xf32, #tpu.memory_space<vmem>>)
    %add3A_918 = arith.constant 128 : i32
    %add3A_919 = arith.addi %mul3A_32, %add3A_918 : i32
    %dma_start3A_920 = arith.constant 1 : i32
    %dma_start3A_921 = arith.constant 0 : i32
    %dma_start3A_922 = arith.constant 0 : i32
    %dma_start3A_923 = tpu.memref_slice %arg6[%dma_start3A_920, %dma_start3A_921, %dma_start3A_922] : memref<2x128x384xf32, #tpu.memory_space<vmem>> -> memref<1x128x384xf32, #tpu.memory_space<vmem>>
    %dma_start3A_924 = tpu.memref_squeeze %dma_start3A_923 : memref<1x128x384xf32, #tpu.memory_space<vmem>> -> memref<128x384xf32, #tpu.memory_space<vmem>>
    %dma_start3A_925 = arith.constant 0 : i32
    %dma_start3A_926 = tpu.memref_slice %arg4[%select_n3A, %add3A_919, %dma_start3A_925] : memref<4x8192x384xf32, #tpu.memory_space<hbm>> -> memref<1x128x384xf32, #tpu.memory_space<hbm>>
    %dma_start3A_927 = tpu.memref_squeeze %dma_start3A_926 : memref<1x128x384xf32, #tpu.memory_space<hbm>> -> memref<128x384xf32, #tpu.memory_space<hbm>>
    %dma_start3A_928 = arith.constant 0 : i32
    %dma_start3A_929 = tpu.memref_slice %arg4[%select_n3A, %add3A_919, %dma_start3A_928] : memref<4x8192x384xf32, #tpu.memory_space<hbm>> -> memref<1x128x384xf32, #tpu.memory_space<hbm>>
    %dma_start3A_930 = tpu.memref_squeeze %dma_start3A_929 : memref<1x128x384xf32, #tpu.memory_space<hbm>> -> memref<128x384xf32, #tpu.memory_space<hbm>>
    %dma_start3A_931 = arith.constant 0 : i32
    %dma_start3A_932 = arith.constant 0 : i32
    %dma_start3A_933 = tpu.memref_slice %arg6[%dma_start3A_920, %dma_start3A_931, %dma_start3A_932] : memref<2x128x384xf32, #tpu.memory_space<vmem>> -> memref<1x128x384xf32, #tpu.memory_space<vmem>>
    %dma_start3A_934 = tpu.memref_squeeze %dma_start3A_933 : memref<1x128x384xf32, #tpu.memory_space<vmem>> -> memref<128x384xf32, #tpu.memory_space<vmem>>
    tpu.enqueue_dma source(%dma_start3A_934 : memref<128x384xf32, #tpu.memory_space<vmem>>) target(%dma_start3A_930 : memref<128x384xf32, #tpu.memory_space<hbm>>) target_semaphore(%arg10 : memref<!tpu.dma_semaphore, #tpu.memory_space<semaphore_mem>>)
    %dma_wait3A_935 = arith.constant 0 : i32
    %dma_wait3A_936 = arith.constant 0 : i32
    %dma_wait3A_937 = arith.constant 0 : i32
    %dma_wait3A_938 = tpu.memref_slice %arg6[%dma_wait3A_935, %dma_wait3A_936, %dma_wait3A_937] : memref<2x128x384xf32, #tpu.memory_space<vmem>> -> memref<1x128x384xf32, #tpu.memory_space<vmem>>
    %dma_wait3A_939 = tpu.memref_squeeze %dma_wait3A_938 : memref<1x128x384xf32, #tpu.memory_space<vmem>> -> memref<128x384xf32, #tpu.memory_space<vmem>>
    %dma_wait3A_940 = arith.constant 0 : i32
    %dma_wait3A_941 = tpu.memref_slice %arg4[%select_n3A, %add3A_882, %dma_wait3A_940] : memref<4x8192x384xf32, #tpu.memory_space<hbm>> -> memref<1x128x384xf32, #tpu.memory_space<hbm>>
    %dma_wait3A_942 = tpu.memref_squeeze %dma_wait3A_941 : memref<1x128x384xf32, #tpu.memory_space<hbm>> -> memref<128x384xf32, #tpu.memory_space<hbm>>
    %dma_wait3A_943 = arith.constant 0 : i32
    %dma_wait3A_944 = tpu.memref_slice %arg4[%select_n3A, %add3A_882, %dma_wait3A_943] : memref<4x8192x384xf32, #tpu.memory_space<hbm>> -> memref<1x128x384xf32, #tpu.memory_space<hbm>>
    %dma_wait3A_945 = tpu.memref_squeeze %dma_wait3A_944 : memref<1x128x384xf32, #tpu.memory_space<hbm>> -> memref<128x384xf32, #tpu.memory_space<hbm>>
    %dma_wait3A_946 = arith.constant 0 : i32
    %dma_wait3A_947 = arith.constant 0 : i32
    %dma_wait3A_948 = tpu.memref_slice %arg6[%dma_wait3A_935, %dma_wait3A_946, %dma_wait3A_947] : memref<2x128x384xf32, #tpu.memory_space<vmem>> -> memref<1x128x384xf32, #tpu.memory_space<vmem>>
    %dma_wait3A_949 = tpu.memref_squeeze %dma_wait3A_948 : memref<1x128x384xf32, #tpu.memory_space<vmem>> -> memref<128x384xf32, #tpu.memory_space<vmem>>
    tpu.wait_dma2 semaphore(%arg9 : memref<!tpu.dma_semaphore, #tpu.memory_space<semaphore_mem>>) src(%dma_wait3A_949 : memref<128x384xf32, #tpu.memory_space<vmem>>) dst(%dma_wait3A_945 : memref<128x384xf32, #tpu.memory_space<hbm>>)
    %dma_start3A_950 = arith.constant 0 : i32
    %dma_start3A_951 = arith.constant 0 : i32
    %dma_start3A_952 = arith.constant 0 : i32
    %dma_start3A_953 = tpu.memref_slice %arg6[%dma_start3A_950, %dma_start3A_951, %dma_start3A_952] : memref<2x128x384xf32, #tpu.memory_space<vmem>> -> memref<1x128x384xf32, #tpu.memory_space<vmem>>
    %dma_start3A_954 = tpu.memref_squeeze %dma_start3A_953 : memref<1x128x384xf32, #tpu.memory_space<vmem>> -> memref<128x384xf32, #tpu.memory_space<vmem>>
    %dma_start3A_955 = arith.constant 256 : i32
    %dma_start3A_956 = tpu.memref_slice %arg5[%dma_start3A_955] : memref<1024xi32, #tpu.memory_space<vmem>> -> memref<128xi32, #tpu.memory_space<vmem>>
    %dma_start3A_957 = arith.constant 0 : i32
    %dma_start3A_958 = arith.constant 0 : i32
    %dma_start3A_959 = tpu.memref_slice %arg3[%dma_start3A_957, %dma_start3A_958] : memref<256x384xf32, #tpu.memory_space<hbm>> -> memref<256x384xf32, #tpu.memory_space<hbm>>
    tpu.enqueue_indirect_dma source(%dma_start3A_959 : memref<256x384xf32, #tpu.memory_space<hbm>>) target(%dma_start3A_954 : memref<128x384xf32, #tpu.memory_space<vmem>>) offsets(%dma_start3A_956 : memref<128xi32, #tpu.memory_space<vmem>>) semaphore(%arg7 : memref<!tpu.dma_semaphore, #tpu.memory_space<semaphore_mem>>)
    %dma_wait3A_960 = arith.constant 0 : i32
    %dma_wait3A_961 = arith.constant 0 : i32
    %dma_wait3A_962 = arith.constant 0 : i32
    %dma_wait3A_963 = tpu.memref_slice %arg6[%dma_wait3A_960, %dma_wait3A_961, %dma_wait3A_962] : memref<2x128x384xf32, #tpu.memory_space<vmem>> -> memref<1x128x384xf32, #tpu.memory_space<vmem>>
    %dma_wait3A_964 = tpu.memref_squeeze %dma_wait3A_963 : memref<1x128x384xf32, #tpu.memory_space<vmem>> -> memref<128x384xf32, #tpu.memory_space<vmem>>
    %dma_wait3A_965 = arith.constant 256 : i32
    %dma_wait3A_966 = tpu.memref_slice %arg5[%dma_wait3A_965] : memref<1024xi32, #tpu.memory_space<vmem>> -> memref<128xi32, #tpu.memory_space<vmem>>
    %dma_wait3A_967 = arith.constant 0 : i32
    %dma_wait3A_968 = arith.constant 0 : i32
    %dma_wait3A_969 = tpu.memref_slice %arg3[%dma_wait3A_967, %dma_wait3A_968] : memref<256x384xf32, #tpu.memory_space<hbm>> -> memref<256x384xf32, #tpu.memory_space<hbm>>
    tpu.wait_indirect_dma semaphore(%arg7 : memref<!tpu.dma_semaphore, #tpu.memory_space<semaphore_mem>>) src(%dma_wait3A_969 : memref<256x384xf32, #tpu.memory_space<hbm>>) dst(%dma_wait3A_964 : memref<128x384xf32, #tpu.memory_space<vmem>>)
    %add3A_970 = arith.constant 256 : i32
    %add3A_971 = arith.addi %mul3A_32, %add3A_970 : i32
    %dma_start3A_972 = arith.constant 0 : i32
    %dma_start3A_973 = arith.constant 0 : i32
    %dma_start3A_974 = arith.constant 0 : i32
    %dma_start3A_975 = tpu.memref_slice %arg6[%dma_start3A_972, %dma_start3A_973, %dma_start3A_974] : memref<2x128x384xf32, #tpu.memory_space<vmem>> -> memref<1x128x384xf32, #tpu.memory_space<vmem>>
    %dma_start3A_976 = tpu.memref_squeeze %dma_start3A_975 : memref<1x128x384xf32, #tpu.memory_space<vmem>> -> memref<128x384xf32, #tpu.memory_space<vmem>>
    %dma_start3A_977 = arith.constant 0 : i32
    %dma_start3A_978 = tpu.memref_slice %arg4[%select_n3A, %add3A_971, %dma_start3A_977] : memref<4x8192x384xf32, #tpu.memory_space<hbm>> -> memref<1x128x384xf32, #tpu.memory_space<hbm>>
    %dma_start3A_979 = tpu.memref_squeeze %dma_start3A_978 : memref<1x128x384xf32, #tpu.memory_space<hbm>> -> memref<128x384xf32, #tpu.memory_space<hbm>>
    %dma_start3A_980 = arith.constant 0 : i32
    %dma_start3A_981 = tpu.memref_slice %arg4[%select_n3A, %add3A_971, %dma_start3A_980] : memref<4x8192x384xf32, #tpu.memory_space<hbm>> -> memref<1x128x384xf32, #tpu.memory_space<hbm>>
    %dma_start3A_982 = tpu.memref_squeeze %dma_start3A_981 : memref<1x128x384xf32, #tpu.memory_space<hbm>> -> memref<128x384xf32, #tpu.memory_space<hbm>>
    %dma_start3A_983 = arith.constant 0 : i32
    %dma_start3A_984 = arith.constant 0 : i32
    %dma_start3A_985 = tpu.memref_slice %arg6[%dma_start3A_972, %dma_start3A_983, %dma_start3A_984] : memref<2x128x384xf32, #tpu.memory_space<vmem>> -> memref<1x128x384xf32, #tpu.memory_space<vmem>>
    %dma_start3A_986 = tpu.memref_squeeze %dma_start3A_985 : memref<1x128x384xf32, #tpu.memory_space<vmem>> -> memref<128x384xf32, #tpu.memory_space<vmem>>
    tpu.enqueue_dma source(%dma_start3A_986 : memref<128x384xf32, #tpu.memory_space<vmem>>) target(%dma_start3A_982 : memref<128x384xf32, #tpu.memory_space<hbm>>) target_semaphore(%arg9 : memref<!tpu.dma_semaphore, #tpu.memory_space<semaphore_mem>>)
    %dma_wait3A_987 = arith.constant 1 : i32
    %dma_wait3A_988 = arith.constant 0 : i32
    %dma_wait3A_989 = arith.constant 0 : i32
    %dma_wait3A_990 = tpu.memref_slice %arg6[%dma_wait3A_987, %dma_wait3A_988, %dma_wait3A_989] : memref<2x128x384xf32, #tpu.memory_space<vmem>> -> memref<1x128x384xf32, #tpu.memory_space<vmem>>
    %dma_wait3A_991 = tpu.memref_squeeze %dma_wait3A_990 : memref<1x128x384xf32, #tpu.memory_space<vmem>> -> memref<128x384xf32, #tpu.memory_space<vmem>>
    %dma_wait3A_992 = arith.constant 0 : i32
    %dma_wait3A_993 = tpu.memref_slice %arg4[%select_n3A, %add3A_919, %dma_wait3A_992] : memref<4x8192x384xf32, #tpu.memory_space<hbm>> -> memref<1x128x384xf32, #tpu.memory_space<hbm>>
    %dma_wait3A_994 = tpu.memref_squeeze %dma_wait3A_993 : memref<1x128x384xf32, #tpu.memory_space<hbm>> -> memref<128x384xf32, #tpu.memory_space<hbm>>
    %dma_wait3A_995 = arith.constant 0 : i32
    %dma_wait3A_996 = tpu.memref_slice %arg4[%select_n3A, %add3A_919, %dma_wait3A_995] : memref<4x8192x384xf32, #tpu.memory_space<hbm>> -> memref<1x128x384xf32, #tpu.memory_space<hbm>>
    %dma_wait3A_997 = tpu.memref_squeeze %dma_wait3A_996 : memref<1x128x384xf32, #tpu.memory_space<hbm>> -> memref<128x384xf32, #tpu.memory_space<hbm>>
    %dma_wait3A_998 = arith.constant 0 : i32
    %dma_wait3A_999 = arith.constant 0 : i32
    %dma_wait3A_1000 = tpu.memref_slice %arg6[%dma_wait3A_987, %dma_wait3A_998, %dma_wait3A_999] : memref<2x128x384xf32, #tpu.memory_space<vmem>> -> memref<1x128x384xf32, #tpu.memory_space<vmem>>
    %dma_wait3A_1001 = tpu.memref_squeeze %dma_wait3A_1000 : memref<1x128x384xf32, #tpu.memory_space<vmem>> -> memref<128x384xf32, #tpu.memory_space<vmem>>
    tpu.wait_dma2 semaphore(%arg10 : memref<!tpu.dma_semaphore, #tpu.memory_space<semaphore_mem>>) src(%dma_wait3A_1001 : memref<128x384xf32, #tpu.memory_space<vmem>>) dst(%dma_wait3A_997 : memref<128x384xf32, #tpu.memory_space<hbm>>)
    %dma_start3A_1002 = arith.constant 1 : i32
    %dma_start3A_1003 = arith.constant 0 : i32
    %dma_start3A_1004 = arith.constant 0 : i32
    %dma_start3A_1005 = tpu.memref_slice %arg6[%dma_start3A_1002, %dma_start3A_1003, %dma_start3A_1004] : memref<2x128x384xf32, #tpu.memory_space<vmem>> -> memref<1x128x384xf32, #tpu.memory_space<vmem>>
    %dma_start3A_1006 = tpu.memref_squeeze %dma_start3A_1005 : memref<1x128x384xf32, #tpu.memory_space<vmem>> -> memref<128x384xf32, #tpu.memory_space<vmem>>
    %dma_start3A_1007 = arith.constant 384 : i32
    %dma_start3A_1008 = tpu.memref_slice %arg5[%dma_start3A_1007] : memref<1024xi32, #tpu.memory_space<vmem>> -> memref<128xi32, #tpu.memory_space<vmem>>
    %dma_start3A_1009 = arith.constant 0 : i32
    %dma_start3A_1010 = arith.constant 0 : i32
    %dma_start3A_1011 = tpu.memref_slice %arg3[%dma_start3A_1009, %dma_start3A_1010] : memref<256x384xf32, #tpu.memory_space<hbm>> -> memref<256x384xf32, #tpu.memory_space<hbm>>
    tpu.enqueue_indirect_dma source(%dma_start3A_1011 : memref<256x384xf32, #tpu.memory_space<hbm>>) target(%dma_start3A_1006 : memref<128x384xf32, #tpu.memory_space<vmem>>) offsets(%dma_start3A_1008 : memref<128xi32, #tpu.memory_space<vmem>>) semaphore(%arg8 : memref<!tpu.dma_semaphore, #tpu.memory_space<semaphore_mem>>)
    %dma_wait3A_1012 = arith.constant 1 : i32
    %dma_wait3A_1013 = arith.constant 0 : i32
    %dma_wait3A_1014 = arith.constant 0 : i32
    %dma_wait3A_1015 = tpu.memref_slice %arg6[%dma_wait3A_1012, %dma_wait3A_1013, %dma_wait3A_1014] : memref<2x128x384xf32, #tpu.memory_space<vmem>> -> memref<1x128x384xf32, #tpu.memory_space<vmem>>
    %dma_wait3A_1016 = tpu.memref_squeeze %dma_wait3A_1015 : memref<1x128x384xf32, #tpu.memory_space<vmem>> -> memref<128x384xf32, #tpu.memory_space<vmem>>
    %dma_wait3A_1017 = arith.constant 384 : i32
    %dma_wait3A_1018 = tpu.memref_slice %arg5[%dma_wait3A_1017] : memref<1024xi32, #tpu.memory_space<vmem>> -> memref<128xi32, #tpu.memory_space<vmem>>
    %dma_wait3A_1019 = arith.constant 0 : i32
    %dma_wait3A_1020 = arith.constant 0 : i32
    %dma_wait3A_1021 = tpu.memref_slice %arg3[%dma_wait3A_1019, %dma_wait3A_1020] : memref<256x384xf32, #tpu.memory_space<hbm>> -> memref<256x384xf32, #tpu.memory_space<hbm>>
    tpu.wait_indirect_dma semaphore(%arg8 : memref<!tpu.dma_semaphore, #tpu.memory_space<semaphore_mem>>) src(%dma_wait3A_1021 : memref<256x384xf32, #tpu.memory_space<hbm>>) dst(%dma_wait3A_1016 : memref<128x384xf32, #tpu.memory_space<vmem>>)
    %add3A_1022 = arith.constant 384 : i32
    %add3A_1023 = arith.addi %mul3A_32, %add3A_1022 : i32
    %dma_start3A_1024 = arith.constant 1 : i32
    %dma_start3A_1025 = arith.constant 0 : i32
    %dma_start3A_1026 = arith.constant 0 : i32
    %dma_start3A_1027 = tpu.memref_slice %arg6[%dma_start3A_1024, %dma_start3A_1025, %dma_start3A_1026] : memref<2x128x384xf32, #tpu.memory_space<vmem>> -> memref<1x128x384xf32, #tpu.memory_space<vmem>>
    %dma_start3A_1028 = tpu.memref_squeeze %dma_start3A_1027 : memref<1x128x384xf32, #tpu.memory_space<vmem>> -> memref<128x384xf32, #tpu.memory_space<vmem>>
    %dma_start3A_1029 = arith.constant 0 : i32
    %dma_start3A_1030 = tpu.memref_slice %arg4[%select_n3A, %add3A_1023, %dma_start3A_1029] : memref<4x8192x384xf32, #tpu.memory_space<hbm>> -> memref<1x128x384xf32, #tpu.memory_space<hbm>>
    %dma_start3A_1031 = tpu.memref_squeeze %dma_start3A_1030 : memref<1x128x384xf32, #tpu.memory_space<hbm>> -> memref<128x384xf32, #tpu.memory_space<hbm>>
    %dma_start3A_1032 = arith.constant 0 : i32
    %dma_start3A_1033 = tpu.memref_slice %arg4[%select_n3A, %add3A_1023, %dma_start3A_1032] : memref<4x8192x384xf32, #tpu.memory_space<hbm>> -> memref<1x128x384xf32, #tpu.memory_space<hbm>>
    %dma_start3A_1034 = tpu.memref_squeeze %dma_start3A_1033 : memref<1x128x384xf32, #tpu.memory_space<hbm>> -> memref<128x384xf32, #tpu.memory_space<hbm>>
    %dma_start3A_1035 = arith.constant 0 : i32
    %dma_start3A_1036 = arith.constant 0 : i32
    %dma_start3A_1037 = tpu.memref_slice %arg6[%dma_start3A_1024, %dma_start3A_1035, %dma_start3A_1036] : memref<2x128x384xf32, #tpu.memory_space<vmem>> -> memref<1x128x384xf32, #tpu.memory_space<vmem>>
    %dma_start3A_1038 = tpu.memref_squeeze %dma_start3A_1037 : memref<1x128x384xf32, #tpu.memory_space<vmem>> -> memref<128x384xf32, #tpu.memory_space<vmem>>
    tpu.enqueue_dma source(%dma_start3A_1038 : memref<128x384xf32, #tpu.memory_space<vmem>>) target(%dma_start3A_1034 : memref<128x384xf32, #tpu.memory_space<hbm>>) target_semaphore(%arg10 : memref<!tpu.dma_semaphore, #tpu.memory_space<semaphore_mem>>)
    %dma_wait3A_1039 = arith.constant 0 : i32
    %dma_wait3A_1040 = arith.constant 0 : i32
    %dma_wait3A_1041 = arith.constant 0 : i32
    %dma_wait3A_1042 = tpu.memref_slice %arg6[%dma_wait3A_1039, %dma_wait3A_1040, %dma_wait3A_1041] : memref<2x128x384xf32, #tpu.memory_space<vmem>> -> memref<1x128x384xf32, #tpu.memory_space<vmem>>
    %dma_wait3A_1043 = tpu.memref_squeeze %dma_wait3A_1042 : memref<1x128x384xf32, #tpu.memory_space<vmem>> -> memref<128x384xf32, #tpu.memory_space<vmem>>
    %dma_wait3A_1044 = arith.constant 0 : i32
    %dma_wait3A_1045 = tpu.memref_slice %arg4[%select_n3A, %add3A_971, %dma_wait3A_1044] : memref<4x8192x384xf32, #tpu.memory_space<hbm>> -> memref<1x128x384xf32, #tpu.memory_space<hbm>>
    %dma_wait3A_1046 = tpu.memref_squeeze %dma_wait3A_1045 : memref<1x128x384xf32, #tpu.memory_space<hbm>> -> memref<128x384xf32, #tpu.memory_space<hbm>>
    %dma_wait3A_1047 = arith.constant 0 : i32
    %dma_wait3A_1048 = tpu.memref_slice %arg4[%select_n3A, %add3A_971, %dma_wait3A_1047] : memref<4x8192x384xf32, #tpu.memory_space<hbm>> -> memref<1x128x384xf32, #tpu.memory_space<hbm>>
    %dma_wait3A_1049 = tpu.memref_squeeze %dma_wait3A_1048 : memref<1x128x384xf32, #tpu.memory_space<hbm>> -> memref<128x384xf32, #tpu.memory_space<hbm>>
    %dma_wait3A_1050 = arith.constant 0 : i32
    %dma_wait3A_1051 = arith.constant 0 : i32
    %dma_wait3A_1052 = tpu.memref_slice %arg6[%dma_wait3A_1039, %dma_wait3A_1050, %dma_wait3A_1051] : memref<2x128x384xf32, #tpu.memory_space<vmem>> -> memref<1x128x384xf32, #tpu.memory_space<vmem>>
    %dma_wait3A_1053 = tpu.memref_squeeze %dma_wait3A_1052 : memref<1x128x384xf32, #tpu.memory_space<vmem>> -> memref<128x384xf32, #tpu.memory_space<vmem>>
    tpu.wait_dma2 semaphore(%arg9 : memref<!tpu.dma_semaphore, #tpu.memory_space<semaphore_mem>>) src(%dma_wait3A_1053 : memref<128x384xf32, #tpu.memory_space<vmem>>) dst(%dma_wait3A_1049 : memref<128x384xf32, #tpu.memory_space<hbm>>)
    %dma_start3A_1054 = arith.constant 0 : i32
    %dma_start3A_1055 = arith.constant 0 : i32
    %dma_start3A_1056 = arith.constant 0 : i32
    %dma_start3A_1057 = tpu.memref_slice %arg6[%dma_start3A_1054, %dma_start3A_1055, %dma_start3A_1056] : memref<2x128x384xf32, #tpu.memory_space<vmem>> -> memref<1x128x384xf32, #tpu.memory_space<vmem>>
    %dma_start3A_1058 = tpu.memref_squeeze %dma_start3A_1057 : memref<1x128x384xf32, #tpu.memory_space<vmem>> -> memref<128x384xf32, #tpu.memory_space<vmem>>
    %dma_start3A_1059 = arith.constant 512 : i32
    %dma_start3A_1060 = tpu.memref_slice %arg5[%dma_start3A_1059] : memref<1024xi32, #tpu.memory_space<vmem>> -> memref<128xi32, #tpu.memory_space<vmem>>
    %dma_start3A_1061 = arith.constant 0 : i32
    %dma_start3A_1062 = arith.constant 0 : i32
    %dma_start3A_1063 = tpu.memref_slice %arg3[%dma_start3A_1061, %dma_start3A_1062] : memref<256x384xf32, #tpu.memory_space<hbm>> -> memref<256x384xf32, #tpu.memory_space<hbm>>
    tpu.enqueue_indirect_dma source(%dma_start3A_1063 : memref<256x384xf32, #tpu.memory_space<hbm>>) target(%dma_start3A_1058 : memref<128x384xf32, #tpu.memory_space<vmem>>) offsets(%dma_start3A_1060 : memref<128xi32, #tpu.memory_space<vmem>>) semaphore(%arg7 : memref<!tpu.dma_semaphore, #tpu.memory_space<semaphore_mem>>)
    %dma_wait3A_1064 = arith.constant 0 : i32
    %dma_wait3A_1065 = arith.constant 0 : i32
    %dma_wait3A_1066 = arith.constant 0 : i32
    %dma_wait3A_1067 = tpu.memref_slice %arg6[%dma_wait3A_1064, %dma_wait3A_1065, %dma_wait3A_1066] : memref<2x128x384xf32, #tpu.memory_space<vmem>> -> memref<1x128x384xf32, #tpu.memory_space<vmem>>
    %dma_wait3A_1068 = tpu.memref_squeeze %dma_wait3A_1067 : memref<1x128x384xf32, #tpu.memory_space<vmem>> -> memref<128x384xf32, #tpu.memory_space<vmem>>
    %dma_wait3A_1069 = arith.constant 512 : i32
    %dma_wait3A_1070 = tpu.memref_slice %arg5[%dma_wait3A_1069] : memref<1024xi32, #tpu.memory_space<vmem>> -> memref<128xi32, #tpu.memory_space<vmem>>
    %dma_wait3A_1071 = arith.constant 0 : i32
    %dma_wait3A_1072 = arith.constant 0 : i32
    %dma_wait3A_1073 = tpu.memref_slice %arg3[%dma_wait3A_1071, %dma_wait3A_1072] : memref<256x384xf32, #tpu.memory_space<hbm>> -> memref<256x384xf32, #tpu.memory_space<hbm>>
    tpu.wait_indirect_dma semaphore(%arg7 : memref<!tpu.dma_semaphore, #tpu.memory_space<semaphore_mem>>) src(%dma_wait3A_1073 : memref<256x384xf32, #tpu.memory_space<hbm>>) dst(%dma_wait3A_1068 : memref<128x384xf32, #tpu.memory_space<vmem>>)
    %add3A_1074 = arith.constant 512 : i32
    %add3A_1075 = arith.addi %mul3A_32, %add3A_1074 : i32
    %dma_start3A_1076 = arith.constant 0 : i32
    %dma_start3A_1077 = arith.constant 0 : i32
    %dma_start3A_1078 = arith.constant 0 : i32
    %dma_start3A_1079 = tpu.memref_slice %arg6[%dma_start3A_1076, %dma_start3A_1077, %dma_start3A_1078] : memref<2x128x384xf32, #tpu.memory_space<vmem>> -> memref<1x128x384xf32, #tpu.memory_space<vmem>>
    %dma_start3A_1080 = tpu.memref_squeeze %dma_start3A_1079 : memref<1x128x384xf32, #tpu.memory_space<vmem>> -> memref<128x384xf32, #tpu.memory_space<vmem>>
    %dma_start3A_1081 = arith.constant 0 : i32
    %dma_start3A_1082 = tpu.memref_slice %arg4[%select_n3A, %add3A_1075, %dma_start3A_1081] : memref<4x8192x384xf32, #tpu.memory_space<hbm>> -> memref<1x128x384xf32, #tpu.memory_space<hbm>>
    %dma_start3A_1083 = tpu.memref_squeeze %dma_start3A_1082 : memref<1x128x384xf32, #tpu.memory_space<hbm>> -> memref<128x384xf32, #tpu.memory_space<hbm>>
    %dma_start3A_1084 = arith.constant 0 : i32
    %dma_start3A_1085 = tpu.memref_slice %arg4[%select_n3A, %add3A_1075, %dma_start3A_1084] : memref<4x8192x384xf32, #tpu.memory_space<hbm>> -> memref<1x128x384xf32, #tpu.memory_space<hbm>>
    %dma_start3A_1086 = tpu.memref_squeeze %dma_start3A_1085 : memref<1x128x384xf32, #tpu.memory_space<hbm>> -> memref<128x384xf32, #tpu.memory_space<hbm>>
    %dma_start3A_1087 = arith.constant 0 : i32
    %dma_start3A_1088 = arith.constant 0 : i32
    %dma_start3A_1089 = tpu.memref_slice %arg6[%dma_start3A_1076, %dma_start3A_1087, %dma_start3A_1088] : memref<2x128x384xf32, #tpu.memory_space<vmem>> -> memref<1x128x384xf32, #tpu.memory_space<vmem>>
    %dma_start3A_1090 = tpu.memref_squeeze %dma_start3A_1089 : memref<1x128x384xf32, #tpu.memory_space<vmem>> -> memref<128x384xf32, #tpu.memory_space<vmem>>
    tpu.enqueue_dma source(%dma_start3A_1090 : memref<128x384xf32, #tpu.memory_space<vmem>>) target(%dma_start3A_1086 : memref<128x384xf32, #tpu.memory_space<hbm>>) target_semaphore(%arg9 : memref<!tpu.dma_semaphore, #tpu.memory_space<semaphore_mem>>)
    %dma_wait3A_1091 = arith.constant 1 : i32
    %dma_wait3A_1092 = arith.constant 0 : i32
    %dma_wait3A_1093 = arith.constant 0 : i32
    %dma_wait3A_1094 = tpu.memref_slice %arg6[%dma_wait3A_1091, %dma_wait3A_1092, %dma_wait3A_1093] : memref<2x128x384xf32, #tpu.memory_space<vmem>> -> memref<1x128x384xf32, #tpu.memory_space<vmem>>
    %dma_wait3A_1095 = tpu.memref_squeeze %dma_wait3A_1094 : memref<1x128x384xf32, #tpu.memory_space<vmem>> -> memref<128x384xf32, #tpu.memory_space<vmem>>
    %dma_wait3A_1096 = arith.constant 0 : i32
    %dma_wait3A_1097 = tpu.memref_slice %arg4[%select_n3A, %add3A_1023, %dma_wait3A_1096] : memref<4x8192x384xf32, #tpu.memory_space<hbm>> -> memref<1x128x384xf32, #tpu.memory_space<hbm>>
    %dma_wait3A_1098 = tpu.memref_squeeze %dma_wait3A_1097 : memref<1x128x384xf32, #tpu.memory_space<hbm>> -> memref<128x384xf32, #tpu.memory_space<hbm>>
    %dma_wait3A_1099 = arith.constant 0 : i32
    %dma_wait3A_1100 = tpu.memref_slice %arg4[%select_n3A, %add3A_1023, %dma_wait3A_1099] : memref<4x8192x384xf32, #tpu.memory_space<hbm>> -> memref<1x128x384xf32, #tpu.memory_space<hbm>>
    %dma_wait3A_1101 = tpu.memref_squeeze %dma_wait3A_1100 : memref<1x128x384xf32, #tpu.memory_space<hbm>> -> memref<128x384xf32, #tpu.memory_space<hbm>>
    %dma_wait3A_1102 = arith.constant 0 : i32
    %dma_wait3A_1103 = arith.constant 0 : i32
    %dma_wait3A_1104 = tpu.memref_slice %arg6[%dma_wait3A_1091, %dma_wait3A_1102, %dma_wait3A_1103] : memref<2x128x384xf32, #tpu.memory_space<vmem>> -> memref<1x128x384xf32, #tpu.memory_space<vmem>>
    %dma_wait3A_1105 = tpu.memref_squeeze %dma_wait3A_1104 : memref<1x128x384xf32, #tpu.memory_space<vmem>> -> memref<128x384xf32, #tpu.memory_space<vmem>>
    tpu.wait_dma2 semaphore(%arg10 : memref<!tpu.dma_semaphore, #tpu.memory_space<semaphore_mem>>) src(%dma_wait3A_1105 : memref<128x384xf32, #tpu.memory_space<vmem>>) dst(%dma_wait3A_1101 : memref<128x384xf32, #tpu.memory_space<hbm>>)
    %dma_start3A_1106 = arith.constant 1 : i32
    %dma_start3A_1107 = arith.constant 0 : i32
    %dma_start3A_1108 = arith.constant 0 : i32
    %dma_start3A_1109 = tpu.memref_slice %arg6[%dma_start3A_1106, %dma_start3A_1107, %dma_start3A_1108] : memref<2x128x384xf32, #tpu.memory_space<vmem>> -> memref<1x128x384xf32, #tpu.memory_space<vmem>>
    %dma_start3A_1110 = tpu.memref_squeeze %dma_start3A_1109 : memref<1x128x384xf32, #tpu.memory_space<vmem>> -> memref<128x384xf32, #tpu.memory_space<vmem>>
    %dma_start3A_1111 = arith.constant 640 : i32
    %dma_start3A_1112 = tpu.memref_slice %arg5[%dma_start3A_1111] : memref<1024xi32, #tpu.memory_space<vmem>> -> memref<128xi32, #tpu.memory_space<vmem>>
    %dma_start3A_1113 = arith.constant 0 : i32
    %dma_start3A_1114 = arith.constant 0 : i32
    %dma_start3A_1115 = tpu.memref_slice %arg3[%dma_start3A_1113, %dma_start3A_1114] : memref<256x384xf32, #tpu.memory_space<hbm>> -> memref<256x384xf32, #tpu.memory_space<hbm>>
    tpu.enqueue_indirect_dma source(%dma_start3A_1115 : memref<256x384xf32, #tpu.memory_space<hbm>>) target(%dma_start3A_1110 : memref<128x384xf32, #tpu.memory_space<vmem>>) offsets(%dma_start3A_1112 : memref<128xi32, #tpu.memory_space<vmem>>) semaphore(%arg8 : memref<!tpu.dma_semaphore, #tpu.memory_space<semaphore_mem>>)
    %dma_wait3A_1116 = arith.constant 1 : i32
    %dma_wait3A_1117 = arith.constant 0 : i32
    %dma_wait3A_1118 = arith.constant 0 : i32
    %dma_wait3A_1119 = tpu.memref_slice %arg6[%dma_wait3A_1116, %dma_wait3A_1117, %dma_wait3A_1118] : memref<2x128x384xf32, #tpu.memory_space<vmem>> -> memref<1x128x384xf32, #tpu.memory_space<vmem>>
    %dma_wait3A_1120 = tpu.memref_squeeze %dma_wait3A_1119 : memref<1x128x384xf32, #tpu.memory_space<vmem>> -> memref<128x384xf32, #tpu.memory_space<vmem>>
    %dma_wait3A_1121 = arith.constant 640 : i32
    %dma_wait3A_1122 = tpu.memref_slice %arg5[%dma_wait3A_1121] : memref<1024xi32, #tpu.memory_space<vmem>> -> memref<128xi32, #tpu.memory_space<vmem>>
    %dma_wait3A_1123 = arith.constant 0 : i32
    %dma_wait3A_1124 = arith.constant 0 : i32
    %dma_wait3A_1125 = tpu.memref_slice %arg3[%dma_wait3A_1123, %dma_wait3A_1124] : memref<256x384xf32, #tpu.memory_space<hbm>> -> memref<256x384xf32, #tpu.memory_space<hbm>>
    tpu.wait_indirect_dma semaphore(%arg8 : memref<!tpu.dma_semaphore, #tpu.memory_space<semaphore_mem>>) src(%dma_wait3A_1125 : memref<256x384xf32, #tpu.memory_space<hbm>>) dst(%dma_wait3A_1120 : memref<128x384xf32, #tpu.memory_space<vmem>>)
    %add3A_1126 = arith.constant 640 : i32
    %add3A_1127 = arith.addi %mul3A_32, %add3A_1126 : i32
    %dma_start3A_1128 = arith.constant 1 : i32
    %dma_start3A_1129 = arith.constant 0 : i32
    %dma_start3A_1130 = arith.constant 0 : i32
    %dma_start3A_1131 = tpu.memref_slice %arg6[%dma_start3A_1128, %dma_start3A_1129, %dma_start3A_1130] : memref<2x128x384xf32, #tpu.memory_space<vmem>> -> memref<1x128x384xf32, #tpu.memory_space<vmem>>
    %dma_start3A_1132 = tpu.memref_squeeze %dma_start3A_1131 : memref<1x128x384xf32, #tpu.memory_space<vmem>> -> memref<128x384xf32, #tpu.memory_space<vmem>>
    %dma_start3A_1133 = arith.constant 0 : i32
    %dma_start3A_1134 = tpu.memref_slice %arg4[%select_n3A, %add3A_1127, %dma_start3A_1133] : memref<4x8192x384xf32, #tpu.memory_space<hbm>> -> memref<1x128x384xf32, #tpu.memory_space<hbm>>
    %dma_start3A_1135 = tpu.memref_squeeze %dma_start3A_1134 : memref<1x128x384xf32, #tpu.memory_space<hbm>> -> memref<128x384xf32, #tpu.memory_space<hbm>>
    %dma_start3A_1136 = arith.constant 0 : i32
    %dma_start3A_1137 = tpu.memref_slice %arg4[%select_n3A, %add3A_1127, %dma_start3A_1136] : memref<4x8192x384xf32, #tpu.memory_space<hbm>> -> memref<1x128x384xf32, #tpu.memory_space<hbm>>
    %dma_start3A_1138 = tpu.memref_squeeze %dma_start3A_1137 : memref<1x128x384xf32, #tpu.memory_space<hbm>> -> memref<128x384xf32, #tpu.memory_space<hbm>>
    %dma_start3A_1139 = arith.constant 0 : i32
    %dma_start3A_1140 = arith.constant 0 : i32
    %dma_start3A_1141 = tpu.memref_slice %arg6[%dma_start3A_1128, %dma_start3A_1139, %dma_start3A_1140] : memref<2x128x384xf32, #tpu.memory_space<vmem>> -> memref<1x128x384xf32, #tpu.memory_space<vmem>>
    %dma_start3A_1142 = tpu.memref_squeeze %dma_start3A_1141 : memref<1x128x384xf32, #tpu.memory_space<vmem>> -> memref<128x384xf32, #tpu.memory_space<vmem>>
    tpu.enqueue_dma source(%dma_start3A_1142 : memref<128x384xf32, #tpu.memory_space<vmem>>) target(%dma_start3A_1138 : memref<128x384xf32, #tpu.memory_space<hbm>>) target_semaphore(%arg10 : memref<!tpu.dma_semaphore, #tpu.memory_space<semaphore_mem>>)
    %dma_wait3A_1143 = arith.constant 0 : i32
    %dma_wait3A_1144 = arith.constant 0 : i32
    %dma_wait3A_1145 = arith.constant 0 : i32
    %dma_wait3A_1146 = tpu.memref_slice %arg6[%dma_wait3A_1143, %dma_wait3A_1144, %dma_wait3A_1145] : memref<2x128x384xf32, #tpu.memory_space<vmem>> -> memref<1x128x384xf32, #tpu.memory_space<vmem>>
    %dma_wait3A_1147 = tpu.memref_squeeze %dma_wait3A_1146 : memref<1x128x384xf32, #tpu.memory_space<vmem>> -> memref<128x384xf32, #tpu.memory_space<vmem>>
    %dma_wait3A_1148 = arith.constant 0 : i32
    %dma_wait3A_1149 = tpu.memref_slice %arg4[%select_n3A, %add3A_1075, %dma_wait3A_1148] : memref<4x8192x384xf32, #tpu.memory_space<hbm>> -> memref<1x128x384xf32, #tpu.memory_space<hbm>>
    %dma_wait3A_1150 = tpu.memref_squeeze %dma_wait3A_1149 : memref<1x128x384xf32, #tpu.memory_space<hbm>> -> memref<128x384xf32, #tpu.memory_space<hbm>>
    %dma_wait3A_1151 = arith.constant 0 : i32
    %dma_wait3A_1152 = tpu.memref_slice %arg4[%select_n3A, %add3A_1075, %dma_wait3A_1151] : memref<4x8192x384xf32, #tpu.memory_space<hbm>> -> memref<1x128x384xf32, #tpu.memory_space<hbm>>
    %dma_wait3A_1153 = tpu.memref_squeeze %dma_wait3A_1152 : memref<1x128x384xf32, #tpu.memory_space<hbm>> -> memref<128x384xf32, #tpu.memory_space<hbm>>
    %dma_wait3A_1154 = arith.constant 0 : i32
    %dma_wait3A_1155 = arith.constant 0 : i32
    %dma_wait3A_1156 = tpu.memref_slice %arg6[%dma_wait3A_1143, %dma_wait3A_1154, %dma_wait3A_1155] : memref<2x128x384xf32, #tpu.memory_space<vmem>> -> memref<1x128x384xf32, #tpu.memory_space<vmem>>
    %dma_wait3A_1157 = tpu.memref_squeeze %dma_wait3A_1156 : memref<1x128x384xf32, #tpu.memory_space<vmem>> -> memref<128x384xf32, #tpu.memory_space<vmem>>
    tpu.wait_dma2 semaphore(%arg9 : memref<!tpu.dma_semaphore, #tpu.memory_space<semaphore_mem>>) src(%dma_wait3A_1157 : memref<128x384xf32, #tpu.memory_space<vmem>>) dst(%dma_wait3A_1153 : memref<128x384xf32, #tpu.memory_space<hbm>>)
    %dma_start3A_1158 = arith.constant 0 : i32
    %dma_start3A_1159 = arith.constant 0 : i32
    %dma_start3A_1160 = arith.constant 0 : i32
    %dma_start3A_1161 = tpu.memref_slice %arg6[%dma_start3A_1158, %dma_start3A_1159, %dma_start3A_1160] : memref<2x128x384xf32, #tpu.memory_space<vmem>> -> memref<1x128x384xf32, #tpu.memory_space<vmem>>
    %dma_start3A_1162 = tpu.memref_squeeze %dma_start3A_1161 : memref<1x128x384xf32, #tpu.memory_space<vmem>> -> memref<128x384xf32, #tpu.memory_space<vmem>>
    %dma_start3A_1163 = arith.constant 768 : i32
    %dma_start3A_1164 = tpu.memref_slice %arg5[%dma_start3A_1163] : memref<1024xi32, #tpu.memory_space<vmem>> -> memref<128xi32, #tpu.memory_space<vmem>>
    %dma_start3A_1165 = arith.constant 0 : i32
    %dma_start3A_1166 = arith.constant 0 : i32
    %dma_start3A_1167 = tpu.memref_slice %arg3[%dma_start3A_1165, %dma_start3A_1166] : memref<256x384xf32, #tpu.memory_space<hbm>> -> memref<256x384xf32, #tpu.memory_space<hbm>>
    tpu.enqueue_indirect_dma source(%dma_start3A_1167 : memref<256x384xf32, #tpu.memory_space<hbm>>) target(%dma_start3A_1162 : memref<128x384xf32, #tpu.memory_space<vmem>>) offsets(%dma_start3A_1164 : memref<128xi32, #tpu.memory_space<vmem>>) semaphore(%arg7 : memref<!tpu.dma_semaphore, #tpu.memory_space<semaphore_mem>>)
    %dma_wait3A_1168 = arith.constant 0 : i32
    %dma_wait3A_1169 = arith.constant 0 : i32
    %dma_wait3A_1170 = arith.constant 0 : i32
    %dma_wait3A_1171 = tpu.memref_slice %arg6[%dma_wait3A_1168, %dma_wait3A_1169, %dma_wait3A_1170] : memref<2x128x384xf32, #tpu.memory_space<vmem>> -> memref<1x128x384xf32, #tpu.memory_space<vmem>>
    %dma_wait3A_1172 = tpu.memref_squeeze %dma_wait3A_1171 : memref<1x128x384xf32, #tpu.memory_space<vmem>> -> memref<128x384xf32, #tpu.memory_space<vmem>>
    %dma_wait3A_1173 = arith.constant 768 : i32
    %dma_wait3A_1174 = tpu.memref_slice %arg5[%dma_wait3A_1173] : memref<1024xi32, #tpu.memory_space<vmem>> -> memref<128xi32, #tpu.memory_space<vmem>>
    %dma_wait3A_1175 = arith.constant 0 : i32
    %dma_wait3A_1176 = arith.constant 0 : i32
    %dma_wait3A_1177 = tpu.memref_slice %arg3[%dma_wait3A_1175, %dma_wait3A_1176] : memref<256x384xf32, #tpu.memory_space<hbm>> -> memref<256x384xf32, #tpu.memory_space<hbm>>
    tpu.wait_indirect_dma semaphore(%arg7 : memref<!tpu.dma_semaphore, #tpu.memory_space<semaphore_mem>>) src(%dma_wait3A_1177 : memref<256x384xf32, #tpu.memory_space<hbm>>) dst(%dma_wait3A_1172 : memref<128x384xf32, #tpu.memory_space<vmem>>)
    %add3A_1178 = arith.constant 768 : i32
    %add3A_1179 = arith.addi %mul3A_32, %add3A_1178 : i32
    %dma_start3A_1180 = arith.constant 0 : i32
    %dma_start3A_1181 = arith.constant 0 : i32
    %dma_start3A_1182 = arith.constant 0 : i32
    %dma_start3A_1183 = tpu.memref_slice %arg6[%dma_start3A_1180, %dma_start3A_1181, %dma_start3A_1182] : memref<2x128x384xf32, #tpu.memory_space<vmem>> -> memref<1x128x384xf32, #tpu.memory_space<vmem>>
    %dma_start3A_1184 = tpu.memref_squeeze %dma_start3A_1183 : memref<1x128x384xf32, #tpu.memory_space<vmem>> -> memref<128x384xf32, #tpu.memory_space<vmem>>
    %dma_start3A_1185 = arith.constant 0 : i32
    %dma_start3A_1186 = tpu.memref_slice %arg4[%select_n3A, %add3A_1179, %dma_start3A_1185] : memref<4x8192x384xf32, #tpu.memory_space<hbm>> -> memref<1x128x384xf32, #tpu.memory_space<hbm>>
    %dma_start3A_1187 = tpu.memref_squeeze %dma_start3A_1186 : memref<1x128x384xf32, #tpu.memory_space<hbm>> -> memref<128x384xf32, #tpu.memory_space<hbm>>
    %dma_start3A_1188 = arith.constant 0 : i32
    %dma_start3A_1189 = tpu.memref_slice %arg4[%select_n3A, %add3A_1179, %dma_start3A_1188] : memref<4x8192x384xf32, #tpu.memory_space<hbm>> -> memref<1x128x384xf32, #tpu.memory_space<hbm>>
    %dma_start3A_1190 = tpu.memref_squeeze %dma_start3A_1189 : memref<1x128x384xf32, #tpu.memory_space<hbm>> -> memref<128x384xf32, #tpu.memory_space<hbm>>
    %dma_start3A_1191 = arith.constant 0 : i32
    %dma_start3A_1192 = arith.constant 0 : i32
    %dma_start3A_1193 = tpu.memref_slice %arg6[%dma_start3A_1180, %dma_start3A_1191, %dma_start3A_1192] : memref<2x128x384xf32, #tpu.memory_space<vmem>> -> memref<1x128x384xf32, #tpu.memory_space<vmem>>
    %dma_start3A_1194 = tpu.memref_squeeze %dma_start3A_1193 : memref<1x128x384xf32, #tpu.memory_space<vmem>> -> memref<128x384xf32, #tpu.memory_space<vmem>>
    tpu.enqueue_dma source(%dma_start3A_1194 : memref<128x384xf32, #tpu.memory_space<vmem>>) target(%dma_start3A_1190 : memref<128x384xf32, #tpu.memory_space<hbm>>) target_semaphore(%arg9 : memref<!tpu.dma_semaphore, #tpu.memory_space<semaphore_mem>>)
    %dma_wait3A_1195 = arith.constant 1 : i32
    %dma_wait3A_1196 = arith.constant 0 : i32
    %dma_wait3A_1197 = arith.constant 0 : i32
    %dma_wait3A_1198 = tpu.memref_slice %arg6[%dma_wait3A_1195, %dma_wait3A_1196, %dma_wait3A_1197] : memref<2x128x384xf32, #tpu.memory_space<vmem>> -> memref<1x128x384xf32, #tpu.memory_space<vmem>>
    %dma_wait3A_1199 = tpu.memref_squeeze %dma_wait3A_1198 : memref<1x128x384xf32, #tpu.memory_space<vmem>> -> memref<128x384xf32, #tpu.memory_space<vmem>>
    %dma_wait3A_1200 = arith.constant 0 : i32
    %dma_wait3A_1201 = tpu.memref_slice %arg4[%select_n3A, %add3A_1127, %dma_wait3A_1200] : memref<4x8192x384xf32, #tpu.memory_space<hbm>> -> memref<1x128x384xf32, #tpu.memory_space<hbm>>
    %dma_wait3A_1202 = tpu.memref_squeeze %dma_wait3A_1201 : memref<1x128x384xf32, #tpu.memory_space<hbm>> -> memref<128x384xf32, #tpu.memory_space<hbm>>
    %dma_wait3A_1203 = arith.constant 0 : i32
    %dma_wait3A_1204 = tpu.memref_slice %arg4[%select_n3A, %add3A_1127, %dma_wait3A_1203] : memref<4x8192x384xf32, #tpu.memory_space<hbm>> -> memref<1x128x384xf32, #tpu.memory_space<hbm>>
    %dma_wait3A_1205 = tpu.memref_squeeze %dma_wait3A_1204 : memref<1x128x384xf32, #tpu.memory_space<hbm>> -> memref<128x384xf32, #tpu.memory_space<hbm>>
    %dma_wait3A_1206 = arith.constant 0 : i32
    %dma_wait3A_1207 = arith.constant 0 : i32
    %dma_wait3A_1208 = tpu.memref_slice %arg6[%dma_wait3A_1195, %dma_wait3A_1206, %dma_wait3A_1207] : memref<2x128x384xf32, #tpu.memory_space<vmem>> -> memref<1x128x384xf32, #tpu.memory_space<vmem>>
    %dma_wait3A_1209 = tpu.memref_squeeze %dma_wait3A_1208 : memref<1x128x384xf32, #tpu.memory_space<vmem>> -> memref<128x384xf32, #tpu.memory_space<vmem>>
    tpu.wait_dma2 semaphore(%arg10 : memref<!tpu.dma_semaphore, #tpu.memory_space<semaphore_mem>>) src(%dma_wait3A_1209 : memref<128x384xf32, #tpu.memory_space<vmem>>) dst(%dma_wait3A_1205 : memref<128x384xf32, #tpu.memory_space<hbm>>)
    %dma_start3A_1210 = arith.constant 1 : i32
    %dma_start3A_1211 = arith.constant 0 : i32
    %dma_start3A_1212 = arith.constant 0 : i32
    %dma_start3A_1213 = tpu.memref_slice %arg6[%dma_start3A_1210, %dma_start3A_1211, %dma_start3A_1212] : memref<2x128x384xf32, #tpu.memory_space<vmem>> -> memref<1x128x384xf32, #tpu.memory_space<vmem>>
    %dma_start3A_1214 = tpu.memref_squeeze %dma_start3A_1213 : memref<1x128x384xf32, #tpu.memory_space<vmem>> -> memref<128x384xf32, #tpu.memory_space<vmem>>
    %dma_start3A_1215 = arith.constant 896 : i32
    %dma_start3A_1216 = tpu.memref_slice %arg5[%dma_start3A_1215] : memref<1024xi32, #tpu.memory_space<vmem>> -> memref<128xi32, #tpu.memory_space<vmem>>
    %dma_start3A_1217 = arith.constant 0 : i32
    %dma_start3A_1218 = arith.constant 0 : i32
    %dma_start3A_1219 = tpu.memref_slice %arg3[%dma_start3A_1217, %dma_start3A_1218] : memref<256x384xf32, #tpu.memory_space<hbm>> -> memref<256x384xf32, #tpu.memory_space<hbm>>
    tpu.enqueue_indirect_dma source(%dma_start3A_1219 : memref<256x384xf32, #tpu.memory_space<hbm>>) target(%dma_start3A_1214 : memref<128x384xf32, #tpu.memory_space<vmem>>) offsets(%dma_start3A_1216 : memref<128xi32, #tpu.memory_space<vmem>>) semaphore(%arg8 : memref<!tpu.dma_semaphore, #tpu.memory_space<semaphore_mem>>)
    %dma_wait3A_1220 = arith.constant 1 : i32
    %dma_wait3A_1221 = arith.constant 0 : i32
    %dma_wait3A_1222 = arith.constant 0 : i32
    %dma_wait3A_1223 = tpu.memref_slice %arg6[%dma_wait3A_1220, %dma_wait3A_1221, %dma_wait3A_1222] : memref<2x128x384xf32, #tpu.memory_space<vmem>> -> memref<1x128x384xf32, #tpu.memory_space<vmem>>
    %dma_wait3A_1224 = tpu.memref_squeeze %dma_wait3A_1223 : memref<1x128x384xf32, #tpu.memory_space<vmem>> -> memref<128x384xf32, #tpu.memory_space<vmem>>
    %dma_wait3A_1225 = arith.constant 896 : i32
    %dma_wait3A_1226 = tpu.memref_slice %arg5[%dma_wait3A_1225] : memref<1024xi32, #tpu.memory_space<vmem>> -> memref<128xi32, #tpu.memory_space<vmem>>
    %dma_wait3A_1227 = arith.constant 0 : i32
    %dma_wait3A_1228 = arith.constant 0 : i32
    %dma_wait3A_1229 = tpu.memref_slice %arg3[%dma_wait3A_1227, %dma_wait3A_1228] : memref<256x384xf32, #tpu.memory_space<hbm>> -> memref<256x384xf32, #tpu.memory_space<hbm>>
    tpu.wait_indirect_dma semaphore(%arg8 : memref<!tpu.dma_semaphore, #tpu.memory_space<semaphore_mem>>) src(%dma_wait3A_1229 : memref<256x384xf32, #tpu.memory_space<hbm>>) dst(%dma_wait3A_1224 : memref<128x384xf32, #tpu.memory_space<vmem>>)
    %add3A_1230 = arith.constant 896 : i32
    %add3A_1231 = arith.addi %mul3A_32, %add3A_1230 : i32
    %dma_start3A_1232 = arith.constant 1 : i32
    %dma_start3A_1233 = arith.constant 0 : i32
    %dma_start3A_1234 = arith.constant 0 : i32
    %dma_start3A_1235 = tpu.memref_slice %arg6[%dma_start3A_1232, %dma_start3A_1233, %dma_start3A_1234] : memref<2x128x384xf32, #tpu.memory_space<vmem>> -> memref<1x128x384xf32, #tpu.memory_space<vmem>>
    %dma_start3A_1236 = tpu.memref_squeeze %dma_start3A_1235 : memref<1x128x384xf32, #tpu.memory_space<vmem>> -> memref<128x384xf32, #tpu.memory_space<vmem>>
    %dma_start3A_1237 = arith.constant 0 : i32
    %dma_start3A_1238 = tpu.memref_slice %arg4[%select_n3A, %add3A_1231, %dma_start3A_1237] : memref<4x8192x384xf32, #tpu.memory_space<hbm>> -> memref<1x128x384xf32, #tpu.memory_space<hbm>>
    %dma_start3A_1239 = tpu.memref_squeeze %dma_start3A_1238 : memref<1x128x384xf32, #tpu.memory_space<hbm>> -> memref<128x384xf32, #tpu.memory_space<hbm>>
    %dma_start3A_1240 = arith.constant 0 : i32
    %dma_start3A_1241 = tpu.memref_slice %arg4[%select_n3A, %add3A_1231, %dma_start3A_1240] : memref<4x8192x384xf32, #tpu.memory_space<hbm>> -> memref<1x128x384xf32, #tpu.memory_space<hbm>>
    %dma_start3A_1242 = tpu.memref_squeeze %dma_start3A_1241 : memref<1x128x384xf32, #tpu.memory_space<hbm>> -> memref<128x384xf32, #tpu.memory_space<hbm>>
    %dma_start3A_1243 = arith.constant 0 : i32
    %dma_start3A_1244 = arith.constant 0 : i32
    %dma_start3A_1245 = tpu.memref_slice %arg6[%dma_start3A_1232, %dma_start3A_1243, %dma_start3A_1244] : memref<2x128x384xf32, #tpu.memory_space<vmem>> -> memref<1x128x384xf32, #tpu.memory_space<vmem>>
    %dma_start3A_1246 = tpu.memref_squeeze %dma_start3A_1245 : memref<1x128x384xf32, #tpu.memory_space<vmem>> -> memref<128x384xf32, #tpu.memory_space<vmem>>
    tpu.enqueue_dma source(%dma_start3A_1246 : memref<128x384xf32, #tpu.memory_space<vmem>>) target(%dma_start3A_1242 : memref<128x384xf32, #tpu.memory_space<hbm>>) target_semaphore(%arg10 : memref<!tpu.dma_semaphore, #tpu.memory_space<semaphore_mem>>)
    %dma_wait3A_1247 = arith.constant 0 : i32
    %dma_wait3A_1248 = arith.constant 0 : i32
    %dma_wait3A_1249 = arith.constant 0 : i32
    %dma_wait3A_1250 = tpu.memref_slice %arg6[%dma_wait3A_1247, %dma_wait3A_1248, %dma_wait3A_1249] : memref<2x128x384xf32, #tpu.memory_space<vmem>> -> memref<1x128x384xf32, #tpu.memory_space<vmem>>
    %dma_wait3A_1251 = tpu.memref_squeeze %dma_wait3A_1250 : memref<1x128x384xf32, #tpu.memory_space<vmem>> -> memref<128x384xf32, #tpu.memory_space<vmem>>
    %dma_wait3A_1252 = arith.constant 0 : i32
    %dma_wait3A_1253 = tpu.memref_slice %arg4[%select_n3A, %add3A_1179, %dma_wait3A_1252] : memref<4x8192x384xf32, #tpu.memory_space<hbm>> -> memref<1x128x384xf32, #tpu.memory_space<hbm>>
    %dma_wait3A_1254 = tpu.memref_squeeze %dma_wait3A_1253 : memref<1x128x384xf32, #tpu.memory_space<hbm>> -> memref<128x384xf32, #tpu.memory_space<hbm>>
    %dma_wait3A_1255 = arith.constant 0 : i32
    %dma_wait3A_1256 = tpu.memref_slice %arg4[%select_n3A, %add3A_1179, %dma_wait3A_1255] : memref<4x8192x384xf32, #tpu.memory_space<hbm>> -> memref<1x128x384xf32, #tpu.memory_space<hbm>>
    %dma_wait3A_1257 = tpu.memref_squeeze %dma_wait3A_1256 : memref<1x128x384xf32, #tpu.memory_space<hbm>> -> memref<128x384xf32, #tpu.memory_space<hbm>>
    %dma_wait3A_1258 = arith.constant 0 : i32
    %dma_wait3A_1259 = arith.constant 0 : i32
    %dma_wait3A_1260 = tpu.memref_slice %arg6[%dma_wait3A_1247, %dma_wait3A_1258, %dma_wait3A_1259] : memref<2x128x384xf32, #tpu.memory_space<vmem>> -> memref<1x128x384xf32, #tpu.memory_space<vmem>>
    %dma_wait3A_1261 = tpu.memref_squeeze %dma_wait3A_1260 : memref<1x128x384xf32, #tpu.memory_space<vmem>> -> memref<128x384xf32, #tpu.memory_space<vmem>>
    tpu.wait_dma2 semaphore(%arg9 : memref<!tpu.dma_semaphore, #tpu.memory_space<semaphore_mem>>) src(%dma_wait3A_1261 : memref<128x384xf32, #tpu.memory_space<vmem>>) dst(%dma_wait3A_1257 : memref<128x384xf32, #tpu.memory_space<hbm>>)
    %dma_wait3A_1262 = arith.constant 1 : i32
    %dma_wait3A_1263 = arith.constant 0 : i32
    %dma_wait3A_1264 = arith.constant 0 : i32
    %dma_wait3A_1265 = tpu.memref_slice %arg6[%dma_wait3A_1262, %dma_wait3A_1263, %dma_wait3A_1264] : memref<2x128x384xf32, #tpu.memory_space<vmem>> -> memref<1x128x384xf32, #tpu.memory_space<vmem>>
    %dma_wait3A_1266 = tpu.memref_squeeze %dma_wait3A_1265 : memref<1x128x384xf32, #tpu.memory_space<vmem>> -> memref<128x384xf32, #tpu.memory_space<vmem>>
    %dma_wait3A_1267 = arith.constant 0 : i32
    %dma_wait3A_1268 = tpu.memref_slice %arg4[%select_n3A, %add3A_1231, %dma_wait3A_1267] : memref<4x8192x384xf32, #tpu.memory_space<hbm>> -> memref<1x128x384xf32, #tpu.memory_space<hbm>>
    %dma_wait3A_1269 = tpu.memref_squeeze %dma_wait3A_1268 : memref<1x128x384xf32, #tpu.memory_space<hbm>> -> memref<128x384xf32, #tpu.memory_space<hbm>>
    %dma_wait3A_1270 = arith.constant 0 : i32
    %dma_wait3A_1271 = tpu.memref_slice %arg4[%select_n3A, %add3A_1231, %dma_wait3A_1270] : memref<4x8192x384xf32, #tpu.memory_space<hbm>> -> memref<1x128x384xf32, #tpu.memory_space<hbm>>
    %dma_wait3A_1272 = tpu.memref_squeeze %dma_wait3A_1271 : memref<1x128x384xf32, #tpu.memory_space<hbm>> -> memref<128x384xf32, #tpu.memory_space<hbm>>
    %dma_wait3A_1273 = arith.constant 0 : i32
    %dma_wait3A_1274 = arith.constant 0 : i32
    %dma_wait3A_1275 = tpu.memref_slice %arg6[%dma_wait3A_1262, %dma_wait3A_1273, %dma_wait3A_1274] : memref<2x128x384xf32, #tpu.memory_space<vmem>> -> memref<1x128x384xf32, #tpu.memory_space<vmem>>
    %dma_wait3A_1276 = tpu.memref_squeeze %dma_wait3A_1275 : memref<1x128x384xf32, #tpu.memory_space<vmem>> -> memref<128x384xf32, #tpu.memory_space<vmem>>
    tpu.wait_dma2 semaphore(%arg10 : memref<!tpu.dma_semaphore, #tpu.memory_space<semaphore_mem>>) src(%dma_wait3A_1276 : memref<128x384xf32, #tpu.memory_space<vmem>>) dst(%dma_wait3A_1272 : memref<128x384xf32, #tpu.memory_space<hbm>>)
    return
  }
}

module attributes {stable_mosaic.version = 14 : i64} {
  func.func @_table_body(%arg0: memref<256x384xf32, #tpu.memory_space<vmem>>, %arg1: memref<384x384xf32, #tpu.memory_space<vmem>>, %arg2: memref<1x384xf32, #tpu.memory_space<vmem>>, %arg3: memref<256x384xf32, #tpu.memory_space<vmem>>) attributes {dimension_semantics = [], scalar_prefetch = 0 : i64, scratch_operands = 0 : i64, tpu.core_type = #tpu.core_type<tc>} {
    %get3A = arith.constant 0 : index
    %get3A_0 = arith.constant 0 : index
    %get3A_1 = vector.load %arg0[%get3A, %get3A_0] : memref<256x384xf32, #tpu.memory_space<vmem>>, vector<256x384xf32>
    %get3A_2 = arith.constant 0 : index
    %get3A_3 = arith.constant 0 : index
    %get3A_4 = vector.load %arg1[%get3A_2, %get3A_3] : memref<384x384xf32, #tpu.memory_space<vmem>>, vector<384x384xf32>
    %dot_general3A = arith.constant dense<0.000000e+00> : vector<256x384xf32>
    %dot_general3A_5 = tpu.matmul %get3A_1, %get3A_4, %dot_general3A {dimension_numbers = #tpu.dot_dimension_numbers<[1], [1], [0], [0], [0, 0, 1, 0], [], []>, transpose_lhs_hint = false} : vector<256x384xf32>, vector<384x384xf32>, vector<256x384xf32> -> vector<256x384xf32>
    %get3A_6 = arith.constant 0 : index
    %get3A_7 = arith.constant 0 : index
    %get3A_8 = vector.load %arg2[%get3A_6, %get3A_7] : memref<1x384xf32, #tpu.memory_space<vmem>>, vector<1x384xf32>
    %add3A = vector.broadcast %get3A_8 : vector<1x384xf32> to vector<256x384xf32>
    %add3A_9 = arith.addf %dot_general3A_5, %add3A : vector<256x384xf32>
    %swap3A = arith.constant 0 : index
    %swap3A_10 = arith.constant 0 : index
    %swap3A_11 = vector.load %arg3[%swap3A, %swap3A_10] : memref<256x384xf32, #tpu.memory_space<vmem>>, vector<256x384xf32>
    tpu.vector_store %arg3[%swap3A, %swap3A_10], %add3A_9 {strides = array<i32>} : memref<256x384xf32, #tpu.memory_space<vmem>>, vector<256x384xf32>,
    return
  }
}

</mosaic_0001>

<sc_bundles>
// kernel: kernel.4.cloned.1.call-start
scs
__scs_entry_jumppad:
0x0: {  	(pc) =	sbr.rel $0x88, $3  }
0x1: {  	(tag) =	ssettag $0x0;
	lr =	simm.s32 $0x1  }
0x2: {  	[smem:$0x3F9D] =	sst lr;
	_ =	strace $0xD0000000  }
0x3: {  	_ = 	snop  }
0x4: {  	_ = 	snop  }
0x5: {  	_ = 	snop  }
0x6: {  	_ = 	snop  }
0x7: {  	_ = 	snop  }
__scs_overlays_trampoline_lowered:
0x8: {  	[smem:$0x3FAC] =	sst s0  }
0x9: {  	[smem:$0x3FAD] =	sst s1  }
0xa: {  	[smem:$0x3FAE] =	sst s2  }
0xb: {  	[smem:$0x3FAF] =	sst s3  }
0xc: {  	[smem:$0x3FB0] =	sst s4  }
0xd: {  	[smem:$0x3FB1] =	sst s5  }
0xe: {  	[smem:$0x3FB2] =	sst s6  }
0xf: {  	[smem:$0x3FB3] =	sst s7  }
0x10: {  	[smem:$0x3FB4] =	sst s8  }
0x11: {  	[smem:$0x3FB5] =	sst s9;
	s0 =	simm.s32 @!p0 $0x0  }
0x12: {  	s1 =	sld [smem:$0x3F9B];
	s0 =	simm.s32 @p0 $0x1  }
0x13: {  	[smem:$0x3FB6] =	sst s0;
	s0 =	simm.s32 @!p1 $0x0  }
0x14: {  	s2 =	sld [smem:$0x3F9A];
	s0 =	simm.s32 @p1 $0x1  }
0x15: {  	[smem:$0x3FB7] =	sst s0;
	s0 =	simm.s32 @!p2 $0x0  }
0x16: {  	s3 =	sld [smem:$0x3FDB];
	s0 =	simm.s32 @p2 $0x1  }
0x17: {  	s4 =	simm.s32 $0x1BF5;
	[smem:$0x3FB9] =	sst s0  }
0x18: {  	s0 =	sld [smem:$0x3F9C];
	_ =	swait.ge [sflag:s4], $0x0  }
0x19: {  	s7 =	sld [smem:$0x3F9D]  }
0x1a: {  	s8 =	sadd.s32 $0xFFFFE003, lr  }
0x1b: {  	s9 =	sadd.s32 $0xFFFFFEF7, lr;
	s5 =	simm.s32 $0xFFFFFFFF;
	p2 =	slt.u32 s8, $0xFFFFF086  }
0x1c: {  	p1 =	slt.u32 s9, $0xF7A;
	s5 =	simm.s32 @!p2 $0x0  }
0x1d: {  	s5 =	simm.s32 @p1 $0x1;
	p0 =	seq.s32 s7, s2  }
0x1e: {  	s7 =	smul.u32 @!p0 $0xF7A, s2;
	p2 =	seq.s32 @!p0 s5, $0x0  }
0x1f: {  	s9 =	smul.u32 $0xF7A, s1;
	s8 =	simm.s32 @!p0 $0x1BF5;
	p2 =	por !p2, p0  }
0x20: {  	[sflag:s8] =	ssyncset.s32 @!p0 $0xFFFFF086;
	s6 =	sadd.s32 @!p0 s3, s7;
	s7 =	simm.s32 @!p0 $0x108  }
0x21: {  	s3 =	sadd.s32 s3, s9;
	s6 =	sadd.s32 @!p0 $0x88, s6;
	s7 =	simm.s32 @p2 $0x1082  }
0x22: {  	[simem:s7], [sflag:s8] =	dma.local @!p0 [hbm:s6], $0xF7A  }
0x23: {  	s9 =	sor.u32 $0xD0000000, s2;
	s6 =	simm.s32 $0x108;
	_ =	swait.ge @!p0 [sflag:s8], $0x0  }
0x24: {  	s3 =	sadd.s32 $0x88, s3;
	s6 =	simm.s32 @!p1 $0x1082;
	[sflag:s4] =	ssyncset.s32 $0xFFFFF086  }
0x25: {  	[simem:s6], [sflag:s4] =	dma.local [hbm:s3], $0xF7A  }
0x26: {  	[smem:$0x3F9D] =	sst s1;
	(tag) =	ssettag s2;
	_ =	strace s9  }
0x27: {  	s1 =	sld [smem:$0x3FAD]  }
0x28: {  	s2 =	sld [smem:$0x3FAE]  }
0x29: {  	s4 =	sld [smem:$0x3FB0]  }
0x2a: {  	p0 =	seq.s32 s5, $0x0;
	s5 =	sld [smem:$0x3FB1]  }
0x2b: {  	s6 =	sld [smem:$0x3FB2]  }
0x2c: {  	s7 =	sld [smem:$0x3FB3]  }
0x2d: {  	s3 =	simm.s32 $0x108;
	s8 =	sld [smem:$0x3FB4]  }
0x2e: {  	s3 =	simm.s32 @!p0 $0x1082;
	s9 =	sld [smem:$0x3FB5]  }
0x2f: {  	lr =	sadd.s32 s0, s3;
	s0 =	sld [smem:$0x3FAC]  }
0x30: {  	s3 =	sld [smem:$0x3FAF]  }
0x31: {  	[smem:$0x3FB8] =	sst s10  }
0x32: {  	s10 =	sld [smem:$0x3FB6];
	_ =	sdelay $0x3  }
0x33: {  	p0 =	seq.s32 s10, $0x1;
	s10 =	sld [smem:$0x3FB8];
	_ =	sdelay $0x3  }
0x34: {  	[smem:$0x3FB8] =	sst s10  }
0x35: {  	s10 =	sld [smem:$0x3FB7];
	_ =	sdelay $0x3  }
0x36: {  	p1 =	seq.s32 s10, $0x1;
	s10 =	sld [smem:$0x3FB8];
	_ =	sdelay $0x3  }
0x37: {  	[smem:$0x3FB8] =	sst s10  }
0x38: {  	s10 =	sld [smem:$0x3FB9]  }
0x39: {  	_ = 	snop;
	(pc) =	sbr.ind lr, $3  }
0x3a: {  	_ = 	snop  }
0x3b: {  	_ = 	snop  }
0x3c: {  	p2 =	seq.s32 s10, $0x1;
	s10 =	sld [smem:$0x3FB8]  }
0x3d: {  	_ =	shalt  }
0x3e: {  	_ =	shalt  }
0x3f: {  	_ =	shalt  }
0x40: {  	_ =	shalt  }
0x41: {  	_ =	shalt  }
0x42: {  	_ =	shalt  }
0x43: {  	_ =	shalt  }
0x44: {  	_ =	shalt  }
0x45: {  	_ =	shalt  }
0x46: {  	_ =	shalt  }
0x47: {  	_ =	shalt  }
0x48: {  	_ =	shalt  }
0x49: {  	_ =	shalt  }
0x4a: {  	_ =	shalt  }
0x4b: {  	_ =	shalt  }
0x4c: {  	_ =	shalt  }
0x4d: {  	_ =	shalt  }
0x4e: {  	_ =	shalt  }
0x4f: {  	_ =	shalt  }
0x50: {  	_ =	shalt  }
0x51: {  	_ =	shalt  }
0x52: {  	_ =	shalt  }
0x53: {  	_ =	shalt  }
0x54: {  	_ =	shalt  }
0x55: {  	_ =	shalt  }
0x56: {  	_ =	shalt  }
0x57: {  	_ =	shalt  }
0x58: {  	_ =	shalt  }
0x59: {  	_ =	shalt  }
0x5a: {  	_ =	shalt  }
0x5b: {  	_ =	shalt  }
0x5c: {  	_ =	shalt  }
0x5d: {  	_ =	shalt  }
0x5e: {  	_ =	shalt  }
0x5f: {  	_ =	shalt  }
0x60: {  	_ =	shalt  }
0x61: {  	_ =	shalt  }
0x62: {  	_ =	shalt  }
0x63: {  	_ =	shalt  }
0x64: {  	_ =	shalt  }
0x65: {  	_ =	shalt  }
0x66: {  	_ =	shalt  }
0x67: {  	_ =	shalt  }
0x68: {  	_ =	shalt  }
0x69: {  	_ =	shalt  }
0x6a: {  	_ =	shalt  }
0x6b: {  	_ =	shalt  }
0x6c: {  	_ =	shalt  }
0x6d: {  	_ =	shalt  }
0x6e: {  	_ =	shalt  }
0x6f: {  	_ =	shalt  }
0x70: {  	_ =	shalt  }
0x71: {  	_ =	shalt  }
0x72: {  	_ =	shalt  }
0x73: {  	_ =	shalt  }
0x74: {  	_ =	shalt  }
0x75: {  	_ =	shalt  }
0x76: {  	_ =	shalt  }
0x77: {  	_ =	shalt  }
0x78: {  	_ =	shalt  }
0x79: {  	_ =	shalt  }
0x7a: {  	_ =	shalt  }
0x7b: {  	_ =	shalt  }
0x7c: {  	_ =	shalt  }
0x7d: {  	_ =	shalt  }
0x7e: {  	_ =	shalt  }
0x7f: {  	_ =	shalt  }
0x80: {  	_ =	shalt  }
0x81: {  	_ =	shalt  }
0x82: {  	_ =	shalt  }
0x83: {  	_ =	shalt  }
0x84: {  	_ =	shalt  }
0x85: {  	_ =	shalt  }
0x86: {  	_ =	shalt  }
0x87: {  	_ =	shalt  }
.Lfunc_end0:
.L_simem_size_0:
called_computation_lowered:
.L_overlay_start_0:
0x88: {  	s2 =	sld [smem:$0x3FD9]  }
0x89: {  	s3 =	sld [smem:$0x3FFE];
	_ =	sdelay $0x1  }
0x8a: {  	s1 =	srdreg.scid  }
0x8b: {  	s0 =	sand.u32 $0x1, s1  }
0x8c: {  	s17 =	sshll.u32 s0, $0xA;
	s2 =	sadd.s32 s3, s2  }
0x8d: {  	s2 =	sadd.s32 s2, s17  }
0x8e: {  	[smem:$0x3FC4] =	sst s2  }
0x8f: {  	_ = 	snop  }
0x90: {  	s2 =	sld [smem:$0x3FD0];
	(tm) =	ssettm $0x1  }
0x91: {  	s18 =	sld [smem:$0x3FFB];
	_ =	sdelay $0x3  }
0x92: {  	_ =	strace s18  }
0x93: {  	s3 =	sld [smem:$0x3FFC];
	_ =	sdelay $0x3  }
0x94: {  	_ =	strace s3  }
0x95: {  	s3 =	sld [smem:$0x3FFD];
	_ =	sdelay $0x3  }
0x96: {  	_ =	strace s3  }
0x97: {  	_ =	strace $0x8FFFFFFF  }
0x98: {  	s19 =	sld [smem:$0x3FDB];
	_ =	sdelay $0x1  }
0x99: {  	s4 =	simm.s32 $_scs_section_size  }
0x9a: {  	s5 =	simm.s32 $_size__tile_overlayer_lowered;
	s6 =	simm.s32 $_tile_overlayer_lowered  }
0x9b: {  	s22 =	simm.s32 $0x1BFF;
	s21 =	sshll.u32 s6, $0x1;
	s3 =	sadd.s32 s4, s19  }
0x9c: {  	s7 =	simm.s32 $0x0;
	s20 =	sshll.u32 s5, $0x1;
	s5 =	sadd.s32 s21, s3  }
0x9d: {  	[timem:s7], [sflag:s22] =	dma.local [hbm:s5], s20  }
0x9e: {  	_ =	swait.ge [sflag:s22], s20  }
0x9f: {  	s4 =	ssub.s32 $0x0, s20;
	[sflag:s22] =	ssyncset.done $0x0  }
0xa0: {  	[sflag:s22] =	ssyncadd.s32 s4;
	_ =	sdelay $0x1  }
0xa1: {  	s23 =	simm.s32 $0x1B8B  }
0xa2: {  	_ =	swait.ge [sflag:s23], $0x1  }
0xa3: {  	[sflag:s23] =	ssyncset.done $0x0  }
0xa4: {  	s25 =	simm.s32 $0x1B8E;
	s24 =	sld [smem:$0x3FFE];
	[sflag:s23] =	ssyncadd.s32 $0xFFFFFFFF  }
0xa5: {  	s26 =	simm.s32 $execute0_lowered;
	[smem:$0x3FD2] =	sst s25  }
0xa6: {  	s5 =	sshll.u32 s26, $0x1;
	_ =	strace $0x80000046;
	[dreg:$0x1] =	wrdreg $0xFFFFFFFF  }
0xa7: {  	s28 =	simm.s32 $_size_execute0_lowered;
	s3 =	sadd.s32 s3, s5;
	[dreg:$0x0] =	wrdreg $0x0  }
0xa8: {  	s5 =	sshll.u32 s28, $0x1;
	[dreg:$0x2] =	wrdreg s3  }
0xa9: {  	[dreg:$0x3] =	wrdreg s5  }
0xaa: {  	[dreg:$0x4] =	wrdreg $0xC0  }
0xab: {  	_ =	task [dreg:s7], $0x5FFFF  }
0xac: {  	[dreg:$0x1] =	wrdreg $0xFFFFFFFF  }
0xad: {  	[dreg:$0x0] =	wrdreg $0x60  }
0xae: {  	[dreg:$0x2] =	wrdreg s24  }
0xaf: {  	[dreg:$0x3] =	wrdreg s2  }
0xb0: {  	[dreg:$0x4] =	wrdreg $0x9  }
0xb1: {  	_ =	task.clear_ibuf [dreg:s7], $0x5FFFF;
	_ =	strace $0x90000046  }
0xb2: {  	s29 =	simm.s32 $0x9;
	_ =	strace $0x80000048  }
0xb3: {  	_ =	swait.ge [sflag:s29], $0x1  }
0xb4: {  	[sflag:s29] =	ssyncadd.s32 $0xFFFFFFFF  }
0xb5: {  	_ =	strace $0x90000048  }
0xb6: {  	_ =	sfence  }
0xb7: {  	s30 =	sld [smem:$0x0];
	_ =	sdelay $0x2  }
0xb8: {  	s31 =	sshll.u32 s1, $0xD;
	s1 =	sshrl.u32 s1, $0x2  }
0xb9: {  	s3 =	sand.u32 $0x4000, s31;
	s1 =	sadd.s32 s1, s30  }
0xba: {  	s0 =	sor.u32 s3, s0;
	s1 =	sshll.u32 s1, $0x11  }
0xbb: {  	s0 =	sor.u32 s1, s0  }
0xbc: {  	s0 =	sadd.s32 $0x8F2B, s0  }
0xbd: {  	[sflag:s0] =	ssyncadd.remote.s32 $0x1  }
0xbe: {  	_ =	sfence.sel $0xFFFF  }
0xbf: {  	[dreg:$0x0] =	wrdreg $0xFFFFFFFF;
	(pc) =	sbr.abs _section_cstart, $3  }
0xc0: {  	[dreg:$0x1] =	wrdreg $0xFFFFFFFF  }
0xc1: {  	_ =	task.clear_ibuf [dreg:s7], $0x2FFFF;
	_ =	strace $0x9FFFFFFF  }
0xc2: {  	(tm) =	ssettm $0x7FFFFFFF  }
0xc3: {  	_ =	shalt  }
tec
execute0_lowered:
.L_overlay_start_1:
0x0: {  	(tag) =	ssettag $0x1  }
0x1: {  	s0 =	srdreg.scid;
	s2 =	stileid.u32  }
0x2: {  	s0 =	sand.u32 $0x1, s0;
	s1 =	sshll.u32 s2, $0x1  }
0x3: {  	s2 =	sshrl.u32 s2, $0x2;
	s1 =	sor.u32 s0, s1  }
0x4: {  	s5 =	smul.u32 $0x300000, s2;
	s4 =	sand.u32 $0x7, s1  }
0x5: {  	s3 =	rddreg [dreg:$0x0];
	s4 =	smul.u32 $0x60000, s4  }
0x6: {  	s6 =	rddreg [dreg:$0x1];
	s1 =	sshll.u32 s1, $0x7  }
0x7: {  	s2 =	simm.s32 $0x0;
	s1 =	sadd.s32 s1, s3;
	s4 =	sadd.s32 s5, s4  }
0x8: {  	[smem:$0x7FF] =	sst s2;
	s1 =	sadd.s32 $0xA00, s1;
	s4 =	sshrl.u32 s4, $0x3  }
0x9: {  	_ =	strace $0x80000047;
	[dreg:$0x3] =	wrdreg s1;
	s6 =	sadd.s32 s6, s4  }
0xa: {  	s23 =	sadd.s32 $0x1800, s6;
	[dreg:$0xb] =	wrdreg s6  }
0xb: {  	s24 =	sadd.s32 $0x3000, s6;
	[dreg:$0x4] =	wrdreg s23  }
0xc: {  	s25 =	sadd.s32 $0x4800, s6;
	[dreg:$0x5] =	wrdreg s24  }
0xd: {  	s0 =	ssub.s32 $0x2, s0;
	s26 =	sadd.s32 $0x6000, s6;
	[dreg:$0x6] =	wrdreg s25  }
0xe: {  	s29 =	sshrl.u32 s0, $0x1;
	s28 =	sadd.s32 $0x7800, s6;
	[dreg:$0x7] =	wrdreg s26  }
0xf: {  	s0 =	ssub.s32 s0, s29;
	s30 =	sadd.s32 $0x9000, s6;
	[dreg:$0x8] =	wrdreg s28  }
0x10: {  	v2 =	vlaneseq.u32;
	s0 =	smax.u32 s0, $0x1;
	s31 =	sadd.s32 $0xA800, s6;
	[dreg:$0x9] =	wrdreg s30  }
0x11: {  	vm0 =	vmmov $0xffff;
	vm1 =	vmmov $0xff;
	v1 =	vshrl.u32 v2, $0x3;
	s5 =	sadd.s32 $0x1B00, s3;
	s4 =	sadd.s32 $0x1A00, s3;
	[dreg:$0xa] =	wrdreg s31  }
0x12: {  	v0 =	vand.u32 $0x7, v2;
	v2 =	vor.u32 $0x8, v2;
	v1 =	vmul.u32 $0x8, v1;
	s23 =	simm.s32 $0x1;
	s24 =	simm.s32 $0x2;
	s25 =	simm.s32 $0x3  }
.LBB2_1:
0x13: {  	[dreg:$0xc] =	wrdreg s0  }
0x14: {  	s15 =	simm.s32 $0x5;
	s26 =	rddreg [dreg:$0x3]  }
0x15: {  	[tilespmem:s2], [sflag:$0x5] =	stream.linear.gather [hbm4b:s26+s2], $0x400, $0x38;
	[tilespmem:$0x18400] =	vst v63  }
0x16: {  	_ =	swait.ge [sflag:s15], $0x400  }
0x17: {  	[sflag:s15] =	ssyncset.done $0x0  }
0x18: {  	[sflag:s15] =	ssyncadd.s32 $0xFFFFFC00  }
0x19: {  	v3 =	vld [tilespmem:$0x0]  }
0x1a: {  	v4 =	vld [tilespmem:$0x10]  }
0x1b: {  	v5 =	vld [tilespmem:$0x20]  }
0x1c: {  	v6 =	vld [tilespmem:$0x30]  }
0x1d: {  	v7 =	vld [tilespmem:$0x40]  }
0x1e: {  	v8 =	vld [tilespmem:$0x50];
	vm2 =	vgt.s32 v3, $0x0  }
0x1f: {  	v9 =	vld [tilespmem:$0x60];
	v3 =	vnsel vm2, $0x0, v3;
	vm2 =	vgt.s32 v4, $0x0  }
0x20: {  	v10 =	vld [tilespmem:$0x70];
	v3 =	vmin.u32 v3, $0xFF;
	v4 =	vnsel vm2, $0x0, v4;
	vm2 =	vgt.s32 v5, $0x0  }
0x21: {  	v11 =	vld [tilespmem:$0x80];
	v4 =	vmin.u32 v4, $0xFF;
	v5 =	vnsel vm2, $0x0, v5;
	vm2 =	vgt.s32 v6, $0x0  }
0x22: {  	v12 =	vld [tilespmem:$0x90];
	v5 =	vmin.u32 v5, $0xFF;
	v6 =	vnsel vm2, $0x0, v6;
	vm2 =	vgt.s32 v7, $0x0  }
0x23: {  	v36 =	vld [tilespmem:$0xA0];
	[tilespmem:$0x0] =	vst v3;
	v34 =	vmin.u32 v6, $0xFF;
	v35 =	vnsel vm2, $0x0, v7;
	vm2 =	vgt.s32 v8, $0x0  }
0x24: {  	v39 =	vld [tilespmem:$0xB0];
	[tilespmem:$0x10] =	vst v4;
	v37 =	vmin.u32 v35, $0xFF;
	v38 =	vnsel vm2, $0x0, v8;
	vm2 =	vgt.s32 v9, $0x0  }
0x25: {  	v42 =	vld [tilespmem:$0xC0];
	[tilespmem:$0x20] =	vst v5;
	v40 =	vmin.u32 v38, $0xFF;
	v41 =	vnsel vm2, $0x0, v9;
	vm2 =	vgt.s32 v10, $0x0  }
0x26: {  	v45 =	vld [tilespmem:$0xD0];
	[tilespmem:$0x30] =	vst v34;
	v43 =	vmin.u32 v41, $0xFF;
	v44 =	vnsel vm2, $0x0, v10;
	vm2 =	vgt.s32 v11, $0x0  }
0x27: {  	v48 =	vld [tilespmem:$0xE0];
	[tilespmem:$0x40] =	vst v37;
	v46 =	vmin.u32 v44, $0xFF;
	v47 =	vnsel vm2, $0x0, v11;
	vm2 =	vgt.s32 v12, $0x0  }
0x28: {  	v51 =	vld [tilespmem:$0xF0];
	[tilespmem:$0x50] =	vst v40;
	v49 =	vmin.u32 v47, $0xFF;
	v50 =	vnsel vm2, $0x0, v12;
	vm2 =	vgt.s32 v36, $0x0  }
0x29: {  	v54 =	vld [tilespmem:$0x100];
	[tilespmem:$0x60] =	vst v43;
	v52 =	vmin.u32 v50, $0xFF;
	v53 =	vnsel vm2, $0x0, v36;
	vm2 =	vgt.s32 v39, $0x0  }
0x2a: {  	v57 =	vld [tilespmem:$0x110];
	[tilespmem:$0x70] =	vst v46;
	v55 =	vmin.u32 v53, $0xFF;
	v56 =	vnsel vm2, $0x0, v39;
	vm2 =	vgt.s32 v42, $0x0  }
0x2b: {  	v60 =	vld [tilespmem:$0x120];
	[tilespmem:$0x80] =	vst v49;
	v58 =	vmin.u32 v56, $0xFF;
	v59 =	vnsel vm2, $0x0, v42;
	vm2 =	vgt.s32 v45, $0x0  }
0x2c: {  	v63 =	vld [tilespmem:$0x130];
	[tilespmem:$0x90] =	vst v52;
	v61 =	vmin.u32 v59, $0xFF;
	v62 =	vnsel vm2, $0x0, v45;
	vm2 =	vgt.s32 v48, $0x0  }
0x2d: {  	v18 =	vld [tilespmem:$0x140];
	[tilespmem:$0xA0] =	vst v55;
	v16 =	vmin.u32 v62, $0xFF;
	v17 =	vnsel vm2, $0x0, v48;
	vm2 =	vgt.s32 v51, $0x0  }
0x2e: {  	v21 =	vld [tilespmem:$0x150];
	[tilespmem:$0xB0] =	vst v58;
	v19 =	vmin.u32 v17, $0xFF;
	v20 =	vnsel vm2, $0x0, v51;
	vm2 =	vgt.s32 v54, $0x0  }
0x2f: {  	v24 =	vld [tilespmem:$0x160];
	[tilespmem:$0xC0] =	vst v61;
	v22 =	vmin.u32 v20, $0xFF;
	v23 =	vnsel vm2, $0x0, v54;
	vm2 =	vgt.s32 v57, $0x0  }
0x30: {  	v27 =	vld [tilespmem:$0x170];
	[tilespmem:$0xD0] =	vst v16;
	v25 =	vmin.u32 v23, $0xFF;
	v26 =	vnsel vm2, $0x0, v57;
	vm2 =	vgt.s32 v60, $0x0  }
0x31: {  	v30 =	vld [tilespmem:$0x180];
	[tilespmem:$0xE0] =	vst v19;
	v28 =	vmin.u32 v26, $0xFF;
	v29 =	vnsel vm2, $0x0, v60;
	vm2 =	vgt.s32 v63, $0x0  }
0x32: {  	v33 =	vld [tilespmem:$0x190];
	[tilespmem:$0xF0] =	vst v22;
	v31 =	vmin.u32 v29, $0xFF;
	v32 =	vnsel vm2, $0x0, v63;
	vm2 =	vgt.s32 v18, $0x0  }
0x33: {  	v36 =	vld [tilespmem:$0x1A0];
	[tilespmem:$0x100] =	vst v25;
	v34 =	vmin.u32 v32, $0xFF;
	v35 =	vnsel vm2, $0x0, v18;
	vm2 =	vgt.s32 v21, $0x0  }
0x34: {  	v39 =	vld [tilespmem:$0x1B0];
	[tilespmem:$0x110] =	vst v28;
	v37 =	vmin.u32 v35, $0xFF;
	v38 =	vnsel vm2, $0x0, v21;
	vm2 =	vgt.s32 v24, $0x0  }
0x35: {  	v42 =	vld [tilespmem:$0x1C0];
	[tilespmem:$0x120] =	vst v31;
	v40 =	vmin.u32 v38, $0xFF;
	v41 =	vnsel vm2, $0x0, v24;
	vm2 =	vgt.s32 v27, $0x0  }
0x36: {  	v45 =	vld [tilespmem:$0x1D0];
	[tilespmem:$0x130] =	vst v34;
	v43 =	vmin.u32 v41, $0xFF;
	v44 =	vnsel vm2, $0x0, v27;
	vm2 =	vgt.s32 v30, $0x0  }
0x37: {  	v48 =	vld [tilespmem:$0x1E0];
	[tilespmem:$0x140] =	vst v37;
	v46 =	vmin.u32 v44, $0xFF;
	v47 =	vnsel vm2, $0x0, v30;
	vm2 =	vgt.s32 v33, $0x0  }
0x38: {  	v51 =	vld [tilespmem:$0x1F0];
	[tilespmem:$0x150] =	vst v40;
	v49 =	vmin.u32 v47, $0xFF;
	v50 =	vnsel vm2, $0x0, v33;
	vm2 =	vgt.s32 v36, $0x0  }
0x39: {  	v54 =	vld [tilespmem:$0x200];
	[tilespmem:$0x160] =	vst v43;
	v52 =	vmin.u32 v50, $0xFF;
	v53 =	vnsel vm2, $0x0, v36;
	vm2 =	vgt.s32 v39, $0x0  }
0x3a: {  	v57 =	vld [tilespmem:$0x210];
	[tilespmem:$0x170] =	vst v46;
	v55 =	vmin.u32 v53, $0xFF;
	v56 =	vnsel vm2, $0x0, v39;
	vm2 =	vgt.s32 v42, $0x0  }
0x3b: {  	v60 =	vld [tilespmem:$0x220];
	[tilespmem:$0x180] =	vst v49;
	v58 =	vmin.u32 v56, $0xFF;
	v59 =	vnsel vm2, $0x0, v42;
	vm2 =	vgt.s32 v45, $0x0  }
0x3c: {  	v63 =	vld [tilespmem:$0x230];
	[tilespmem:$0x190] =	vst v52;
	v61 =	vmin.u32 v59, $0xFF;
	v62 =	vnsel vm2, $0x0, v45;
	vm2 =	vgt.s32 v48, $0x0  }
0x3d: {  	v18 =	vld [tilespmem:$0x240];
	[tilespmem:$0x1A0] =	vst v55;
	v16 =	vmin.u32 v62, $0xFF;
	v17 =	vnsel vm2, $0x0, v48;
	vm2 =	vgt.s32 v51, $0x0  }
0x3e: {  	v21 =	vld [tilespmem:$0x250];
	[tilespmem:$0x1B0] =	vst v58;
	v19 =	vmin.u32 v17, $0xFF;
	v20 =	vnsel vm2, $0x0, v51;
	vm2 =	vgt.s32 v54, $0x0  }
0x3f: {  	v24 =	vld [tilespmem:$0x260];
	[tilespmem:$0x1C0] =	vst v61;
	v22 =	vmin.u32 v20, $0xFF;
	v23 =	vnsel vm2, $0x0, v54;
	vm2 =	vgt.s32 v57, $0x0  }
0x40: {  	v27 =	vld [tilespmem:$0x270];
	[tilespmem:$0x1D0] =	vst v16;
	v25 =	vmin.u32 v23, $0xFF;
	v26 =	vnsel vm2, $0x0, v57;
	vm2 =	vgt.s32 v60, $0x0  }
0x41: {  	v30 =	vld [tilespmem:$0x280];
	[tilespmem:$0x1E0] =	vst v19;
	v28 =	vmin.u32 v26, $0xFF;
	v29 =	vnsel vm2, $0x0, v60;
	vm2 =	vgt.s32 v63, $0x0  }
0x42: {  	v33 =	vld [tilespmem:$0x290];
	[tilespmem:$0x1F0] =	vst v22;
	v31 =	vmin.u32 v29, $0xFF;
	v32 =	vnsel vm2, $0x0, v63;
	vm2 =	vgt.s32 v18, $0x0  }
0x43: {  	v36 =	vld [tilespmem:$0x2A0];
	[tilespmem:$0x200] =	vst v25;
	v34 =	vmin.u32 v32, $0xFF;
	v35 =	vnsel vm2, $0x0, v18;
	vm2 =	vgt.s32 v21, $0x0  }
0x44: {  	v39 =	vld [tilespmem:$0x2B0];
	[tilespmem:$0x210] =	vst v28;
	v37 =	vmin.u32 v35, $0xFF;
	v38 =	vnsel vm2, $0x0, v21;
	vm2 =	vgt.s32 v24, $0x0  }
0x45: {  	v42 =	vld [tilespmem:$0x2C0];
	[tilespmem:$0x220] =	vst v31;
	v40 =	vmin.u32 v38, $0xFF;
	v41 =	vnsel vm2, $0x0, v24;
	vm2 =	vgt.s32 v27, $0x0  }
0x46: {  	v45 =	vld [tilespmem:$0x2D0];
	[tilespmem:$0x230] =	vst v34;
	v43 =	vmin.u32 v41, $0xFF;
	v44 =	vnsel vm2, $0x0, v27;
	vm2 =	vgt.s32 v30, $0x0  }
0x47: {  	[tilespmem:$0x240] =	vst v37;
	v46 =	vmin.u32 v44, $0xFF;
	v47 =	vnsel vm2, $0x0, v30;
	vm2 =	vgt.s32 v33, $0x0  }
0x48: {  	v48 =	vld [tilespmem:$0x2E0];
	[tilespmem:$0x250] =	vst v40;
	v49 =	vmin.u32 v47, $0xFF;
	v50 =	vnsel vm2, $0x0, v33;
	vm2 =	vgt.s32 v36, $0x0  }
0x49: {  	v51 =	vld [tilespmem:$0x2F0];
	[tilespmem:$0x260] =	vst v43;
	v52 =	vmin.u32 v50, $0xFF;
	v53 =	vnsel vm2, $0x0, v36;
	vm2 =	vgt.s32 v39, $0x0  }
0x4a: {  	v54 =	vld [tilespmem:$0x300];
	[tilespmem:$0x270] =	vst v46;
	v55 =	vmin.u32 v53, $0xFF;
	v56 =	vnsel vm2, $0x0, v39;
	vm2 =	vgt.s32 v42, $0x0  }
0x4b: {  	v57 =	vld [tilespmem:$0x310];
	[tilespmem:$0x280] =	vst v49;
	v58 =	vmin.u32 v56, $0xFF;
	v59 =	vnsel vm2, $0x0, v42;
	vm2 =	vgt.s32 v45, $0x0  }
0x4c: {  	[tilespmem:$0x290] =	vst v52;
	v42 =	vshrl.u32 v3, $0x3;
	v3 =	vand.u32 $0x7, v3;
	v61 =	vmin.u32 v59, $0xFF  }
0x4d: {  	v60 =	vld [tilespmem:$0x320];
	[tilespmem:$0x2A0] =	vst v55;
	v62 =	vnsel vm2, $0x0, v45;
	vm2 =	vgt.s32 v48, $0x0;
	v11 =	vmul.u32 $0x18, v42  }
0x4e: {  	v63 =	vld [tilespmem:$0x330];
	[tilespmem:$0x2B0] =	vst v58;
	v14 =	vmin.u32 v62, $0xFF;
	v15 =	vnsel vm2, $0x0, v48;
	vm2 =	vgt.s32 v51, $0x0  }
0x4f: {  	v16 =	vld [tilespmem:$0x340];
	[tilespmem:$0x2C0] =	vst v61;
	v17 =	vmin.u32 v15, $0xFF;
	v18 =	vnsel vm2, $0x0, v51;
	vm2 =	vgt.s32 v54, $0x0  }
0x50: {  	v19 =	vld [tilespmem:$0x350];
	[tilespmem:$0x2D0] =	vst v14;
	v3 =	vor.u32 v3, v11;
	v21 =	vnsel vm2, $0x0, v54;
	vm2 =	vgt.s32 v57, $0x0  }
0x51: {  	v22 =	vld [tilespmem:$0x360];
	v20 =	vmin.u32 v18, $0xFF;
	[tilespmem:$0x2E0] =	vst v17;
	v51 =	vperm.xlane v3, v0;
	v24 =	vnsel vm2, $0x0, v57  }
0x52: {  	v25 =	vld [tilespmem:$0x370];
	v23 =	vmin.u32 v21, $0xFF;
	vm2 =	vgt.s32 v60, $0x0;
	[tilespmem:$0x2F0] =	vst v20;
	v26 =	vmin.u32 v24, $0xFF  }
0x53: {  	v28 =	vld [tilespmem:$0x380];
	v27 =	vnsel vm2, $0x0, v60;
	vm2 =	vgt.s32 v63, $0x0;
	[tilespmem:$0x300] =	vst v23;
	v54 =	vadd.s32 v1, v51  }
0x54: {  	v30 =	vld [tilespmem:$0x390];
	v6 =	vmin.u32 v27, $0xFF;
	v12 =	vnsel vm2, $0x0, v63;
	vm2 =	vgt.s32 v16, $0x0;
	[tilespmem:$0x310] =	vst v26  }
0x55: {  	v33 =	vld [tilespmem:$0x3A0];
	v29 =	vmin.u32 v12, $0xFF;
	v7 =	vnsel vm2, $0x0, v16;
	vm2 =	vgt.s32 v19, $0x0;
	[tilespmem:$0x320] =	vst v6  }
0x56: {  	v36 =	vld [tilespmem:$0x3B0];
	v31 =	vmin.u32 v7, $0xFF;
	v32 =	vnsel vm2, $0x0, v19;
	vm2 =	vgt.s32 v22, $0x0;
	[tilespmem:$0x330] =	vst v29  }
0x57: {  	v39 =	vld [tilespmem:$0x3C0];
	v34 =	vmin.u32 v32, $0xFF;
	v35 =	vnsel vm2, $0x0, v22;
	vm2 =	vgt.s32 v25, $0x0;
	[tilespmem:$0x340] =	vst v31  }
0x58: {  	v44 =	vld [tilespmem:$0x3D0];
	v37 =	vmin.u32 v35, $0xFF;
	v38 =	vnsel vm2, $0x0, v25;
	vm2 =	vgt.s32 v28, $0x0;
	[tilespmem:$0x350] =	vst v34  }
0x59: {  	v46 =	vld [tilespmem:$0x3E0];
	v40 =	vmin.u32 v38, $0xFF;
	v41 =	vnsel vm2, $0x0, v28;
	vm2 =	vgt.s32 v30, $0x0;
	[tilespmem:$0x360] =	vst v37  }
0x5a: {  	v48 =	vld [tilespmem:$0x3F0];
	v43 =	vmin.u32 v41, $0xFF;
	v45 =	vnsel vm2, $0x0, v30;
	vm2 =	vgt.s32 v33, $0x0;
	[tilespmem:$0x370] =	vst v40  }
0x5b: {  	v47 =	vnsel vm2, $0x0, v33;
	vm2 =	vgt.s32 v36, $0x0;
	[tilespmem:$0x380] =	vst v43;
	v5 =	vmin.u32 v45, $0xFF  }
0x5c: {  	v49 =	vnsel vm2, $0x0, v36;
	vm2 =	vgt.s32 v39, $0x0;
	[tilespmem:$0x390] =	vst v5;
	v4 =	vmin.u32 v47, $0xFF  }
0x5d: {  	v50 =	vnsel vm2, $0x0, v39;
	[tilespmem:$0x3A0] =	vst v4;
	v52 =	vmin.u32 v49, $0xFF;
	vm2 =	vgt.s32 v44, $0x0  }
0x5e: {  	v5 =	vmin.u32 v50, $0xFF;
	[tilespmem:$0x3B0] =	vst v52;
	v53 =	vnsel vm2, $0x0, v44;
	vm2 =	vgt.s32 v46, $0x0  }
0x5f: {  	[tilespmem:$0x3C0] =	vst v5;
	v4 =	vmin.u32 v53, $0xFF;
	v55 =	vnsel vm2, $0x0, v46;
	vm2 =	vgt.s32 v48, $0x0  }
0x60: {  	v3 =	vperm.xlane v3, v2;
	[tilespmem:$0x3D0] =	vst v4;
	v56 =	vnsel vm2, $0x0, v48;
	v5 =	vmin.u32 v55, $0xFF  }
0x61: {  	[tilespmem:$0x3E0] =	vst v5;
	v4 =	vmin.u32 v56, $0xFF  }
0x62: {  	s16 =	simm.s32 $0x400;
	v3 =	vadd.s32 v1, v3;
	[tilespmem:$0x3F0] =	vst v4  }
0x63: {  	[tilespmem:s16], [sflag:$0x1] =	stream.indirect_vreg.gather [hbm4b:s4+s2], $0x80, v54, vm0, $0xb8;
	[tilespmem:$0x18400] =	vst v63  }
0x64: {  	s17 =	simm.s32 $0xC00  }
0x65: {  	[tilespmem:s17], [sflag:$0x1] =	stream.indirect_vreg.gather [hbm4b:s5+s2], $0x80, v54, vm1, $0xb8;
	[tilespmem:$0x18400] =	vst v63  }
0x66: {  	s18 =	simm.s32 $0x1000  }
0x67: {  	[tilespmem:s18], [sflag:$0x1] =	stream.indirect_vreg.gather [hbm4b:s4+s2], $0x80, v3, vm0, $0xb8;
	[tilespmem:$0x18400] =	vst v63  }
0x68: {  	s19 =	simm.s32 $0x1800  }
0x69: {  	[tilespmem:s19], [sflag:$0x1] =	stream.indirect_vreg.gather [hbm4b:s5+s2], $0x80, v3, vm1, $0xb8;
	[tilespmem:$0x18400] =	vst v63  }
0x6a: {  	v3 =	vld [tilespmem:$0x10];
	_ =	sdelay $0x4  }
0x6b: {  	v57 =	vshrl.u32 v3, $0x3  }
0x6c: {  	v4 =	vmul.u32 $0x18, v57  }
0x6d: {  	v3 =	vand.u32 $0x7, v3  }
0x6e: {  	v3 =	vor.u32 v3, v4  }
0x6f: {  	v4 =	vperm.xlane v3, v0;
	_ =	sdelay $0x1  }
0x70: {  	v4 =	vadd.s32 v1, v4;
	_ =	sdelay $0x1  }
0x71: {  	v3 =	vperm.xlane v3, v2;
	_ =	sdelay $0x1  }
0x72: {  	s20 =	simm.s32 $0x1C00;
	v3 =	vadd.s32 v1, v3  }
0x73: {  	[tilespmem:s20], [sflag:$0x1] =	stream.indirect_vreg.gather [hbm4b:s4+s2], $0x80, v4, vm0, $0xb8;
	[tilespmem:$0x18400] =	vst v63  }
0x74: {  	s21 =	simm.s32 $0x2400  }
0x75: {  	[tilespmem:s21], [sflag:$0x1] =	stream.indirect_vreg.gather [hbm4b:s5+s2], $0x80, v4, vm1, $0xb8;
	[tilespmem:$0x18400] =	vst v63  }
0x76: {  	s22 =	simm.s32 $0x2800  }
0x77: {  	[tilespmem:s22], [sflag:$0x1] =	stream.indirect_vreg.gather [hbm4b:s4+s2], $0x80, v3, vm0, $0xb8;
	[tilespmem:$0x18400] =	vst v63  }
0x78: {  	s26 =	simm.s32 $0x3000  }
0x79: {  	[tilespmem:s26], [sflag:$0x1] =	stream.indirect_vreg.gather [hbm4b:s5+s2], $0x80, v3, vm1, $0xb8;
	[tilespmem:$0x18400] =	vst v63  }
0x7a: {  	v3 =	vld [tilespmem:$0x20];
	_ =	sdelay $0x4  }
0x7b: {  	v58 =	vshrl.u32 v3, $0x3  }
0x7c: {  	v4 =	vmul.u32 $0x18, v58  }
0x7d: {  	v3 =	vand.u32 $0x7, v3  }
0x7e: {  	v3 =	vor.u32 v3, v4  }
0x7f: {  	v4 =	vperm.xlane v3, v0;
	_ =	sdelay $0x1  }
0x80: {  	v4 =	vadd.s32 v1, v4;
	_ =	sdelay $0x1  }
0x81: {  	v3 =	vperm.xlane v3, v2;
	_ =	sdelay $0x1  }
0x82: {  	s28 =	simm.s32 $0x3400;
	v3 =	vadd.s32 v1, v3  }
0x83: {  	[tilespmem:s28], [sflag:$0x1] =	stream.indirect_vreg.gather [hbm4b:s4+s2], $0x80, v4, vm0, $0xb8;
	[tilespmem:$0x18400] =	vst v63  }
0x84: {  	s29 =	simm.s32 $0x3C00  }
0x85: {  	[tilespmem:s29], [sflag:$0x1] =	stream.indirect_vreg.gather [hbm4b:s5+s2], $0x80, v4, vm1, $0xb8;
	[tilespmem:$0x18400] =	vst v63  }
0x86: {  	s30 =	simm.s32 $0x4000  }
0x87: {  	[tilespmem:s30], [sflag:$0x1] =	stream.indirect_vreg.gather [hbm4b:s4+s2], $0x80, v3, vm0, $0xb8;
	[tilespmem:$0x18400] =	vst v63  }
0x88: {  	s31 =	simm.s32 $0x4800  }
0x89: {  	[tilespmem:s31], [sflag:$0x1] =	stream.indirect_vreg.gather [hbm4b:s5+s2], $0x80, v3, vm1, $0xb8;
	[tilespmem:$0x18400] =	vst v63  }
0x8a: {  	v3 =	vld [tilespmem:$0x30];
	_ =	sdelay $0x4  }
0x8b: {  	v59 =	vshrl.u32 v3, $0x3  }
0x8c: {  	v4 =	vmul.u32 $0x18, v59  }
0x8d: {  	v3 =	vand.u32 $0x7, v3  }
0x8e: {  	v3 =	vor.u32 v3, v4  }
0x8f: {  	v4 =	vperm.xlane v3, v0;
	_ =	sdelay $0x1  }
0x90: {  	v4 =	vadd.s32 v1, v4;
	_ =	sdelay $0x1  }
0x91: {  	v3 =	vperm.xlane v3, v2;
	_ =	sdelay $0x1  }
0x92: {  	s1 =	simm.s32 $0x4C00;
	v3 =	vadd.s32 v1, v3  }
0x93: {  	[tilespmem:s1], [sflag:$0x1] =	stream.indirect_vreg.gather [hbm4b:s4+s2], $0x80, v4, vm0, $0xb8;
	[tilespmem:$0x18400] =	vst v63  }
0x94: {  	s6 =	simm.s32 $0x5400  }
0x95: {  	[tilespmem:s6], [sflag:$0x1] =	stream.indirect_vreg.gather [hbm4b:s5+s2], $0x80, v4, vm1, $0xb8;
	[tilespmem:$0x18400] =	vst v63  }
0x96: {  	s10 =	simm.s32 $0x5800  }
0x97: {  	[tilespmem:s10], [sflag:$0x1] =	stream.indirect_vreg.gather [hbm4b:s4+s2], $0x80, v3, vm0, $0xb8;
	[tilespmem:$0x18400] =	vst v63  }
0x98: {  	s11 =	simm.s32 $0x6000  }
0x99: {  	[tilespmem:s11], [sflag:$0x1] =	stream.indirect_vreg.gather [hbm4b:s5+s2], $0x80, v3, vm1, $0xb8;
	[tilespmem:$0x18400] =	vst v63  }
0x9a: {  	v3 =	vld [tilespmem:$0x40];
	_ =	sdelay $0x4  }
0x9b: {  	v60 =	vshrl.u32 v3, $0x3  }
0x9c: {  	v4 =	vmul.u32 $0x18, v60  }
0x9d: {  	v3 =	vand.u32 $0x7, v3  }
0x9e: {  	v3 =	vor.u32 v3, v4  }
0x9f: {  	v4 =	vperm.xlane v3, v0;
	_ =	sdelay $0x1  }
0xa0: {  	v4 =	vadd.s32 v1, v4;
	_ =	sdelay $0x1  }
0xa1: {  	v3 =	vperm.xlane v3, v2;
	_ =	sdelay $0x1  }
0xa2: {  	s12 =	simm.s32 $0x6400;
	v3 =	vadd.s32 v1, v3  }
0xa3: {  	[tilespmem:s12], [sflag:$0x1] =	stream.indirect_vreg.gather [hbm4b:s4+s2], $0x80, v4, vm0, $0xb8;
	[tilespmem:$0x18400] =	vst v63  }
0xa4: {  	s13 =	simm.s32 $0x6C00  }
0xa5: {  	[tilespmem:s13], [sflag:$0x1] =	stream.indirect_vreg.gather [hbm4b:s5+s2], $0x80, v4, vm1, $0xb8;
	[tilespmem:$0x18400] =	vst v63  }
0xa6: {  	s14 =	simm.s32 $0x7000  }
0xa7: {  	[tilespmem:s14], [sflag:$0x1] =	stream.indirect_vreg.gather [hbm4b:s4+s2], $0x80, v3, vm0, $0xb8;
	[tilespmem:$0x18400] =	vst v63  }
0xa8: {  	s15 =	simm.s32 $0x7800  }
0xa9: {  	[tilespmem:s15], [sflag:$0x1] =	stream.indirect_vreg.gather [hbm4b:s5+s2], $0x80, v3, vm1, $0xb8;
	[tilespmem:$0x18400] =	vst v63  }
0xaa: {  	v3 =	vld [tilespmem:$0x50];
	_ =	sdelay $0x4  }
0xab: {  	v61 =	vshrl.u32 v3, $0x3  }
0xac: {  	v4 =	vmul.u32 $0x18, v61  }
0xad: {  	v3 =	vand.u32 $0x7, v3  }
0xae: {  	v3 =	vor.u32 v3, v4  }
0xaf: {  	v4 =	vperm.xlane v3, v0;
	_ =	sdelay $0x1  }
0xb0: {  	v4 =	vadd.s32 v1, v4;
	_ =	sdelay $0x1  }
0xb1: {  	v3 =	vperm.xlane v3, v2;
	_ =	sdelay $0x1  }
0xb2: {  	s16 =	simm.s32 $0x7C00;
	v3 =	vadd.s32 v1, v3  }
0xb3: {  	[tilespmem:s16], [sflag:$0x1] =	stream.indirect_vreg.gather [hbm4b:s4+s2], $0x80, v4, vm0, $0xb8;
	[tilespmem:$0x18400] =	vst v63  }
0xb4: {  	s17 =	simm.s32 $0x8400  }
0xb5: {  	[tilespmem:s17], [sflag:$0x1] =	stream.indirect_vreg.gather [hbm4b:s5+s2], $0x80, v4, vm1, $0xb8;
	[tilespmem:$0x18400] =	vst v63  }
0xb6: {  	s18 =	simm.s32 $0x8800  }
0xb7: {  	[tilespmem:s18], [sflag:$0x1] =	stream.indirect_vreg.gather [hbm4b:s4+s2], $0x80, v3, vm0, $0xb8;
	[tilespmem:$0x18400] =	vst v63  }
0xb8: {  	s19 =	simm.s32 $0x9000  }
0xb9: {  	[tilespmem:s19], [sflag:$0x1] =	stream.indirect_vreg.gather [hbm4b:s5+s2], $0x80, v3, vm1, $0xb8;
	[tilespmem:$0x18400] =	vst v63  }
0xba: {  	v3 =	vld [tilespmem:$0x60];
	_ =	sdelay $0x4  }
0xbb: {  	v62 =	vshrl.u32 v3, $0x3  }
0xbc: {  	v4 =	vmul.u32 $0x18, v62  }
0xbd: {  	v3 =	vand.u32 $0x7, v3  }
0xbe: {  	v3 =	vor.u32 v3, v4  }
0xbf: {  	v4 =	vperm.xlane v3, v0;
	_ =	sdelay $0x1  }
0xc0: {  	v4 =	vadd.s32 v1, v4;
	_ =	sdelay $0x1  }
0xc1: {  	v3 =	vperm.xlane v3, v2;
	_ =	sdelay $0x1  }
0xc2: {  	s20 =	simm.s32 $0x9400;
	v3 =	vadd.s32 v1, v3  }
0xc3: {  	[tilespmem:s20], [sflag:$0x1] =	stream.indirect_vreg.gather [hbm4b:s4+s2], $0x80, v4, vm0, $0xb8;
	[tilespmem:$0x18400] =	vst v63  }
0xc4: {  	s21 =	simm.s32 $0x9C00  }
0xc5: {  	[tilespmem:s21], [sflag:$0x1] =	stream.indirect_vreg.gather [hbm4b:s5+s2], $0x80, v4, vm1, $0xb8;
	[tilespmem:$0x18400] =	vst v63  }
0xc6: {  	s22 =	simm.s32 $0xA000  }
0xc7: {  	[tilespmem:s22], [sflag:$0x1] =	stream.indirect_vreg.gather [hbm4b:s4+s2], $0x80, v3, vm0, $0xb8;
	[tilespmem:$0x18400] =	vst v63  }
0xc8: {  	s26 =	simm.s32 $0xA800  }
0xc9: {  	[tilespmem:s26], [sflag:$0x1] =	stream.indirect_vreg.gather [hbm4b:s5+s2], $0x80, v3, vm1, $0xb8;
	[tilespmem:$0x18400] =	vst v63  }
0xca: {  	v3 =	vld [tilespmem:$0x70];
	_ =	sdelay $0x4  }
0xcb: {  	v63 =	vshrl.u32 v3, $0x3  }
0xcc: {  	v4 =	vmul.u32 $0x18, v63  }
0xcd: {  	v3 =	vand.u32 $0x7, v3  }
0xce: {  	v3 =	vor.u32 v3, v4  }
0xcf: {  	v4 =	vperm.xlane v3, v0;
	_ =	sdelay $0x1  }
0xd0: {  	v4 =	vadd.s32 v1, v4;
	_ =	sdelay $0x1  }
0xd1: {  	v3 =	vperm.xlane v3, v2;
	_ =	sdelay $0x1  }
0xd2: {  	s28 =	simm.s32 $0xAC00;
	v3 =	vadd.s32 v1, v3  }
0xd3: {  	[tilespmem:s28], [sflag:$0x1] =	stream.indirect_vreg.gather [hbm4b:s4+s2], $0x80, v4, vm0, $0xb8;
	[tilespmem:$0x18400] =	vst v63  }
0xd4: {  	s29 =	simm.s32 $0xB400  }
0xd5: {  	[tilespmem:s29], [sflag:$0x1] =	stream.indirect_vreg.gather [hbm4b:s5+s2], $0x80, v4, vm1, $0xb8;
	[tilespmem:$0x18400] =	vst v63  }
0xd6: {  	s30 =	simm.s32 $0xB800  }
0xd7: {  	[tilespmem:s30], [sflag:$0x1] =	stream.indirect_vreg.gather [hbm4b:s4+s2], $0x80, v3, vm0, $0xb8;
	[tilespmem:$0x18400] =	vst v63  }
0xd8: {  	s31 =	simm.s32 $0xC000  }
0xd9: {  	[tilespmem:s31], [sflag:$0x1] =	stream.indirect_vreg.gather [hbm4b:s5+s2], $0x80, v3, vm1, $0xb8;
	[tilespmem:$0x18400] =	vst v63  }
0xda: {  	_ =	swait.ge [sflag:s23], $0xC000  }
0xdb: {  	[sflag:s23] =	ssyncset.done $0x0  }
0xdc: {  	s3 =	simm.s32 $0x400;
	s0 =	rddreg [dreg:$0xb];
	[sflag:s23] =	ssyncadd.s32 $0xFFFF4000  }
0xdd: {  	[hbm4b:s0+s2] =	stream.linear.scatter [tilespmem:s3], [sflag:$0x3], $0xC000, $0x38;
	[tilespmem:$0x18400] =	vst v63  }
0xde: {  	v3 =	vld [tilespmem:$0x80];
	_ =	sdelay $0x4  }
0xdf: {  	v8 =	vshrl.u32 v3, $0x3  }
0xe0: {  	v4 =	vmul.u32 $0x18, v8  }
0xe1: {  	v3 =	vand.u32 $0x7, v3  }
0xe2: {  	v3 =	vor.u32 v3, v4  }
0xe3: {  	v4 =	vperm.xlane v3, v0;
	_ =	sdelay $0x1  }
0xe4: {  	v4 =	vadd.s32 v1, v4;
	_ =	sdelay $0x1  }
0xe5: {  	v3 =	vperm.xlane v3, v2;
	_ =	sdelay $0x1  }
0xe6: {  	s6 =	simm.s32 $0xC400;
	v3 =	vadd.s32 v1, v3  }
0xe7: {  	[tilespmem:s6], [sflag:$0x2] =	stream.indirect_vreg.gather [hbm4b:s4+s2], $0x80, v4, vm0, $0xb8;
	[tilespmem:$0x18400] =	vst v63  }
0xe8: {  	s13 =	simm.s32 $0xCC00  }
0xe9: {  	[tilespmem:s13], [sflag:$0x2] =	stream.indirect_vreg.gather [hbm4b:s5+s2], $0x80, v4, vm1, $0xb8;
	[tilespmem:$0x18400] =	vst v63  }
0xea: {  	s14 =	simm.s32 $0xD000  }
0xeb: {  	[tilespmem:s14], [sflag:$0x2] =	stream.indirect_vreg.gather [hbm4b:s4+s2], $0x80, v3, vm0, $0xb8;
	[tilespmem:$0x18400] =	vst v63  }
0xec: {  	s15 =	simm.s32 $0xD800  }
0xed: {  	[tilespmem:s15], [sflag:$0x2] =	stream.indirect_vreg.gather [hbm4b:s5+s2], $0x80, v3, vm1, $0xb8;
	[tilespmem:$0x18400] =	vst v63  }
0xee: {  	v3 =	vld [tilespmem:$0x90];
	_ =	sdelay $0x4  }
0xef: {  	v9 =	vshrl.u32 v3, $0x3  }
0xf0: {  	v4 =	vmul.u32 $0x18, v9  }
0xf1: {  	v3 =	vand.u32 $0x7, v3  }
0xf2: {  	v3 =	vor.u32 v3, v4  }
0xf3: {  	v4 =	vperm.xlane v3, v0;
	_ =	sdelay $0x1  }
0xf4: {  	v4 =	vadd.s32 v1, v4;
	_ =	sdelay $0x1  }
0xf5: {  	v3 =	vperm.xlane v3, v2;
	_ =	sdelay $0x1  }
0xf6: {  	s16 =	simm.s32 $0xDC00;
	v3 =	vadd.s32 v1, v3  }
0xf7: {  	[tilespmem:s16], [sflag:$0x2] =	stream.indirect_vreg.gather [hbm4b:s4+s2], $0x80, v4, vm0, $0xb8;
	[tilespmem:$0x18400] =	vst v63  }
0xf8: {  	s17 =	simm.s32 $0xE400  }
0xf9: {  	[tilespmem:s17], [sflag:$0x2] =	stream.indirect_vreg.gather [hbm4b:s5+s2], $0x80, v4, vm1, $0xb8;
	[tilespmem:$0x18400] =	vst v63  }
0xfa: {  	s18 =	simm.s32 $0xE800  }
0xfb: {  	[tilespmem:s18], [sflag:$0x2] =	stream.indirect_vreg.gather [hbm4b:s4+s2], $0x80, v3, vm0, $0xb8;
	[tilespmem:$0x18400] =	vst v63  }
0xfc: {  	s19 =	simm.s32 $0xF000  }
0xfd: {  	[tilespmem:s19], [sflag:$0x2] =	stream.indirect_vreg.gather [hbm4b:s5+s2], $0x80, v3, vm1, $0xb8;
	[tilespmem:$0x18400] =	vst v63  }
0xfe: {  	v3 =	vld [tilespmem:$0xA0];
	_ =	sdelay $0x4  }
0xff: {  	v10 =	vshrl.u32 v3, $0x3  }
0x100: {  	v4 =	vmul.u32 $0x18, v10  }
0x101: {  	v3 =	vand.u32 $0x7, v3  }
0x102: {  	v3 =	vor.u32 v3, v4  }
0x103: {  	v4 =	vperm.xlane v3, v0;
	_ =	sdelay $0x1  }
0x104: {  	v4 =	vadd.s32 v1, v4;
	_ =	sdelay $0x1  }
0x105: {  	v3 =	vperm.xlane v3, v2;
	_ =	sdelay $0x1  }
0x106: {  	s20 =	simm.s32 $0xF400;
	v3 =	vadd.s32 v1, v3  }
0x107: {  	[tilespmem:s20], [sflag:$0x2] =	stream.indirect_vreg.gather [hbm4b:s4+s2], $0x80, v4, vm0, $0xb8;
	[tilespmem:$0x18400] =	vst v63  }
0x108: {  	s21 =	simm.s32 $0xFC00  }
0x109: {  	[tilespmem:s21], [sflag:$0x2] =	stream.indirect_vreg.gather [hbm4b:s5+s2], $0x80, v4, vm1, $0xb8;
	[tilespmem:$0x18400] =	vst v63  }
0x10a: {  	s22 =	simm.s32 $0x10000  }
0x10b: {  	[tilespmem:s22], [sflag:$0x2] =	stream.indirect_vreg.gather [hbm4b:s4+s2], $0x80, v3, vm0, $0xb8;
	[tilespmem:$0x18400] =	vst v63  }
0x10c: {  	s28 =	simm.s32 $0x10800  }
0x10d: {  	[tilespmem:s28], [sflag:$0x2] =	stream.indirect_vreg.gather [hbm4b:s5+s2], $0x80, v3, vm1, $0xb8;
	[tilespmem:$0x18400] =	vst v63  }
0x10e: {  	v3 =	vld [tilespmem:$0xB0];
	_ =	sdelay $0x4  }
0x10f: {  	v11 =	vshrl.u32 v3, $0x3  }
0x110: {  	v4 =	vmul.u32 $0x18, v11  }
0x111: {  	v3 =	vand.u32 $0x7, v3  }
0x112: {  	v3 =	vor.u32 v3, v4  }
0x113: {  	v4 =	vperm.xlane v3, v0;
	_ =	sdelay $0x1  }
0x114: {  	v4 =	vadd.s32 v1, v4;
	_ =	sdelay $0x1  }
0x115: {  	v3 =	vperm.xlane v3, v2;
	_ =	sdelay $0x1  }
0x116: {  	s29 =	simm.s32 $0x10C00;
	v3 =	vadd.s32 v1, v3  }
0x117: {  	[tilespmem:s29], [sflag:$0x2] =	stream.indirect_vreg.gather [hbm4b:s4+s2], $0x80, v4, vm0, $0xb8;
	[tilespmem:$0x18400] =	vst v63  }
0x118: {  	s30 =	simm.s32 $0x11400  }
0x119: {  	[tilespmem:s30], [sflag:$0x2] =	stream.indirect_vreg.gather [hbm4b:s5+s2], $0x80, v4, vm1, $0xb8;
	[tilespmem:$0x18400] =	vst v63  }
0x11a: {  	s31 =	simm.s32 $0x11800  }
0x11b: {  	[tilespmem:s31], [sflag:$0x2] =	stream.indirect_vreg.gather [hbm4b:s4+s2], $0x80, v3, vm0, $0xb8;
	[tilespmem:$0x18400] =	vst v63  }
0x11c: {  	s3 =	simm.s32 $0x12000  }
0x11d: {  	[tilespmem:s3], [sflag:$0x2] =	stream.indirect_vreg.gather [hbm4b:s5+s2], $0x80, v3, vm1, $0xb8;
	[tilespmem:$0x18400] =	vst v63  }
0x11e: {  	v3 =	vld [tilespmem:$0xC0];
	_ =	sdelay $0x4  }
0x11f: {  	v12 =	vshrl.u32 v3, $0x3  }
0x120: {  	v4 =	vmul.u32 $0x18, v12  }
0x121: {  	v3 =	vand.u32 $0x7, v3  }
0x122: {  	v3 =	vor.u32 v3, v4  }
0x123: {  	v4 =	vperm.xlane v3, v0;
	_ =	sdelay $0x1  }
0x124: {  	v4 =	vadd.s32 v1, v4;
	_ =	sdelay $0x1  }
0x125: {  	v3 =	vperm.xlane v3, v2;
	_ =	sdelay $0x1  }
0x126: {  	s6 =	simm.s32 $0x12400;
	v3 =	vadd.s32 v1, v3  }
0x127: {  	[tilespmem:s6], [sflag:$0x2] =	stream.indirect_vreg.gather [hbm4b:s4+s2], $0x80, v4, vm0, $0xb8;
	[tilespmem:$0x18400] =	vst v63  }
0x128: {  	s13 =	simm.s32 $0x12C00  }
0x129: {  	[tilespmem:s13], [sflag:$0x2] =	stream.indirect_vreg.gather [hbm4b:s5+s2], $0x80, v4, vm1, $0xb8;
	[tilespmem:$0x18400] =	vst v63  }
0x12a: {  	s14 =	simm.s32 $0x13000  }
0x12b: {  	[tilespmem:s14], [sflag:$0x2] =	stream.indirect_vreg.gather [hbm4b:s4+s2], $0x80, v3, vm0, $0xb8;
	[tilespmem:$0x18400] =	vst v63  }
0x12c: {  	s15 =	simm.s32 $0x13800  }
0x12d: {  	[tilespmem:s15], [sflag:$0x2] =	stream.indirect_vreg.gather [hbm4b:s5+s2], $0x80, v3, vm1, $0xb8;
	[tilespmem:$0x18400] =	vst v63  }
0x12e: {  	v3 =	vld [tilespmem:$0xD0];
	_ =	sdelay $0x4  }
0x12f: {  	v13 =	vshrl.u32 v3, $0x3  }
0x130: {  	v4 =	vmul.u32 $0x18, v13  }
0x131: {  	v3 =	vand.u32 $0x7, v3  }
0x132: {  	v3 =	vor.u32 v3, v4  }
0x133: {  	v4 =	vperm.xlane v3, v0;
	_ =	sdelay $0x1  }
0x134: {  	v4 =	vadd.s32 v1, v4;
	_ =	sdelay $0x1  }
0x135: {  	v3 =	vperm.xlane v3, v2;
	_ =	sdelay $0x1  }
0x136: {  	s16 =	simm.s32 $0x13C00;
	v3 =	vadd.s32 v1, v3  }
0x137: {  	[tilespmem:s16], [sflag:$0x2] =	stream.indirect_vreg.gather [hbm4b:s4+s2], $0x80, v4, vm0, $0xb8;
	[tilespmem:$0x18400] =	vst v63  }
0x138: {  	s17 =	simm.s32 $0x14400  }
0x139: {  	[tilespmem:s17], [sflag:$0x2] =	stream.indirect_vreg.gather [hbm4b:s5+s2], $0x80, v4, vm1, $0xb8;
	[tilespmem:$0x18400] =	vst v63  }
0x13a: {  	s18 =	simm.s32 $0x14800  }
0x13b: {  	[tilespmem:s18], [sflag:$0x2] =	stream.indirect_vreg.gather [hbm4b:s4+s2], $0x80, v3, vm0, $0xb8;
	[tilespmem:$0x18400] =	vst v63  }
0x13c: {  	s19 =	simm.s32 $0x15000  }
0x13d: {  	[tilespmem:s19], [sflag:$0x2] =	stream.indirect_vreg.gather [hbm4b:s5+s2], $0x80, v3, vm1, $0xb8;
	[tilespmem:$0x18400] =	vst v63  }
0x13e: {  	v3 =	vld [tilespmem:$0xE0];
	_ =	sdelay $0x4  }
0x13f: {  	v14 =	vshrl.u32 v3, $0x3  }
0x140: {  	v4 =	vmul.u32 $0x18, v14  }
0x141: {  	v3 =	vand.u32 $0x7, v3  }
0x142: {  	v3 =	vor.u32 v3, v4  }
0x143: {  	v4 =	vperm.xlane v3, v0;
	_ =	sdelay $0x1  }
0x144: {  	v4 =	vadd.s32 v1, v4;
	_ =	sdelay $0x1  }
0x145: {  	v3 =	vperm.xlane v3, v2;
	_ =	sdelay $0x1  }
0x146: {  	s20 =	simm.s32 $0x15400;
	v3 =	vadd.s32 v1, v3  }
0x147: {  	[tilespmem:s20], [sflag:$0x2] =	stream.indirect_vreg.gather [hbm4b:s4+s2], $0x80, v4, vm0, $0xb8;
	[tilespmem:$0x18400] =	vst v63  }
0x148: {  	s21 =	simm.s32 $0x15C00  }
0x149: {  	[tilespmem:s21], [sflag:$0x2] =	stream.indirect_vreg.gather [hbm4b:s5+s2], $0x80, v4, vm1, $0xb8;
	[tilespmem:$0x18400] =	vst v63  }
0x14a: {  	s22 =	simm.s32 $0x16000  }
0x14b: {  	[tilespmem:s22], [sflag:$0x2] =	stream.indirect_vreg.gather [hbm4b:s4+s2], $0x80, v3, vm0, $0xb8;
	[tilespmem:$0x18400] =	vst v63  }
0x14c: {  	s28 =	simm.s32 $0x16800  }
0x14d: {  	[tilespmem:s28], [sflag:$0x2] =	stream.indirect_vreg.gather [hbm4b:s5+s2], $0x80, v3, vm1, $0xb8;
	[tilespmem:$0x18400] =	vst v63  }
0x14e: {  	v3 =	vld [tilespmem:$0xF0];
	_ =	sdelay $0x4  }
0x14f: {  	v15 =	vshrl.u32 v3, $0x3  }
0x150: {  	v4 =	vmul.u32 $0x18, v15  }
0x151: {  	v3 =	vand.u32 $0x7, v3  }
0x152: {  	v3 =	vor.u32 v3, v4  }
0x153: {  	v4 =	vperm.xlane v3, v0;
	_ =	sdelay $0x1  }
0x154: {  	v4 =	vadd.s32 v1, v4;
	_ =	sdelay $0x1  }
0x155: {  	v3 =	vperm.xlane v3, v2;
	_ =	sdelay $0x1  }
0x156: {  	s29 =	simm.s32 $0x16C00;
	v3 =	vadd.s32 v1, v3  }
0x157: {  	[tilespmem:s29], [sflag:$0x2] =	stream.indirect_vreg.gather [hbm4b:s4+s2], $0x80, v4, vm0, $0xb8;
	[tilespmem:$0x18400] =	vst v63  }
0x158: {  	s30 =	simm.s32 $0x17400  }
0x159: {  	[tilespmem:s30], [sflag:$0x2] =	stream.indirect_vreg.gather [hbm4b:s5+s2], $0x80, v4, vm1, $0xb8;
	[tilespmem:$0x18400] =	vst v63  }
0x15a: {  	s31 =	simm.s32 $0x17800  }
0x15b: {  	[tilespmem:s31], [sflag:$0x2] =	stream.indirect_vreg.gather [hbm4b:s4+s2], $0x80, v3, vm0, $0xb8;
	[tilespmem:$0x18400] =	vst v63  }
0x15c: {  	s3 =	simm.s32 $0x18000  }
0x15d: {  	[tilespmem:s3], [sflag:$0x2] =	stream.indirect_vreg.gather [hbm4b:s5+s2], $0x80, v3, vm1, $0xb8;
	[tilespmem:$0x18400] =	vst v63  }
0x15e: {  	_ =	swait.ge [sflag:s24], $0xC000  }
0x15f: {  	[sflag:s24] =	ssyncset.done $0x0  }
0x160: {  	s0 =	simm.s32 $0xC400;
	s6 =	rddreg [dreg:$0x4];
	[sflag:s24] =	ssyncadd.s32 $0xFFFF4000  }
0x161: {  	[hbm4b:s6+s2] =	stream.linear.scatter [tilespmem:s0], [sflag:$0x4], $0xC000, $0x38;
	[tilespmem:$0x18400] =	vst v63  }
0x162: {  	_ =	swait.ge [sflag:s25], $0xC000  }
0x163: {  	[sflag:s25] =	ssyncset.done $0x0  }
0x164: {  	[sflag:s25] =	ssyncadd.s32 $0xFFFF4000  }
0x165: {  	v3 =	vld [tilespmem:$0x100];
	_ =	sdelay $0x4  }
0x166: {  	v16 =	vshrl.u32 v3, $0x3  }
0x167: {  	v4 =	vmul.u32 $0x18, v16  }
0x168: {  	v3 =	vand.u32 $0x7, v3  }
0x169: {  	v3 =	vor.u32 v3, v4  }
0x16a: {  	v4 =	vperm.xlane v3, v0;
	_ =	sdelay $0x1  }
0x16b: {  	v4 =	vadd.s32 v1, v4;
	_ =	sdelay $0x1  }
0x16c: {  	v3 =	vperm.xlane v3, v2;
	_ =	sdelay $0x1  }
0x16d: {  	s6 =	simm.s32 $0x400;
	v3 =	vadd.s32 v1, v3  }
0x16e: {  	[tilespmem:s6], [sflag:$0x1] =	stream.indirect_vreg.gather [hbm4b:s4+s2], $0x80, v4, vm0, $0xb8;
	[tilespmem:$0x18400] =	vst v63  }
0x16f: {  	s14 =	simm.s32 $0xC00  }
0x170: {  	[tilespmem:s14], [sflag:$0x1] =	stream.indirect_vreg.gather [hbm4b:s5+s2], $0x80, v4, vm1, $0xb8;
	[tilespmem:$0x18400] =	vst v63  }
0x171: {  	s13 =	simm.s32 $0x1000  }
0x172: {  	[tilespmem:s13], [sflag:$0x1] =	stream.indirect_vreg.gather [hbm4b:s4+s2], $0x80, v3, vm0, $0xb8;
	[tilespmem:$0x18400] =	vst v63  }
0x173: {  	s7 =	simm.s32 $0x1800  }
0x174: {  	[tilespmem:s7], [sflag:$0x1] =	stream.indirect_vreg.gather [hbm4b:s5+s2], $0x80, v3, vm1, $0xb8;
	[tilespmem:$0x18400] =	vst v63  }
0x175: {  	v3 =	vld [tilespmem:$0x110];
	_ =	sdelay $0x4  }
0x176: {  	v17 =	vshrl.u32 v3, $0x3  }
0x177: {  	v4 =	vmul.u32 $0x18, v17  }
0x178: {  	v3 =	vand.u32 $0x7, v3  }
0x179: {  	v3 =	vor.u32 v3, v4  }
0x17a: {  	v4 =	vperm.xlane v3, v0;
	_ =	sdelay $0x1  }
0x17b: {  	v4 =	vadd.s32 v1, v4;
	_ =	sdelay $0x1  }
0x17c: {  	v3 =	vperm.xlane v3, v2;
	_ =	sdelay $0x1  }
0x17d: {  	s16 =	simm.s32 $0x1C00;
	v3 =	vadd.s32 v1, v3  }
0x17e: {  	[tilespmem:s16], [sflag:$0x1] =	stream.indirect_vreg.gather [hbm4b:s4+s2], $0x80, v4, vm0, $0xb8;
	[tilespmem:$0x18400] =	vst v63  }
0x17f: {  	s17 =	simm.s32 $0x2400  }
0x180: {  	[tilespmem:s17], [sflag:$0x1] =	stream.indirect_vreg.gather [hbm4b:s5+s2], $0x80, v4, vm1, $0xb8;
	[tilespmem:$0x18400] =	vst v63  }
0x181: {  	s18 =	simm.s32 $0x2800  }
0x182: {  	[tilespmem:s18], [sflag:$0x1] =	stream.indirect_vreg.gather [hbm4b:s4+s2], $0x80, v3, vm0, $0xb8;
	[tilespmem:$0x18400] =	vst v63  }
0x183: {  	s8 =	simm.s32 $0x3000  }
0x184: {  	[tilespmem:s8], [sflag:$0x1] =	stream.indirect_vreg.gather [hbm4b:s5+s2], $0x80, v3, vm1, $0xb8;
	[tilespmem:$0x18400] =	vst v63  }
0x185: {  	v3 =	vld [tilespmem:$0x120];
	_ =	sdelay $0x4  }
0x186: {  	v18 =	vshrl.u32 v3, $0x3  }
0x187: {  	v4 =	vmul.u32 $0x18, v18  }
0x188: {  	v3 =	vand.u32 $0x7, v3  }
0x189: {  	v3 =	vor.u32 v3, v4  }
0x18a: {  	v4 =	vperm.xlane v3, v0;
	_ =	sdelay $0x1  }
0x18b: {  	v4 =	vadd.s32 v1, v4;
	_ =	sdelay $0x1  }
0x18c: {  	v3 =	vperm.xlane v3, v2;
	_ =	sdelay $0x1  }
0x18d: {  	s19 =	simm.s32 $0x3400;
	v3 =	vadd.s32 v1, v3  }
0x18e: {  	[tilespmem:s19], [sflag:$0x1] =	stream.indirect_vreg.gather [hbm4b:s4+s2], $0x80, v4, vm0, $0xb8;
	[tilespmem:$0x18400] =	vst v63  }
0x18f: {  	s20 =	simm.s32 $0x3C00  }
0x190: {  	[tilespmem:s20], [sflag:$0x1] =	stream.indirect_vreg.gather [hbm4b:s5+s2], $0x80, v4, vm1, $0xb8;
	[tilespmem:$0x18400] =	vst v63  }
0x191: {  	s21 =	simm.s32 $0x4000  }
0x192: {  	[tilespmem:s21], [sflag:$0x1] =	stream.indirect_vreg.gather [hbm4b:s4+s2], $0x80, v3, vm0, $0xb8;
	[tilespmem:$0x18400] =	vst v63  }
0x193: {  	s9 =	simm.s32 $0x4800  }
0x194: {  	[tilespmem:s9], [sflag:$0x1] =	stream.indirect_vreg.gather [hbm4b:s5+s2], $0x80, v3, vm1, $0xb8;
	[tilespmem:$0x18400] =	vst v63  }
0x195: {  	v3 =	vld [tilespmem:$0x130];
	_ =	sdelay $0x4  }
0x196: {  	v19 =	vshrl.u32 v3, $0x3  }
0x197: {  	v4 =	vmul.u32 $0x18, v19  }
0x198: {  	v3 =	vand.u32 $0x7, v3  }
0x199: {  	v3 =	vor.u32 v3, v4  }
0x19a: {  	v4 =	vperm.xlane v3, v0;
	_ =	sdelay $0x1  }
0x19b: {  	v4 =	vadd.s32 v1, v4;
	_ =	sdelay $0x1  }
0x19c: {  	v3 =	vperm.xlane v3, v2;
	_ =	sdelay $0x1  }
0x19d: {  	s22 =	simm.s32 $0x4C00;
	v3 =	vadd.s32 v1, v3  }
0x19e: {  	[tilespmem:s22], [sflag:$0x1] =	stream.indirect_vreg.gather [hbm4b:s4+s2], $0x80, v4, vm0, $0xb8;
	[tilespmem:$0x18400] =	vst v63  }
0x19f: {  	s28 =	simm.s32 $0x5400  }
0x1a0: {  	[tilespmem:s28], [sflag:$0x1] =	stream.indirect_vreg.gather [hbm4b:s5+s2], $0x80, v4, vm1, $0xb8;
	[tilespmem:$0x18400] =	vst v63  }
0x1a1: {  	s29 =	simm.s32 $0x5800  }
0x1a2: {  	[tilespmem:s29], [sflag:$0x1] =	stream.indirect_vreg.gather [hbm4b:s4+s2], $0x80, v3, vm0, $0xb8;
	[tilespmem:$0x18400] =	vst v63  }
0x1a3: {  	s10 =	simm.s32 $0x6000  }
0x1a4: {  	[tilespmem:s10], [sflag:$0x1] =	stream.indirect_vreg.gather [hbm4b:s5+s2], $0x80, v3, vm1, $0xb8;
	[tilespmem:$0x18400] =	vst v63  }
0x1a5: {  	v3 =	vld [tilespmem:$0x140];
	_ =	sdelay $0x4  }
0x1a6: {  	v20 =	vshrl.u32 v3, $0x3  }
0x1a7: {  	v4 =	vmul.u32 $0x18, v20  }
0x1a8: {  	v3 =	vand.u32 $0x7, v3  }
0x1a9: {  	v3 =	vor.u32 v3, v4  }
0x1aa: {  	v4 =	vperm.xlane v3, v0;
	_ =	sdelay $0x1  }
0x1ab: {  	v4 =	vadd.s32 v1, v4;
	_ =	sdelay $0x1  }
0x1ac: {  	v3 =	vperm.xlane v3, v2;
	_ =	sdelay $0x1  }
0x1ad: {  	s30 =	simm.s32 $0x6400;
	v3 =	vadd.s32 v1, v3  }
0x1ae: {  	[tilespmem:s30], [sflag:$0x1] =	stream.indirect_vreg.gather [hbm4b:s4+s2], $0x80, v4, vm0, $0xb8;
	[tilespmem:$0x18400] =	vst v63  }
0x1af: {  	s31 =	simm.s32 $0x6C00  }
0x1b0: {  	[tilespmem:s31], [sflag:$0x1] =	stream.indirect_vreg.gather [hbm4b:s5+s2], $0x80, v4, vm1, $0xb8;
	[tilespmem:$0x18400] =	vst v63  }
0x1b1: {  	s15 =	simm.s32 $0x7000  }
0x1b2: {  	[tilespmem:s15], [sflag:$0x1] =	stream.indirect_vreg.gather [hbm4b:s4+s2], $0x80, v3, vm0, $0xb8;
	[tilespmem:$0x18400] =	vst v63  }
0x1b3: {  	s11 =	simm.s32 $0x7800  }
0x1b4: {  	[tilespmem:s11], [sflag:$0x1] =	stream.indirect_vreg.gather [hbm4b:s5+s2], $0x80, v3, vm1, $0xb8;
	[tilespmem:$0x18400] =	vst v63  }
0x1b5: {  	v3 =	vld [tilespmem:$0x150];
	_ =	sdelay $0x4  }
0x1b6: {  	v21 =	vshrl.u32 v3, $0x3  }
0x1b7: {  	v4 =	vmul.u32 $0x18, v21  }
0x1b8: {  	v3 =	vand.u32 $0x7, v3  }
0x1b9: {  	v3 =	vor.u32 v3, v4  }
0x1ba: {  	v4 =	vperm.xlane v3, v0;
	_ =	sdelay $0x1  }
0x1bb: {  	v4 =	vadd.s32 v1, v4;
	_ =	sdelay $0x1  }
0x1bc: {  	v3 =	vperm.xlane v3, v2;
	_ =	sdelay $0x1  }
0x1bd: {  	s11 =	simm.s32 $0x7C00;
	v3 =	vadd.s32 v1, v3  }
0x1be: {  	[tilespmem:s11], [sflag:$0x1] =	stream.indirect_vreg.gather [hbm4b:s4+s2], $0x80, v4, vm0, $0xb8;
	[tilespmem:$0x18400] =	vst v63  }
0x1bf: {  	s7 =	simm.s32 $0x8400  }
0x1c0: {  	[tilespmem:s7], [sflag:$0x1] =	stream.indirect_vreg.gather [hbm4b:s5+s2], $0x80, v4, vm1, $0xb8;
	[tilespmem:$0x18400] =	vst v63  }
0x1c1: {  	s8 =	simm.s32 $0x8800  }
0x1c2: {  	[tilespmem:s8], [sflag:$0x1] =	stream.indirect_vreg.gather [hbm4b:s4+s2], $0x80, v3, vm0, $0xb8;
	[tilespmem:$0x18400] =	vst v63  }
0x1c3: {  	s12 =	simm.s32 $0x9000  }
0x1c4: {  	[tilespmem:s12], [sflag:$0x1] =	stream.indirect_vreg.gather [hbm4b:s5+s2], $0x80, v3, vm1, $0xb8;
	[tilespmem:$0x18400] =	vst v63  }
0x1c5: {  	v3 =	vld [tilespmem:$0x160];
	_ =	sdelay $0x4  }
0x1c6: {  	v22 =	vshrl.u32 v3, $0x3  }
0x1c7: {  	v4 =	vmul.u32 $0x18, v22  }
0x1c8: {  	v3 =	vand.u32 $0x7, v3  }
0x1c9: {  	v3 =	vor.u32 v3, v4  }
0x1ca: {  	v4 =	vperm.xlane v3, v0;
	_ =	sdelay $0x1  }
0x1cb: {  	v4 =	vadd.s32 v1, v4;
	_ =	sdelay $0x1  }
0x1cc: {  	v3 =	vperm.xlane v3, v2;
	_ =	sdelay $0x1  }
0x1cd: {  	s9 =	simm.s32 $0x9400;
	v3 =	vadd.s32 v1, v3  }
0x1ce: {  	[tilespmem:s9], [sflag:$0x1] =	stream.indirect_vreg.gather [hbm4b:s4+s2], $0x80, v4, vm0, $0xb8;
	[tilespmem:$0x18400] =	vst v63  }
0x1cf: {  	s10 =	simm.s32 $0x9C00  }
0x1d0: {  	[tilespmem:s10], [sflag:$0x1] =	stream.indirect_vreg.gather [hbm4b:s5+s2], $0x80, v4, vm1, $0xb8;
	[tilespmem:$0x18400] =	vst v63  }
0x1d1: {  	s11 =	simm.s32 $0xA000  }
0x1d2: {  	[tilespmem:s11], [sflag:$0x1] =	stream.indirect_vreg.gather [hbm4b:s4+s2], $0x80, v3, vm0, $0xb8;
	[tilespmem:$0x18400] =	vst v63  }
0x1d3: {  	s26 =	simm.s32 $0xA800  }
0x1d4: {  	[tilespmem:s26], [sflag:$0x1] =	stream.indirect_vreg.gather [hbm4b:s5+s2], $0x80, v3, vm1, $0xb8;
	[tilespmem:$0x18400] =	vst v63  }
0x1d5: {  	v3 =	vld [tilespmem:$0x170];
	_ =	sdelay $0x4  }
0x1d6: {  	v23 =	vshrl.u32 v3, $0x3  }
0x1d7: {  	v4 =	vmul.u32 $0x18, v23  }
0x1d8: {  	v3 =	vand.u32 $0x7, v3  }
0x1d9: {  	v3 =	vor.u32 v3, v4  }
0x1da: {  	v4 =	vperm.xlane v3, v0;
	_ =	sdelay $0x1  }
0x1db: {  	v4 =	vadd.s32 v1, v4;
	_ =	sdelay $0x1  }
0x1dc: {  	v3 =	vperm.xlane v3, v2;
	_ =	sdelay $0x1  }
0x1dd: {  	s12 =	simm.s32 $0xAC00;
	v3 =	vadd.s32 v1, v3  }
0x1de: {  	[tilespmem:s12], [sflag:$0x1] =	stream.indirect_vreg.gather [hbm4b:s4+s2], $0x80, v4, vm0, $0xb8;
	[tilespmem:$0x18400] =	vst v63  }
0x1df: {  	s1 =	simm.s32 $0xB400  }
0x1e0: {  	[tilespmem:s1], [sflag:$0x1] =	stream.indirect_vreg.gather [hbm4b:s5+s2], $0x80, v4, vm1, $0xb8;
	[tilespmem:$0x18400] =	vst v63  }
0x1e1: {  	s3 =	simm.s32 $0xB800  }
0x1e2: {  	[tilespmem:s3], [sflag:$0x1] =	stream.indirect_vreg.gather [hbm4b:s4+s2], $0x80, v3, vm0, $0xb8;
	[tilespmem:$0x18400] =	vst v63  }
0x1e3: {  	s1 =	simm.s32 $0xC000  }
0x1e4: {  	[tilespmem:s1], [sflag:$0x1] =	stream.indirect_vreg.gather [hbm4b:s5+s2], $0x80, v3, vm1, $0xb8;
	[tilespmem:$0x18400] =	vst v63  }
0x1e5: {  	_ =	swait.ge [sflag:s23], $0xC000  }
0x1e6: {  	[sflag:s23] =	ssyncset.done $0x0  }
0x1e7: {  	s1 =	rddreg [dreg:$0x5];
	[sflag:s23] =	ssyncadd.s32 $0xFFFF4000  }
0x1e8: {  	[hbm4b:s1+s2] =	stream.linear.scatter [tilespmem:s6], [sflag:$0x3], $0xC000, $0x38;
	[tilespmem:$0x18400] =	vst v63  }
0x1e9: {  	s6 =	simm.s32 $0x4  }
0x1ea: {  	_ =	swait.ge [sflag:s6], $0xC000  }
0x1eb: {  	[sflag:s6] =	ssyncset.done $0x0  }
0x1ec: {  	[sflag:s6] =	ssyncadd.s32 $0xFFFF4000  }
0x1ed: {  	v3 =	vld [tilespmem:$0x180];
	_ =	sdelay $0x4  }
0x1ee: {  	v24 =	vshrl.u32 v3, $0x3  }
0x1ef: {  	v4 =	vmul.u32 $0x18, v24  }
0x1f0: {  	v3 =	vand.u32 $0x7, v3  }
0x1f1: {  	v3 =	vor.u32 v3, v4  }
0x1f2: {  	v4 =	vperm.xlane v3, v0;
	_ =	sdelay $0x1  }
0x1f3: {  	v4 =	vadd.s32 v1, v4;
	_ =	sdelay $0x1  }
0x1f4: {  	v3 =	vperm.xlane v3, v2;
	_ =	sdelay $0x1  }
0x1f5: {  	s0 =	simm.s32 $0xC400;
	v3 =	vadd.s32 v1, v3  }
0x1f6: {  	[tilespmem:s0], [sflag:$0x2] =	stream.indirect_vreg.gather [hbm4b:s4+s2], $0x80, v4, vm0, $0xb8;
	[tilespmem:$0x18400] =	vst v63  }
0x1f7: {  	s26 =	simm.s32 $0xCC00  }
0x1f8: {  	[tilespmem:s26], [sflag:$0x2] =	stream.indirect_vreg.gather [hbm4b:s5+s2], $0x80, v4, vm1, $0xb8;
	[tilespmem:$0x18400] =	vst v63  }
0x1f9: {  	s26 =	simm.s32 $0xD000  }
0x1fa: {  	[tilespmem:s26], [sflag:$0x2] =	stream.indirect_vreg.gather [hbm4b:s4+s2], $0x80, v3, vm0, $0xb8;
	[tilespmem:$0x18400] =	vst v63  }
0x1fb: {  	s26 =	simm.s32 $0xD800  }
0x1fc: {  	[tilespmem:s26], [sflag:$0x2] =	stream.indirect_vreg.gather [hbm4b:s5+s2], $0x80, v3, vm1, $0xb8;
	[tilespmem:$0x18400] =	vst v63  }
0x1fd: {  	v3 =	vld [tilespmem:$0x190];
	_ =	sdelay $0x4  }
0x1fe: {  	v25 =	vshrl.u32 v3, $0x3  }
0x1ff: {  	v4 =	vmul.u32 $0x18, v25  }
0x200: {  	v3 =	vand.u32 $0x7, v3  }
0x201: {  	v3 =	vor.u32 v3, v4  }
0x202: {  	v4 =	vperm.xlane v3, v0;
	_ =	sdelay $0x1  }
0x203: {  	v4 =	vadd.s32 v1, v4;
	_ =	sdelay $0x1  }
0x204: {  	v3 =	vperm.xlane v3, v2;
	_ =	sdelay $0x1  }
0x205: {  	s26 =	simm.s32 $0xDC00;
	v3 =	vadd.s32 v1, v3  }
0x206: {  	[tilespmem:s26], [sflag:$0x2] =	stream.indirect_vreg.gather [hbm4b:s4+s2], $0x80, v4, vm0, $0xb8;
	[tilespmem:$0x18400] =	vst v63  }
0x207: {  	s26 =	simm.s32 $0xE400  }
0x208: {  	[tilespmem:s26], [sflag:$0x2] =	stream.indirect_vreg.gather [hbm4b:s5+s2], $0x80, v4, vm1, $0xb8;
	[tilespmem:$0x18400] =	vst v63  }
0x209: {  	s26 =	simm.s32 $0xE800  }
0x20a: {  	[tilespmem:s26], [sflag:$0x2] =	stream.indirect_vreg.gather [hbm4b:s4+s2], $0x80, v3, vm0, $0xb8;
	[tilespmem:$0x18400] =	vst v63  }
0x20b: {  	s26 =	simm.s32 $0xF000  }
0x20c: {  	[tilespmem:s26], [sflag:$0x2] =	stream.indirect_vreg.gather [hbm4b:s5+s2], $0x80, v3, vm1, $0xb8;
	[tilespmem:$0x18400] =	vst v63  }
0x20d: {  	v3 =	vld [tilespmem:$0x1A0];
	_ =	sdelay $0x4  }
0x20e: {  	v26 =	vshrl.u32 v3, $0x3  }
0x20f: {  	v4 =	vmul.u32 $0x18, v26  }
0x210: {  	v3 =	vand.u32 $0x7, v3  }
0x211: {  	v3 =	vor.u32 v3, v4  }
0x212: {  	v4 =	vperm.xlane v3, v0;
	_ =	sdelay $0x1  }
0x213: {  	v4 =	vadd.s32 v1, v4;
	_ =	sdelay $0x1  }
0x214: {  	v3 =	vperm.xlane v3, v2;
	_ =	sdelay $0x1  }
0x215: {  	s26 =	simm.s32 $0xF400;
	v3 =	vadd.s32 v1, v3  }
0x216: {  	[tilespmem:s26], [sflag:$0x2] =	stream.indirect_vreg.gather [hbm4b:s4+s2], $0x80, v4, vm0, $0xb8;
	[tilespmem:$0x18400] =	vst v63  }
0x217: {  	s26 =	simm.s32 $0xFC00  }
0x218: {  	[tilespmem:s26], [sflag:$0x2] =	stream.indirect_vreg.gather [hbm4b:s5+s2], $0x80, v4, vm1, $0xb8;
	[tilespmem:$0x18400] =	vst v63  }
0x219: {  	s26 =	simm.s32 $0x10000  }
0x21a: {  	[tilespmem:s26], [sflag:$0x2] =	stream.indirect_vreg.gather [hbm4b:s4+s2], $0x80, v3, vm0, $0xb8;
	[tilespmem:$0x18400] =	vst v63  }
0x21b: {  	s26 =	simm.s32 $0x10800  }
0x21c: {  	[tilespmem:s26], [sflag:$0x2] =	stream.indirect_vreg.gather [hbm4b:s5+s2], $0x80, v3, vm1, $0xb8;
	[tilespmem:$0x18400] =	vst v63  }
0x21d: {  	v3 =	vld [tilespmem:$0x1B0];
	_ =	sdelay $0x4  }
0x21e: {  	v27 =	vshrl.u32 v3, $0x3  }
0x21f: {  	v4 =	vmul.u32 $0x18, v27  }
0x220: {  	v3 =	vand.u32 $0x7, v3  }
0x221: {  	v3 =	vor.u32 v3, v4  }
0x222: {  	v4 =	vperm.xlane v3, v0;
	_ =	sdelay $0x1  }
0x223: {  	v4 =	vadd.s32 v1, v4;
	_ =	sdelay $0x1  }
0x224: {  	v3 =	vperm.xlane v3, v2;
	_ =	sdelay $0x1  }
0x225: {  	s26 =	simm.s32 $0x10C00;
	v3 =	vadd.s32 v1, v3  }
0x226: {  	[tilespmem:s26], [sflag:$0x2] =	stream.indirect_vreg.gather [hbm4b:s4+s2], $0x80, v4, vm0, $0xb8;
	[tilespmem:$0x18400] =	vst v63  }
0x227: {  	s26 =	simm.s32 $0x11400  }
0x228: {  	[tilespmem:s26], [sflag:$0x2] =	stream.indirect_vreg.gather [hbm4b:s5+s2], $0x80, v4, vm1, $0xb8;
	[tilespmem:$0x18400] =	vst v63  }
0x229: {  	s26 =	simm.s32 $0x11800  }
0x22a: {  	[tilespmem:s26], [sflag:$0x2] =	stream.indirect_vreg.gather [hbm4b:s4+s2], $0x80, v3, vm0, $0xb8;
	[tilespmem:$0x18400] =	vst v63  }
0x22b: {  	s26 =	simm.s32 $0x12000  }
0x22c: {  	[tilespmem:s26], [sflag:$0x2] =	stream.indirect_vreg.gather [hbm4b:s5+s2], $0x80, v3, vm1, $0xb8;
	[tilespmem:$0x18400] =	vst v63  }
0x22d: {  	v3 =	vld [tilespmem:$0x1C0];
	_ =	sdelay $0x4  }
0x22e: {  	v28 =	vshrl.u32 v3, $0x3  }
0x22f: {  	v4 =	vmul.u32 $0x18, v28  }
0x230: {  	v3 =	vand.u32 $0x7, v3  }
0x231: {  	v3 =	vor.u32 v3, v4  }
0x232: {  	v4 =	vperm.xlane v3, v0;
	_ =	sdelay $0x1  }
0x233: {  	v4 =	vadd.s32 v1, v4;
	_ =	sdelay $0x1  }
0x234: {  	v3 =	vperm.xlane v3, v2;
	_ =	sdelay $0x1  }
0x235: {  	s26 =	simm.s32 $0x12400;
	v3 =	vadd.s32 v1, v3  }
0x236: {  	[tilespmem:s26], [sflag:$0x2] =	stream.indirect_vreg.gather [hbm4b:s4+s2], $0x80, v4, vm0, $0xb8;
	[tilespmem:$0x18400] =	vst v63  }
0x237: {  	s26 =	simm.s32 $0x12C00  }
0x238: {  	[tilespmem:s26], [sflag:$0x2] =	stream.indirect_vreg.gather [hbm4b:s5+s2], $0x80, v4, vm1, $0xb8;
	[tilespmem:$0x18400] =	vst v63  }
0x239: {  	s26 =	simm.s32 $0x13000  }
0x23a: {  	[tilespmem:s26], [sflag:$0x2] =	stream.indirect_vreg.gather [hbm4b:s4+s2], $0x80, v3, vm0, $0xb8;
	[tilespmem:$0x18400] =	vst v63  }
0x23b: {  	s26 =	simm.s32 $0x13800  }
0x23c: {  	[tilespmem:s26], [sflag:$0x2] =	stream.indirect_vreg.gather [hbm4b:s5+s2], $0x80, v3, vm1, $0xb8;
	[tilespmem:$0x18400] =	vst v63  }
0x23d: {  	v3 =	vld [tilespmem:$0x1D0];
	_ =	sdelay $0x4  }
0x23e: {  	v29 =	vshrl.u32 v3, $0x3  }
0x23f: {  	v4 =	vmul.u32 $0x18, v29  }
0x240: {  	v3 =	vand.u32 $0x7, v3  }
0x241: {  	v3 =	vor.u32 v3, v4  }
0x242: {  	v4 =	vperm.xlane v3, v0;
	_ =	sdelay $0x1  }
0x243: {  	v4 =	vadd.s32 v1, v4;
	_ =	sdelay $0x1  }
0x244: {  	v3 =	vperm.xlane v3, v2;
	_ =	sdelay $0x1  }
0x245: {  	s26 =	simm.s32 $0x13C00;
	v3 =	vadd.s32 v1, v3  }
0x246: {  	[tilespmem:s26], [sflag:$0x2] =	stream.indirect_vreg.gather [hbm4b:s4+s2], $0x80, v4, vm0, $0xb8;
	[tilespmem:$0x18400] =	vst v63  }
0x247: {  	s26 =	simm.s32 $0x14400  }
0x248: {  	[tilespmem:s26], [sflag:$0x2] =	stream.indirect_vreg.gather [hbm4b:s5+s2], $0x80, v4, vm1, $0xb8;
	[tilespmem:$0x18400] =	vst v63  }
0x249: {  	s26 =	simm.s32 $0x14800  }
0x24a: {  	[tilespmem:s26], [sflag:$0x2] =	stream.indirect_vreg.gather [hbm4b:s4+s2], $0x80, v3, vm0, $0xb8;
	[tilespmem:$0x18400] =	vst v63  }
0x24b: {  	s26 =	simm.s32 $0x15000  }
0x24c: {  	[tilespmem:s26], [sflag:$0x2] =	stream.indirect_vreg.gather [hbm4b:s5+s2], $0x80, v3, vm1, $0xb8;
	[tilespmem:$0x18400] =	vst v63  }
0x24d: {  	v3 =	vld [tilespmem:$0x1E0];
	_ =	sdelay $0x4  }
0x24e: {  	v30 =	vshrl.u32 v3, $0x3  }
0x24f: {  	v4 =	vmul.u32 $0x18, v30  }
0x250: {  	v3 =	vand.u32 $0x7, v3  }
0x251: {  	v3 =	vor.u32 v3, v4  }
0x252: {  	v4 =	vperm.xlane v3, v0;
	_ =	sdelay $0x1  }
0x253: {  	v4 =	vadd.s32 v1, v4;
	_ =	sdelay $0x1  }
0x254: {  	v3 =	vperm.xlane v3, v2;
	_ =	sdelay $0x1  }
0x255: {  	s26 =	simm.s32 $0x15400;
	v3 =	vadd.s32 v1, v3  }
0x256: {  	[tilespmem:s26], [sflag:$0x2] =	stream.indirect_vreg.gather [hbm4b:s4+s2], $0x80, v4, vm0, $0xb8;
	[tilespmem:$0x18400] =	vst v63  }
0x257: {  	s26 =	simm.s32 $0x15C00  }
0x258: {  	[tilespmem:s26], [sflag:$0x2] =	stream.indirect_vreg.gather [hbm4b:s5+s2], $0x80, v4, vm1, $0xb8;
	[tilespmem:$0x18400] =	vst v63  }
0x259: {  	s26 =	simm.s32 $0x16000  }
0x25a: {  	[tilespmem:s26], [sflag:$0x2] =	stream.indirect_vreg.gather [hbm4b:s4+s2], $0x80, v3, vm0, $0xb8;
	[tilespmem:$0x18400] =	vst v63  }
0x25b: {  	s26 =	simm.s32 $0x16800  }
0x25c: {  	[tilespmem:s26], [sflag:$0x2] =	stream.indirect_vreg.gather [hbm4b:s5+s2], $0x80, v3, vm1, $0xb8;
	[tilespmem:$0x18400] =	vst v63  }
0x25d: {  	v3 =	vld [tilespmem:$0x1F0];
	_ =	sdelay $0x4  }
0x25e: {  	v31 =	vshrl.u32 v3, $0x3  }
0x25f: {  	v4 =	vmul.u32 $0x18, v31  }
0x260: {  	v3 =	vand.u32 $0x7, v3  }
0x261: {  	v3 =	vor.u32 v3, v4  }
0x262: {  	v4 =	vperm.xlane v3, v0;
	_ =	sdelay $0x1  }
0x263: {  	v4 =	vadd.s32 v1, v4;
	_ =	sdelay $0x1  }
0x264: {  	v3 =	vperm.xlane v3, v2;
	_ =	sdelay $0x1  }
0x265: {  	s26 =	simm.s32 $0x16C00;
	v3 =	vadd.s32 v1, v3  }
0x266: {  	[tilespmem:s26], [sflag:$0x2] =	stream.indirect_vreg.gather [hbm4b:s4+s2], $0x80, v4, vm0, $0xb8;
	[tilespmem:$0x18400] =	vst v63  }
0x267: {  	s26 =	simm.s32 $0x17400  }
0x268: {  	[tilespmem:s26], [sflag:$0x2] =	stream.indirect_vreg.gather [hbm4b:s5+s2], $0x80, v4, vm1, $0xb8;
	[tilespmem:$0x18400] =	vst v63  }
0x269: {  	s26 =	simm.s32 $0x17800  }
0x26a: {  	[tilespmem:s26], [sflag:$0x2] =	stream.indirect_vreg.gather [hbm4b:s4+s2], $0x80, v3, vm0, $0xb8;
	[tilespmem:$0x18400] =	vst v63  }
0x26b: {  	s26 =	simm.s32 $0x18000  }
0x26c: {  	[tilespmem:s26], [sflag:$0x2] =	stream.indirect_vreg.gather [hbm4b:s5+s2], $0x80, v3, vm1, $0xb8;
	[tilespmem:$0x18400] =	vst v63  }
0x26d: {  	_ =	swait.ge [sflag:s24], $0xC000  }
0x26e: {  	[sflag:s24] =	ssyncset.done $0x0  }
0x26f: {  	s0 =	simm.s32 $0xC400;
	s26 =	rddreg [dreg:$0x6];
	[sflag:s24] =	ssyncadd.s32 $0xFFFF4000  }
0x270: {  	[hbm4b:s26+s2] =	stream.linear.scatter [tilespmem:s0], [sflag:$0x4], $0xC000, $0x38;
	[tilespmem:$0x18400] =	vst v63  }
0x271: {  	_ =	swait.ge [sflag:s25], $0xC000  }
0x272: {  	[sflag:s25] =	ssyncset.done $0x0  }
0x273: {  	[sflag:s25] =	ssyncadd.s32 $0xFFFF4000  }
0x274: {  	v3 =	vld [tilespmem:$0x200];
	_ =	sdelay $0x4  }
0x275: {  	v32 =	vshrl.u32 v3, $0x3  }
0x276: {  	v4 =	vmul.u32 $0x18, v32  }
0x277: {  	v3 =	vand.u32 $0x7, v3  }
0x278: {  	v3 =	vor.u32 v3, v4  }
0x279: {  	v4 =	vperm.xlane v3, v0;
	_ =	sdelay $0x1  }
0x27a: {  	v4 =	vadd.s32 v1, v4;
	_ =	sdelay $0x1  }
0x27b: {  	v3 =	vperm.xlane v3, v2;
	_ =	sdelay $0x1  }
0x27c: {  	s1 =	simm.s32 $0x400;
	v3 =	vadd.s32 v1, v3  }
0x27d: {  	[tilespmem:s1], [sflag:$0x1] =	stream.indirect_vreg.gather [hbm4b:s4+s2], $0x80, v4, vm0, $0xb8;
	[tilespmem:$0x18400] =	vst v63  }
0x27e: {  	_ = 	snop  }
0x27f: {  	[tilespmem:s14], [sflag:$0x1] =	stream.indirect_vreg.gather [hbm4b:s5+s2], $0x80, v4, vm1, $0xb8;
	[tilespmem:$0x18400] =	vst v63  }
0x280: {  	_ = 	snop  }
0x281: {  	[tilespmem:s13], [sflag:$0x1] =	stream.indirect_vreg.gather [hbm4b:s4+s2], $0x80, v3, vm0, $0xb8;
	[tilespmem:$0x18400] =	vst v63  }
0x282: {  	s14 =	simm.s32 $0x1800  }
0x283: {  	[tilespmem:s14], [sflag:$0x1] =	stream.indirect_vreg.gather [hbm4b:s5+s2], $0x80, v3, vm1, $0xb8;
	[tilespmem:$0x18400] =	vst v63  }
0x284: {  	v3 =	vld [tilespmem:$0x210];
	_ =	sdelay $0x4  }
0x285: {  	v33 =	vshrl.u32 v3, $0x3  }
0x286: {  	v4 =	vmul.u32 $0x18, v33  }
0x287: {  	v3 =	vand.u32 $0x7, v3  }
0x288: {  	v3 =	vor.u32 v3, v4  }
0x289: {  	v4 =	vperm.xlane v3, v0;
	_ =	sdelay $0x1  }
0x28a: {  	v4 =	vadd.s32 v1, v4;
	_ =	sdelay $0x1  }
0x28b: {  	v3 =	vperm.xlane v3, v2;
	_ =	sdelay $0x1  }
0x28c: {  	v3 =	vadd.s32 v1, v3  }
0x28d: {  	[tilespmem:s16], [sflag:$0x1] =	stream.indirect_vreg.gather [hbm4b:s4+s2], $0x80, v4, vm0, $0xb8;
	[tilespmem:$0x18400] =	vst v63  }
0x28e: {  	_ = 	snop  }
0x28f: {  	[tilespmem:s17], [sflag:$0x1] =	stream.indirect_vreg.gather [hbm4b:s5+s2], $0x80, v4, vm1, $0xb8;
	[tilespmem:$0x18400] =	vst v63  }
0x290: {  	_ = 	snop  }
0x291: {  	[tilespmem:s18], [sflag:$0x1] =	stream.indirect_vreg.gather [hbm4b:s4+s2], $0x80, v3, vm0, $0xb8;
	[tilespmem:$0x18400] =	vst v63  }
0x292: {  	s18 =	simm.s32 $0x3000  }
0x293: {  	[tilespmem:s18], [sflag:$0x1] =	stream.indirect_vreg.gather [hbm4b:s5+s2], $0x80, v3, vm1, $0xb8;
	[tilespmem:$0x18400] =	vst v63  }
0x294: {  	v3 =	vld [tilespmem:$0x220];
	_ =	sdelay $0x4  }
0x295: {  	v34 =	vshrl.u32 v3, $0x3  }
0x296: {  	v4 =	vmul.u32 $0x18, v34  }
0x297: {  	v3 =	vand.u32 $0x7, v3  }
0x298: {  	v3 =	vor.u32 v3, v4  }
0x299: {  	v4 =	vperm.xlane v3, v0;
	_ =	sdelay $0x1  }
0x29a: {  	v4 =	vadd.s32 v1, v4;
	_ =	sdelay $0x1  }
0x29b: {  	v3 =	vperm.xlane v3, v2;
	_ =	sdelay $0x1  }
0x29c: {  	v3 =	vadd.s32 v1, v3  }
0x29d: {  	[tilespmem:s19], [sflag:$0x1] =	stream.indirect_vreg.gather [hbm4b:s4+s2], $0x80, v4, vm0, $0xb8;
	[tilespmem:$0x18400] =	vst v63  }
0x29e: {  	_ = 	snop  }
0x29f: {  	[tilespmem:s20], [sflag:$0x1] =	stream.indirect_vreg.gather [hbm4b:s5+s2], $0x80, v4, vm1, $0xb8;
	[tilespmem:$0x18400] =	vst v63  }
0x2a0: {  	_ = 	snop  }
0x2a1: {  	[tilespmem:s21], [sflag:$0x1] =	stream.indirect_vreg.gather [hbm4b:s4+s2], $0x80, v3, vm0, $0xb8;
	[tilespmem:$0x18400] =	vst v63  }
0x2a2: {  	s26 =	simm.s32 $0x4800  }
0x2a3: {  	[tilespmem:s26], [sflag:$0x1] =	stream.indirect_vreg.gather [hbm4b:s5+s2], $0x80, v3, vm1, $0xb8;
	[tilespmem:$0x18400] =	vst v63  }
0x2a4: {  	v3 =	vld [tilespmem:$0x230];
	_ =	sdelay $0x4  }
0x2a5: {  	v35 =	vshrl.u32 v3, $0x3  }
0x2a6: {  	v4 =	vmul.u32 $0x18, v35  }
0x2a7: {  	v3 =	vand.u32 $0x7, v3  }
0x2a8: {  	v3 =	vor.u32 v3, v4  }
0x2a9: {  	v4 =	vperm.xlane v3, v0;
	_ =	sdelay $0x1  }
0x2aa: {  	v4 =	vadd.s32 v1, v4;
	_ =	sdelay $0x1  }
0x2ab: {  	v3 =	vperm.xlane v3, v2;
	_ =	sdelay $0x1  }
0x2ac: {  	v3 =	vadd.s32 v1, v3  }
0x2ad: {  	[tilespmem:s22], [sflag:$0x1] =	stream.indirect_vreg.gather [hbm4b:s4+s2], $0x80, v4, vm0, $0xb8;
	[tilespmem:$0x18400] =	vst v63  }
0x2ae: {  	_ = 	snop  }
0x2af: {  	[tilespmem:s28], [sflag:$0x1] =	stream.indirect_vreg.gather [hbm4b:s5+s2], $0x80, v4, vm1, $0xb8;
	[tilespmem:$0x18400] =	vst v63  }
0x2b0: {  	_ = 	snop  }
0x2b1: {  	[tilespmem:s29], [sflag:$0x1] =	stream.indirect_vreg.gather [hbm4b:s4+s2], $0x80, v3, vm0, $0xb8;
	[tilespmem:$0x18400] =	vst v63  }
0x2b2: {  	s29 =	simm.s32 $0x6000  }
0x2b3: {  	[tilespmem:s29], [sflag:$0x1] =	stream.indirect_vreg.gather [hbm4b:s5+s2], $0x80, v3, vm1, $0xb8;
	[tilespmem:$0x18400] =	vst v63  }
0x2b4: {  	v3 =	vld [tilespmem:$0x240];
	_ =	sdelay $0x4  }
0x2b5: {  	v36 =	vshrl.u32 v3, $0x3  }
0x2b6: {  	v4 =	vmul.u32 $0x18, v36  }
0x2b7: {  	v3 =	vand.u32 $0x7, v3  }
0x2b8: {  	v3 =	vor.u32 v3, v4  }
0x2b9: {  	v4 =	vperm.xlane v3, v0;
	_ =	sdelay $0x1  }
0x2ba: {  	v4 =	vadd.s32 v1, v4;
	_ =	sdelay $0x1  }
0x2bb: {  	v3 =	vperm.xlane v3, v2;
	_ =	sdelay $0x1  }
0x2bc: {  	v3 =	vadd.s32 v1, v3  }
0x2bd: {  	[tilespmem:s30], [sflag:$0x1] =	stream.indirect_vreg.gather [hbm4b:s4+s2], $0x80, v4, vm0, $0xb8;
	[tilespmem:$0x18400] =	vst v63  }
0x2be: {  	_ = 	snop  }
0x2bf: {  	[tilespmem:s31], [sflag:$0x1] =	stream.indirect_vreg.gather [hbm4b:s5+s2], $0x80, v4, vm1, $0xb8;
	[tilespmem:$0x18400] =	vst v63  }
0x2c0: {  	_ = 	snop  }
0x2c1: {  	[tilespmem:s15], [sflag:$0x1] =	stream.indirect_vreg.gather [hbm4b:s4+s2], $0x80, v3, vm0, $0xb8;
	[tilespmem:$0x18400] =	vst v63  }
0x2c2: {  	s1 =	simm.s32 $0x7800  }
0x2c3: {  	[tilespmem:s1], [sflag:$0x1] =	stream.indirect_vreg.gather [hbm4b:s5+s2], $0x80, v3, vm1, $0xb8;
	[tilespmem:$0x18400] =	vst v63  }
0x2c4: {  	v3 =	vld [tilespmem:$0x250];
	_ =	sdelay $0x4  }
0x2c5: {  	v37 =	vshrl.u32 v3, $0x3  }
0x2c6: {  	v4 =	vmul.u32 $0x18, v37  }
0x2c7: {  	v3 =	vand.u32 $0x7, v3  }
0x2c8: {  	v3 =	vor.u32 v3, v4  }
0x2c9: {  	v4 =	vperm.xlane v3, v0;
	_ =	sdelay $0x1  }
0x2ca: {  	v4 =	vadd.s32 v1, v4;
	_ =	sdelay $0x1  }
0x2cb: {  	v3 =	vperm.xlane v3, v2;
	_ =	sdelay $0x1  }
0x2cc: {  	s26 =	simm.s32 $0x7C00;
	v3 =	vadd.s32 v1, v3  }
0x2cd: {  	[tilespmem:s26], [sflag:$0x1] =	stream.indirect_vreg.gather [hbm4b:s4+s2], $0x80, v4, vm0, $0xb8;
	[tilespmem:$0x18400] =	vst v63  }
0x2ce: {  	_ = 	snop  }
0x2cf: {  	[tilespmem:s7], [sflag:$0x1] =	stream.indirect_vreg.gather [hbm4b:s5+s2], $0x80, v4, vm1, $0xb8;
	[tilespmem:$0x18400] =	vst v63  }
0x2d0: {  	_ = 	snop  }
0x2d1: {  	[tilespmem:s8], [sflag:$0x1] =	stream.indirect_vreg.gather [hbm4b:s4+s2], $0x80, v3, vm0, $0xb8;
	[tilespmem:$0x18400] =	vst v63  }
0x2d2: {  	s31 =	simm.s32 $0x9000  }
0x2d3: {  	[tilespmem:s31], [sflag:$0x1] =	stream.indirect_vreg.gather [hbm4b:s5+s2], $0x80, v3, vm1, $0xb8;
	[tilespmem:$0x18400] =	vst v63  }
0x2d4: {  	v3 =	vld [tilespmem:$0x260];
	_ =	sdelay $0x4  }
0x2d5: {  	v38 =	vshrl.u32 v3, $0x3  }
0x2d6: {  	v4 =	vmul.u32 $0x18, v38  }
0x2d7: {  	v3 =	vand.u32 $0x7, v3  }
0x2d8: {  	v3 =	vor.u32 v3, v4  }
0x2d9: {  	v4 =	vperm.xlane v3, v0;
	_ =	sdelay $0x1  }
0x2da: {  	v4 =	vadd.s32 v1, v4;
	_ =	sdelay $0x1  }
0x2db: {  	v3 =	vperm.xlane v3, v2;
	_ =	sdelay $0x1  }
0x2dc: {  	v3 =	vadd.s32 v1, v3  }
0x2dd: {  	[tilespmem:s9], [sflag:$0x1] =	stream.indirect_vreg.gather [hbm4b:s4+s2], $0x80, v4, vm0, $0xb8;
	[tilespmem:$0x18400] =	vst v63  }
0x2de: {  	_ = 	snop  }
0x2df: {  	[tilespmem:s10], [sflag:$0x1] =	stream.indirect_vreg.gather [hbm4b:s5+s2], $0x80, v4, vm1, $0xb8;
	[tilespmem:$0x18400] =	vst v63  }
0x2e0: {  	_ = 	snop  }
0x2e1: {  	[tilespmem:s11], [sflag:$0x1] =	stream.indirect_vreg.gather [hbm4b:s4+s2], $0x80, v3, vm0, $0xb8;
	[tilespmem:$0x18400] =	vst v63  }
0x2e2: {  	s1 =	simm.s32 $0xA800  }
0x2e3: {  	[tilespmem:s1], [sflag:$0x1] =	stream.indirect_vreg.gather [hbm4b:s5+s2], $0x80, v3, vm1, $0xb8;
	[tilespmem:$0x18400] =	vst v63  }
0x2e4: {  	v3 =	vld [tilespmem:$0x270];
	_ =	sdelay $0x4  }
0x2e5: {  	v39 =	vshrl.u32 v3, $0x3  }
0x2e6: {  	v4 =	vmul.u32 $0x18, v39  }
0x2e7: {  	v3 =	vand.u32 $0x7, v3  }
0x2e8: {  	v3 =	vor.u32 v3, v4  }
0x2e9: {  	v4 =	vperm.xlane v3, v0;
	_ =	sdelay $0x1  }
0x2ea: {  	v4 =	vadd.s32 v1, v4;
	_ =	sdelay $0x1  }
0x2eb: {  	v3 =	vperm.xlane v3, v2;
	_ =	sdelay $0x1  }
0x2ec: {  	v3 =	vadd.s32 v1, v3  }
0x2ed: {  	[tilespmem:s12], [sflag:$0x1] =	stream.indirect_vreg.gather [hbm4b:s4+s2], $0x80, v4, vm0, $0xb8;
	[tilespmem:$0x18400] =	vst v63  }
0x2ee: {  	s26 =	simm.s32 $0xB400  }
0x2ef: {  	[tilespmem:s26], [sflag:$0x1] =	stream.indirect_vreg.gather [hbm4b:s5+s2], $0x80, v4, vm1, $0xb8;
	[tilespmem:$0x18400] =	vst v63  }
0x2f0: {  	_ = 	snop  }
0x2f1: {  	[tilespmem:s3], [sflag:$0x1] =	stream.indirect_vreg.gather [hbm4b:s4+s2], $0x80, v3, vm0, $0xb8;
	[tilespmem:$0x18400] =	vst v63  }
0x2f2: {  	s0 =	simm.s32 $0xC000  }
0x2f3: {  	[tilespmem:s0], [sflag:$0x1] =	stream.indirect_vreg.gather [hbm4b:s5+s2], $0x80, v3, vm1, $0xb8;
	[tilespmem:$0x18400] =	vst v63  }
0x2f4: {  	_ =	swait.ge [sflag:s23], $0xC000  }
0x2f5: {  	[sflag:s23] =	ssyncset.done $0x0  }
0x2f6: {  	s1 =	simm.s32 $0x400;
	s3 =	rddreg [dreg:$0x7];
	[sflag:s23] =	ssyncadd.s32 $0xFFFF4000  }
0x2f7: {  	[hbm4b:s3+s2] =	stream.linear.scatter [tilespmem:s1], [sflag:$0x3], $0xC000, $0x38;
	[tilespmem:$0x18400] =	vst v63  }
0x2f8: {  	_ =	swait.ge [sflag:s6], $0xC000  }
0x2f9: {  	[sflag:s6] =	ssyncset.done $0x0  }
0x2fa: {  	[sflag:s6] =	ssyncadd.s32 $0xFFFF4000  }
0x2fb: {  	v3 =	vld [tilespmem:$0x280];
	_ =	sdelay $0x4  }
0x2fc: {  	v40 =	vshrl.u32 v3, $0x3  }
0x2fd: {  	v4 =	vmul.u32 $0x18, v40  }
0x2fe: {  	v3 =	vand.u32 $0x7, v3  }
0x2ff: {  	v3 =	vor.u32 v3, v4  }
0x300: {  	v4 =	vperm.xlane v3, v0;
	_ =	sdelay $0x1  }
0x301: {  	v4 =	vadd.s32 v1, v4;
	_ =	sdelay $0x1  }
0x302: {  	v3 =	vperm.xlane v3, v2;
	_ =	sdelay $0x1  }
0x303: {  	s0 =	simm.s32 $0xC400;
	v3 =	vadd.s32 v1, v3  }
0x304: {  	[tilespmem:s0], [sflag:$0x2] =	stream.indirect_vreg.gather [hbm4b:s4+s2], $0x80, v4, vm0, $0xb8;
	[tilespmem:$0x18400] =	vst v63  }
0x305: {  	s26 =	simm.s32 $0xCC00  }
0x306: {  	[tilespmem:s26], [sflag:$0x2] =	stream.indirect_vreg.gather [hbm4b:s5+s2], $0x80, v4, vm1, $0xb8;
	[tilespmem:$0x18400] =	vst v63  }
0x307: {  	s3 =	simm.s32 $0xD000  }
0x308: {  	[tilespmem:s3], [sflag:$0x2] =	stream.indirect_vreg.gather [hbm4b:s4+s2], $0x80, v3, vm0, $0xb8;
	[tilespmem:$0x18400] =	vst v63  }
0x309: {  	s26 =	simm.s32 $0xD800  }
0x30a: {  	[tilespmem:s26], [sflag:$0x2] =	stream.indirect_vreg.gather [hbm4b:s5+s2], $0x80, v3, vm1, $0xb8;
	[tilespmem:$0x18400] =	vst v63  }
0x30b: {  	v3 =	vld [tilespmem:$0x290];
	_ =	sdelay $0x4  }
0x30c: {  	v41 =	vshrl.u32 v3, $0x3  }
0x30d: {  	v4 =	vmul.u32 $0x18, v41  }
0x30e: {  	v3 =	vand.u32 $0x7, v3  }
0x30f: {  	v3 =	vor.u32 v3, v4  }
0x310: {  	v4 =	vperm.xlane v3, v0;
	_ =	sdelay $0x1  }
0x311: {  	v4 =	vadd.s32 v1, v4;
	_ =	sdelay $0x1  }
0x312: {  	v3 =	vperm.xlane v3, v2;
	_ =	sdelay $0x1  }
0x313: {  	s26 =	simm.s32 $0xDC00;
	v3 =	vadd.s32 v1, v3  }
0x314: {  	[tilespmem:s26], [sflag:$0x2] =	stream.indirect_vreg.gather [hbm4b:s4+s2], $0x80, v4, vm0, $0xb8;
	[tilespmem:$0x18400] =	vst v63  }
0x315: {  	s26 =	simm.s32 $0xE400  }
0x316: {  	[tilespmem:s26], [sflag:$0x2] =	stream.indirect_vreg.gather [hbm4b:s5+s2], $0x80, v4, vm1, $0xb8;
	[tilespmem:$0x18400] =	vst v63  }
0x317: {  	s26 =	simm.s32 $0xE800  }
0x318: {  	[tilespmem:s26], [sflag:$0x2] =	stream.indirect_vreg.gather [hbm4b:s4+s2], $0x80, v3, vm0, $0xb8;
	[tilespmem:$0x18400] =	vst v63  }
0x319: {  	s26 =	simm.s32 $0xF000  }
0x31a: {  	[tilespmem:s26], [sflag:$0x2] =	stream.indirect_vreg.gather [hbm4b:s5+s2], $0x80, v3, vm1, $0xb8;
	[tilespmem:$0x18400] =	vst v63  }
0x31b: {  	v3 =	vld [tilespmem:$0x2A0];
	_ =	sdelay $0x4  }
0x31c: {  	v42 =	vshrl.u32 v3, $0x3  }
0x31d: {  	v4 =	vmul.u32 $0x18, v42  }
0x31e: {  	v3 =	vand.u32 $0x7, v3  }
0x31f: {  	v3 =	vor.u32 v3, v4  }
0x320: {  	v4 =	vperm.xlane v3, v0;
	_ =	sdelay $0x1  }
0x321: {  	v4 =	vadd.s32 v1, v4;
	_ =	sdelay $0x1  }
0x322: {  	v3 =	vperm.xlane v3, v2;
	_ =	sdelay $0x1  }
0x323: {  	s26 =	simm.s32 $0xF400;
	v3 =	vadd.s32 v1, v3  }
0x324: {  	[tilespmem:s26], [sflag:$0x2] =	stream.indirect_vreg.gather [hbm4b:s4+s2], $0x80, v4, vm0, $0xb8;
	[tilespmem:$0x18400] =	vst v63  }
0x325: {  	s26 =	simm.s32 $0xFC00  }
0x326: {  	[tilespmem:s26], [sflag:$0x2] =	stream.indirect_vreg.gather [hbm4b:s5+s2], $0x80, v4, vm1, $0xb8;
	[tilespmem:$0x18400] =	vst v63  }
0x327: {  	s26 =	simm.s32 $0x10000  }
0x328: {  	[tilespmem:s26], [sflag:$0x2] =	stream.indirect_vreg.gather [hbm4b:s4+s2], $0x80, v3, vm0, $0xb8;
	[tilespmem:$0x18400] =	vst v63  }
0x329: {  	s26 =	simm.s32 $0x10800  }
0x32a: {  	[tilespmem:s26], [sflag:$0x2] =	stream.indirect_vreg.gather [hbm4b:s5+s2], $0x80, v3, vm1, $0xb8;
	[tilespmem:$0x18400] =	vst v63  }
0x32b: {  	v3 =	vld [tilespmem:$0x2B0];
	_ =	sdelay $0x4  }
0x32c: {  	v43 =	vshrl.u32 v3, $0x3  }
0x32d: {  	v4 =	vmul.u32 $0x18, v43  }
0x32e: {  	v3 =	vand.u32 $0x7, v3  }
0x32f: {  	v3 =	vor.u32 v3, v4  }
0x330: {  	v4 =	vperm.xlane v3, v0;
	_ =	sdelay $0x1  }
0x331: {  	v4 =	vadd.s32 v1, v4;
	_ =	sdelay $0x1  }
0x332: {  	v3 =	vperm.xlane v3, v2;
	_ =	sdelay $0x1  }
0x333: {  	s26 =	simm.s32 $0x10C00;
	v3 =	vadd.s32 v1, v3  }
0x334: {  	[tilespmem:s26], [sflag:$0x2] =	stream.indirect_vreg.gather [hbm4b:s4+s2], $0x80, v4, vm0, $0xb8;
	[tilespmem:$0x18400] =	vst v63  }
0x335: {  	s26 =	simm.s32 $0x11400  }
0x336: {  	[tilespmem:s26], [sflag:$0x2] =	stream.indirect_vreg.gather [hbm4b:s5+s2], $0x80, v4, vm1, $0xb8;
	[tilespmem:$0x18400] =	vst v63  }
0x337: {  	s26 =	simm.s32 $0x11800  }
0x338: {  	[tilespmem:s26], [sflag:$0x2] =	stream.indirect_vreg.gather [hbm4b:s4+s2], $0x80, v3, vm0, $0xb8;
	[tilespmem:$0x18400] =	vst v63  }
0x339: {  	s26 =	simm.s32 $0x12000  }
0x33a: {  	[tilespmem:s26], [sflag:$0x2] =	stream.indirect_vreg.gather [hbm4b:s5+s2], $0x80, v3, vm1, $0xb8;
	[tilespmem:$0x18400] =	vst v63  }
0x33b: {  	v3 =	vld [tilespmem:$0x2C0];
	_ =	sdelay $0x4  }
0x33c: {  	v44 =	vshrl.u32 v3, $0x3  }
0x33d: {  	v4 =	vmul.u32 $0x18, v44  }
0x33e: {  	v3 =	vand.u32 $0x7, v3  }
0x33f: {  	v3 =	vor.u32 v3, v4  }
0x340: {  	v4 =	vperm.xlane v3, v0;
	_ =	sdelay $0x1  }
0x341: {  	v4 =	vadd.s32 v1, v4;
	_ =	sdelay $0x1  }
0x342: {  	v3 =	vperm.xlane v3, v2;
	_ =	sdelay $0x1  }
0x343: {  	s26 =	simm.s32 $0x12400;
	v3 =	vadd.s32 v1, v3  }
0x344: {  	[tilespmem:s26], [sflag:$0x2] =	stream.indirect_vreg.gather [hbm4b:s4+s2], $0x80, v4, vm0, $0xb8;
	[tilespmem:$0x18400] =	vst v63  }
0x345: {  	s26 =	simm.s32 $0x12C00  }
0x346: {  	[tilespmem:s26], [sflag:$0x2] =	stream.indirect_vreg.gather [hbm4b:s5+s2], $0x80, v4, vm1, $0xb8;
	[tilespmem:$0x18400] =	vst v63  }
0x347: {  	s26 =	simm.s32 $0x13000  }
0x348: {  	[tilespmem:s26], [sflag:$0x2] =	stream.indirect_vreg.gather [hbm4b:s4+s2], $0x80, v3, vm0, $0xb8;
	[tilespmem:$0x18400] =	vst v63  }
0x349: {  	s26 =	simm.s32 $0x13800  }
0x34a: {  	[tilespmem:s26], [sflag:$0x2] =	stream.indirect_vreg.gather [hbm4b:s5+s2], $0x80, v3, vm1, $0xb8;
	[tilespmem:$0x18400] =	vst v63  }
0x34b: {  	v3 =	vld [tilespmem:$0x2D0];
	_ =	sdelay $0x4  }
0x34c: {  	v45 =	vshrl.u32 v3, $0x3  }
0x34d: {  	v4 =	vmul.u32 $0x18, v45  }
0x34e: {  	v3 =	vand.u32 $0x7, v3  }
0x34f: {  	v3 =	vor.u32 v3, v4  }
0x350: {  	v4 =	vperm.xlane v3, v0;
	_ =	sdelay $0x1  }
0x351: {  	v4 =	vadd.s32 v1, v4;
	_ =	sdelay $0x1  }
0x352: {  	v3 =	vperm.xlane v3, v2;
	_ =	sdelay $0x1  }
0x353: {  	s26 =	simm.s32 $0x13C00;
	v3 =	vadd.s32 v1, v3  }
0x354: {  	[tilespmem:s26], [sflag:$0x2] =	stream.indirect_vreg.gather [hbm4b:s4+s2], $0x80, v4, vm0, $0xb8;
	[tilespmem:$0x18400] =	vst v63  }
0x355: {  	s26 =	simm.s32 $0x14400  }
0x356: {  	[tilespmem:s26], [sflag:$0x2] =	stream.indirect_vreg.gather [hbm4b:s5+s2], $0x80, v4, vm1, $0xb8;
	[tilespmem:$0x18400] =	vst v63  }
0x357: {  	s26 =	simm.s32 $0x14800  }
0x358: {  	[tilespmem:s26], [sflag:$0x2] =	stream.indirect_vreg.gather [hbm4b:s4+s2], $0x80, v3, vm0, $0xb8;
	[tilespmem:$0x18400] =	vst v63  }
0x359: {  	s26 =	simm.s32 $0x15000  }
0x35a: {  	[tilespmem:s26], [sflag:$0x2] =	stream.indirect_vreg.gather [hbm4b:s5+s2], $0x80, v3, vm1, $0xb8;
	[tilespmem:$0x18400] =	vst v63  }
0x35b: {  	v3 =	vld [tilespmem:$0x2E0];
	_ =	sdelay $0x4  }
0x35c: {  	v46 =	vshrl.u32 v3, $0x3  }
0x35d: {  	v4 =	vmul.u32 $0x18, v46  }
0x35e: {  	v3 =	vand.u32 $0x7, v3  }
0x35f: {  	v3 =	vor.u32 v3, v4  }
0x360: {  	v4 =	vperm.xlane v3, v0;
	_ =	sdelay $0x1  }
0x361: {  	v4 =	vadd.s32 v1, v4;
	_ =	sdelay $0x1  }
0x362: {  	v3 =	vperm.xlane v3, v2;
	_ =	sdelay $0x1  }
0x363: {  	s26 =	simm.s32 $0x15400;
	v3 =	vadd.s32 v1, v3  }
0x364: {  	[tilespmem:s26], [sflag:$0x2] =	stream.indirect_vreg.gather [hbm4b:s4+s2], $0x80, v4, vm0, $0xb8;
	[tilespmem:$0x18400] =	vst v63  }
0x365: {  	s26 =	simm.s32 $0x15C00  }
0x366: {  	[tilespmem:s26], [sflag:$0x2] =	stream.indirect_vreg.gather [hbm4b:s5+s2], $0x80, v4, vm1, $0xb8;
	[tilespmem:$0x18400] =	vst v63  }
0x367: {  	s26 =	simm.s32 $0x16000  }
0x368: {  	[tilespmem:s26], [sflag:$0x2] =	stream.indirect_vreg.gather [hbm4b:s4+s2], $0x80, v3, vm0, $0xb8;
	[tilespmem:$0x18400] =	vst v63  }
0x369: {  	s26 =	simm.s32 $0x16800  }
0x36a: {  	[tilespmem:s26], [sflag:$0x2] =	stream.indirect_vreg.gather [hbm4b:s5+s2], $0x80, v3, vm1, $0xb8;
	[tilespmem:$0x18400] =	vst v63  }
0x36b: {  	v3 =	vld [tilespmem:$0x2F0];
	_ =	sdelay $0x4  }
0x36c: {  	v47 =	vshrl.u32 v3, $0x3  }
0x36d: {  	v4 =	vmul.u32 $0x18, v47  }
0x36e: {  	v3 =	vand.u32 $0x7, v3  }
0x36f: {  	v3 =	vor.u32 v3, v4  }
0x370: {  	v4 =	vperm.xlane v3, v0;
	_ =	sdelay $0x1  }
0x371: {  	v4 =	vadd.s32 v1, v4;
	_ =	sdelay $0x1  }
0x372: {  	v3 =	vperm.xlane v3, v2;
	_ =	sdelay $0x1  }
0x373: {  	s26 =	simm.s32 $0x16C00;
	v3 =	vadd.s32 v1, v3  }
0x374: {  	[tilespmem:s26], [sflag:$0x2] =	stream.indirect_vreg.gather [hbm4b:s4+s2], $0x80, v4, vm0, $0xb8;
	[tilespmem:$0x18400] =	vst v63  }
0x375: {  	s26 =	simm.s32 $0x17400  }
0x376: {  	[tilespmem:s26], [sflag:$0x2] =	stream.indirect_vreg.gather [hbm4b:s5+s2], $0x80, v4, vm1, $0xb8;
	[tilespmem:$0x18400] =	vst v63  }
0x377: {  	s26 =	simm.s32 $0x17800  }
0x378: {  	[tilespmem:s26], [sflag:$0x2] =	stream.indirect_vreg.gather [hbm4b:s4+s2], $0x80, v3, vm0, $0xb8;
	[tilespmem:$0x18400] =	vst v63  }
0x379: {  	s26 =	simm.s32 $0x18000  }
0x37a: {  	[tilespmem:s26], [sflag:$0x2] =	stream.indirect_vreg.gather [hbm4b:s5+s2], $0x80, v3, vm1, $0xb8;
	[tilespmem:$0x18400] =	vst v63  }
0x37b: {  	_ =	swait.ge [sflag:s24], $0xC000  }
0x37c: {  	[sflag:s24] =	ssyncset.done $0x0  }
0x37d: {  	s26 =	rddreg [dreg:$0x8];
	[sflag:s24] =	ssyncadd.s32 $0xFFFF4000  }
0x37e: {  	[hbm4b:s26+s2] =	stream.linear.scatter [tilespmem:s0], [sflag:$0x4], $0xC000, $0x38;
	[tilespmem:$0x18400] =	vst v63  }
0x37f: {  	_ =	swait.ge [sflag:s25], $0xC000  }
0x380: {  	[sflag:s25] =	ssyncset.done $0x0  }
0x381: {  	[sflag:s25] =	ssyncadd.s32 $0xFFFF4000  }
0x382: {  	v3 =	vld [tilespmem:$0x300];
	_ =	sdelay $0x4  }
0x383: {  	v48 =	vshrl.u32 v3, $0x3  }
0x384: {  	v4 =	vmul.u32 $0x18, v48  }
0x385: {  	v3 =	vand.u32 $0x7, v3  }
0x386: {  	v3 =	vor.u32 v3, v4  }
0x387: {  	v4 =	vperm.xlane v3, v0;
	_ =	sdelay $0x1  }
0x388: {  	v4 =	vadd.s32 v1, v4;
	_ =	sdelay $0x1  }
0x389: {  	v3 =	vperm.xlane v3, v2;
	_ =	sdelay $0x1  }
0x38a: {  	v3 =	vadd.s32 v1, v3  }
0x38b: {  	[tilespmem:s1], [sflag:$0x1] =	stream.indirect_vreg.gather [hbm4b:s4+s2], $0x80, v4, vm0, $0xb8;
	[tilespmem:$0x18400] =	vst v63  }
0x38c: {  	s26 =	simm.s32 $0xC00  }
0x38d: {  	[tilespmem:s26], [sflag:$0x1] =	stream.indirect_vreg.gather [hbm4b:s5+s2], $0x80, v4, vm1, $0xb8;
	[tilespmem:$0x18400] =	vst v63  }
0x38e: {  	s13 =	simm.s32 $0x1000  }
0x38f: {  	[tilespmem:s13], [sflag:$0x1] =	stream.indirect_vreg.gather [hbm4b:s4+s2], $0x80, v3, vm0, $0xb8;
	[tilespmem:$0x18400] =	vst v63  }
0x390: {  	s26 =	simm.s32 $0x1800  }
0x391: {  	[tilespmem:s26], [sflag:$0x1] =	stream.indirect_vreg.gather [hbm4b:s5+s2], $0x80, v3, vm1, $0xb8;
	[tilespmem:$0x18400] =	vst v63  }
0x392: {  	v3 =	vld [tilespmem:$0x310];
	_ =	sdelay $0x4  }
0x393: {  	v49 =	vshrl.u32 v3, $0x3  }
0x394: {  	v4 =	vmul.u32 $0x18, v49  }
0x395: {  	v3 =	vand.u32 $0x7, v3  }
0x396: {  	v3 =	vor.u32 v3, v4  }
0x397: {  	v4 =	vperm.xlane v3, v0;
	_ =	sdelay $0x1  }
0x398: {  	v4 =	vadd.s32 v1, v4;
	_ =	sdelay $0x1  }
0x399: {  	v3 =	vperm.xlane v3, v2;
	_ =	sdelay $0x1  }
0x39a: {  	s14 =	simm.s32 $0x1C00;
	v3 =	vadd.s32 v1, v3  }
0x39b: {  	[tilespmem:s14], [sflag:$0x1] =	stream.indirect_vreg.gather [hbm4b:s4+s2], $0x80, v4, vm0, $0xb8;
	[tilespmem:$0x18400] =	vst v63  }
0x39c: {  	s16 =	simm.s32 $0x2400  }
0x39d: {  	[tilespmem:s16], [sflag:$0x1] =	stream.indirect_vreg.gather [hbm4b:s5+s2], $0x80, v4, vm1, $0xb8;
	[tilespmem:$0x18400] =	vst v63  }
0x39e: {  	s17 =	simm.s32 $0x2800  }
0x39f: {  	[tilespmem:s17], [sflag:$0x1] =	stream.indirect_vreg.gather [hbm4b:s4+s2], $0x80, v3, vm0, $0xb8;
	[tilespmem:$0x18400] =	vst v63  }
0x3a0: {  	s17 =	simm.s32 $0x3000  }
0x3a1: {  	[tilespmem:s17], [sflag:$0x1] =	stream.indirect_vreg.gather [hbm4b:s5+s2], $0x80, v3, vm1, $0xb8;
	[tilespmem:$0x18400] =	vst v63  }
0x3a2: {  	v3 =	vld [tilespmem:$0x320];
	_ =	sdelay $0x4  }
0x3a3: {  	v50 =	vshrl.u32 v3, $0x3  }
0x3a4: {  	v4 =	vmul.u32 $0x18, v50  }
0x3a5: {  	v3 =	vand.u32 $0x7, v3  }
0x3a6: {  	v3 =	vor.u32 v3, v4  }
0x3a7: {  	v4 =	vperm.xlane v3, v0;
	_ =	sdelay $0x1  }
0x3a8: {  	v4 =	vadd.s32 v1, v4;
	_ =	sdelay $0x1  }
0x3a9: {  	v3 =	vperm.xlane v3, v2;
	_ =	sdelay $0x1  }
0x3aa: {  	s18 =	simm.s32 $0x3400;
	v3 =	vadd.s32 v1, v3  }
0x3ab: {  	[tilespmem:s18], [sflag:$0x1] =	stream.indirect_vreg.gather [hbm4b:s4+s2], $0x80, v4, vm0, $0xb8;
	[tilespmem:$0x18400] =	vst v63  }
0x3ac: {  	s19 =	simm.s32 $0x3C00  }
0x3ad: {  	[tilespmem:s19], [sflag:$0x1] =	stream.indirect_vreg.gather [hbm4b:s5+s2], $0x80, v4, vm1, $0xb8;
	[tilespmem:$0x18400] =	vst v63  }
0x3ae: {  	s20 =	simm.s32 $0x4000  }
0x3af: {  	[tilespmem:s20], [sflag:$0x1] =	stream.indirect_vreg.gather [hbm4b:s4+s2], $0x80, v3, vm0, $0xb8;
	[tilespmem:$0x18400] =	vst v63  }
0x3b0: {  	s26 =	simm.s32 $0x4800  }
0x3b1: {  	[tilespmem:s26], [sflag:$0x1] =	stream.indirect_vreg.gather [hbm4b:s5+s2], $0x80, v3, vm1, $0xb8;
	[tilespmem:$0x18400] =	vst v63  }
0x3b2: {  	v3 =	vld [tilespmem:$0x330];
	_ =	sdelay $0x4  }
0x3b3: {  	v51 =	vshrl.u32 v3, $0x3  }
0x3b4: {  	v4 =	vmul.u32 $0x18, v51  }
0x3b5: {  	v3 =	vand.u32 $0x7, v3  }
0x3b6: {  	v3 =	vor.u32 v3, v4  }
0x3b7: {  	v4 =	vperm.xlane v3, v0;
	_ =	sdelay $0x1  }
0x3b8: {  	v4 =	vadd.s32 v1, v4;
	_ =	sdelay $0x1  }
0x3b9: {  	v3 =	vperm.xlane v3, v2;
	_ =	sdelay $0x1  }
0x3ba: {  	s21 =	simm.s32 $0x4C00;
	v3 =	vadd.s32 v1, v3  }
0x3bb: {  	[tilespmem:s21], [sflag:$0x1] =	stream.indirect_vreg.gather [hbm4b:s4+s2], $0x80, v4, vm0, $0xb8;
	[tilespmem:$0x18400] =	vst v63  }
0x3bc: {  	s22 =	simm.s32 $0x5400  }
0x3bd: {  	[tilespmem:s22], [sflag:$0x1] =	stream.indirect_vreg.gather [hbm4b:s5+s2], $0x80, v4, vm1, $0xb8;
	[tilespmem:$0x18400] =	vst v63  }
0x3be: {  	s28 =	simm.s32 $0x5800  }
0x3bf: {  	[tilespmem:s28], [sflag:$0x1] =	stream.indirect_vreg.gather [hbm4b:s4+s2], $0x80, v3, vm0, $0xb8;
	[tilespmem:$0x18400] =	vst v63  }
0x3c0: {  	s28 =	simm.s32 $0x6000  }
0x3c1: {  	[tilespmem:s28], [sflag:$0x1] =	stream.indirect_vreg.gather [hbm4b:s5+s2], $0x80, v3, vm1, $0xb8;
	[tilespmem:$0x18400] =	vst v63  }
0x3c2: {  	v3 =	vld [tilespmem:$0x340];
	_ =	sdelay $0x4  }
0x3c3: {  	v52 =	vshrl.u32 v3, $0x3  }
0x3c4: {  	v4 =	vmul.u32 $0x18, v52  }
0x3c5: {  	v3 =	vand.u32 $0x7, v3  }
0x3c6: {  	v3 =	vor.u32 v3, v4  }
0x3c7: {  	v4 =	vperm.xlane v3, v0;
	_ =	sdelay $0x1  }
0x3c8: {  	v4 =	vadd.s32 v1, v4;
	_ =	sdelay $0x1  }
0x3c9: {  	v3 =	vperm.xlane v3, v2;
	_ =	sdelay $0x1  }
0x3ca: {  	s29 =	simm.s32 $0x6400;
	v3 =	vadd.s32 v1, v3  }
0x3cb: {  	[tilespmem:s29], [sflag:$0x1] =	stream.indirect_vreg.gather [hbm4b:s4+s2], $0x80, v4, vm0, $0xb8;
	[tilespmem:$0x18400] =	vst v63  }
0x3cc: {  	s30 =	simm.s32 $0x6C00  }
0x3cd: {  	[tilespmem:s30], [sflag:$0x1] =	stream.indirect_vreg.gather [hbm4b:s5+s2], $0x80, v4, vm1, $0xb8;
	[tilespmem:$0x18400] =	vst v63  }
0x3ce: {  	s15 =	simm.s32 $0x7000  }
0x3cf: {  	[tilespmem:s15], [sflag:$0x1] =	stream.indirect_vreg.gather [hbm4b:s4+s2], $0x80, v3, vm0, $0xb8;
	[tilespmem:$0x18400] =	vst v63  }
0x3d0: {  	s29 =	simm.s32 $0x7800  }
0x3d1: {  	[tilespmem:s29], [sflag:$0x1] =	stream.indirect_vreg.gather [hbm4b:s5+s2], $0x80, v3, vm1, $0xb8;
	[tilespmem:$0x18400] =	vst v63  }
0x3d2: {  	v3 =	vld [tilespmem:$0x350];
	_ =	sdelay $0x4  }
0x3d3: {  	v53 =	vshrl.u32 v3, $0x3  }
0x3d4: {  	v4 =	vmul.u32 $0x18, v53  }
0x3d5: {  	v3 =	vand.u32 $0x7, v3  }
0x3d6: {  	v3 =	vor.u32 v3, v4  }
0x3d7: {  	v4 =	vperm.xlane v3, v0;
	_ =	sdelay $0x1  }
0x3d8: {  	v4 =	vadd.s32 v1, v4;
	_ =	sdelay $0x1  }
0x3d9: {  	v3 =	vperm.xlane v3, v2;
	_ =	sdelay $0x1  }
0x3da: {  	s30 =	simm.s32 $0x7C00;
	v3 =	vadd.s32 v1, v3  }
0x3db: {  	[tilespmem:s30], [sflag:$0x1] =	stream.indirect_vreg.gather [hbm4b:s4+s2], $0x80, v4, vm0, $0xb8;
	[tilespmem:$0x18400] =	vst v63  }
0x3dc: {  	s7 =	simm.s32 $0x8400  }
0x3dd: {  	[tilespmem:s7], [sflag:$0x1] =	stream.indirect_vreg.gather [hbm4b:s5+s2], $0x80, v4, vm1, $0xb8;
	[tilespmem:$0x18400] =	vst v63  }
0x3de: {  	s8 =	simm.s32 $0x8800  }
0x3df: {  	[tilespmem:s8], [sflag:$0x1] =	stream.indirect_vreg.gather [hbm4b:s4+s2], $0x80, v3, vm0, $0xb8;
	[tilespmem:$0x18400] =	vst v63  }
0x3e0: {  	s13 =	simm.s32 $0x9000  }
0x3e1: {  	[tilespmem:s13], [sflag:$0x1] =	stream.indirect_vreg.gather [hbm4b:s5+s2], $0x80, v3, vm1, $0xb8;
	[tilespmem:$0x18400] =	vst v63  }
0x3e2: {  	v3 =	vld [tilespmem:$0x360];
	_ =	sdelay $0x4  }
0x3e3: {  	v54 =	vshrl.u32 v3, $0x3  }
0x3e4: {  	v4 =	vmul.u32 $0x18, v54  }
0x3e5: {  	v3 =	vand.u32 $0x7, v3  }
0x3e6: {  	v3 =	vor.u32 v3, v4  }
0x3e7: {  	v4 =	vperm.xlane v3, v0;
	_ =	sdelay $0x1  }
0x3e8: {  	v4 =	vadd.s32 v1, v4;
	_ =	sdelay $0x1  }
0x3e9: {  	v3 =	vperm.xlane v3, v2;
	_ =	sdelay $0x1  }
0x3ea: {  	s9 =	simm.s32 $0x9400;
	v3 =	vadd.s32 v1, v3  }
0x3eb: {  	[tilespmem:s9], [sflag:$0x1] =	stream.indirect_vreg.gather [hbm4b:s4+s2], $0x80, v4, vm0, $0xb8;
	[tilespmem:$0x18400] =	vst v63  }
0x3ec: {  	s10 =	simm.s32 $0x9C00  }
0x3ed: {  	[tilespmem:s10], [sflag:$0x1] =	stream.indirect_vreg.gather [hbm4b:s5+s2], $0x80, v4, vm1, $0xb8;
	[tilespmem:$0x18400] =	vst v63  }
0x3ee: {  	s11 =	simm.s32 $0xA000  }
0x3ef: {  	[tilespmem:s11], [sflag:$0x1] =	stream.indirect_vreg.gather [hbm4b:s4+s2], $0x80, v3, vm0, $0xb8;
	[tilespmem:$0x18400] =	vst v63  }
0x3f0: {  	s31 =	simm.s32 $0xA800  }
0x3f1: {  	[tilespmem:s31], [sflag:$0x1] =	stream.indirect_vreg.gather [hbm4b:s5+s2], $0x80, v3, vm1, $0xb8;
	[tilespmem:$0x18400] =	vst v63  }
0x3f2: {  	v3 =	vld [tilespmem:$0x370];
	_ =	sdelay $0x4  }
0x3f3: {  	v55 =	vshrl.u32 v3, $0x3  }
0x3f4: {  	v4 =	vmul.u32 $0x18, v55  }
0x3f5: {  	v3 =	vand.u32 $0x7, v3  }
0x3f6: {  	v3 =	vor.u32 v3, v4  }
0x3f7: {  	v4 =	vperm.xlane v3, v0;
	_ =	sdelay $0x1  }
0x3f8: {  	v4 =	vadd.s32 v1, v4;
	_ =	sdelay $0x1  }
0x3f9: {  	v3 =	vperm.xlane v3, v2;
	_ =	sdelay $0x1  }
0x3fa: {  	s12 =	simm.s32 $0xAC00;
	v3 =	vadd.s32 v1, v3  }
0x3fb: {  	[tilespmem:s12], [sflag:$0x1] =	stream.indirect_vreg.gather [hbm4b:s4+s2], $0x80, v4, vm0, $0xb8;
	[tilespmem:$0x18400] =	vst v63  }
0x3fc: {  	s14 =	simm.s32 $0xB400  }
0x3fd: {  	[tilespmem:s14], [sflag:$0x1] =	stream.indirect_vreg.gather [hbm4b:s5+s2], $0x80, v4, vm1, $0xb8;
	[tilespmem:$0x18400] =	vst v63  }
0x3fe: {  	s15 =	simm.s32 $0xB800  }
0x3ff: {  	[tilespmem:s15], [sflag:$0x1] =	stream.indirect_vreg.gather [hbm4b:s4+s2], $0x80, v3, vm0, $0xb8;
	[tilespmem:$0x18400] =	vst v63  }
0x400: {  	s16 =	simm.s32 $0xC000  }
0x401: {  	[tilespmem:s16], [sflag:$0x1] =	stream.indirect_vreg.gather [hbm4b:s5+s2], $0x80, v3, vm1, $0xb8;
	[tilespmem:$0x18400] =	vst v63  }
0x402: {  	_ =	swait.ge [sflag:s23], $0xC000  }
0x403: {  	[sflag:s23] =	ssyncset.done $0x0  }
0x404: {  	s1 =	simm.s32 $0x400;
	s17 =	rddreg [dreg:$0x9];
	[sflag:s23] =	ssyncadd.s32 $0xFFFF4000  }
0x405: {  	[hbm4b:s17+s2] =	stream.linear.scatter [tilespmem:s1], [sflag:$0x3], $0xC000, $0x38;
	[tilespmem:$0x18400] =	vst v63  }
0x406: {  	_ =	swait.ge [sflag:s6], $0xC000  }
0x407: {  	[sflag:s6] =	ssyncset.done $0x0  }
0x408: {  	[sflag:s6] =	ssyncadd.s32 $0xFFFF4000  }
0x409: {  	v3 =	vld [tilespmem:$0x380];
	_ =	sdelay $0x4  }
0x40a: {  	v56 =	vshrl.u32 v3, $0x3  }
0x40b: {  	v4 =	vmul.u32 $0x18, v56  }
0x40c: {  	v3 =	vand.u32 $0x7, v3  }
0x40d: {  	v3 =	vor.u32 v3, v4  }
0x40e: {  	v4 =	vperm.xlane v3, v0;
	_ =	sdelay $0x1  }
0x40f: {  	v4 =	vadd.s32 v1, v4;
	_ =	sdelay $0x1  }
0x410: {  	v3 =	vperm.xlane v3, v2;
	_ =	sdelay $0x1  }
0x411: {  	s0 =	simm.s32 $0xC400;
	v3 =	vadd.s32 v1, v3  }
0x412: {  	[tilespmem:s0], [sflag:$0x2] =	stream.indirect_vreg.gather [hbm4b:s4+s2], $0x80, v4, vm0, $0xb8;
	[tilespmem:$0x18400] =	vst v63  }
0x413: {  	s18 =	simm.s32 $0xCC00  }
0x414: {  	[tilespmem:s18], [sflag:$0x2] =	stream.indirect_vreg.gather [hbm4b:s5+s2], $0x80, v4, vm1, $0xb8;
	[tilespmem:$0x18400] =	vst v63  }
0x415: {  	_ = 	snop  }
0x416: {  	[tilespmem:s3], [sflag:$0x2] =	stream.indirect_vreg.gather [hbm4b:s4+s2], $0x80, v3, vm0, $0xb8;
	[tilespmem:$0x18400] =	vst v63  }
0x417: {  	s19 =	simm.s32 $0xD800  }
0x418: {  	[tilespmem:s19], [sflag:$0x2] =	stream.indirect_vreg.gather [hbm4b:s5+s2], $0x80, v3, vm1, $0xb8;
	[tilespmem:$0x18400] =	vst v63  }
0x419: {  	v3 =	vld [tilespmem:$0x390];
	_ =	sdelay $0x4  }
0x41a: {  	v57 =	vshrl.u32 v3, $0x3  }
0x41b: {  	v4 =	vmul.u32 $0x18, v57  }
0x41c: {  	v3 =	vand.u32 $0x7, v3  }
0x41d: {  	v3 =	vor.u32 v3, v4  }
0x41e: {  	v4 =	vperm.xlane v3, v0;
	_ =	sdelay $0x1  }
0x41f: {  	v4 =	vadd.s32 v1, v4;
	_ =	sdelay $0x1  }
0x420: {  	v3 =	vperm.xlane v3, v2;
	_ =	sdelay $0x1  }
0x421: {  	s20 =	simm.s32 $0xDC00;
	v3 =	vadd.s32 v1, v3  }
0x422: {  	[tilespmem:s20], [sflag:$0x2] =	stream.indirect_vreg.gather [hbm4b:s4+s2], $0x80, v4, vm0, $0xb8;
	[tilespmem:$0x18400] =	vst v63  }
0x423: {  	s21 =	simm.s32 $0xE400  }
0x424: {  	[tilespmem:s21], [sflag:$0x2] =	stream.indirect_vreg.gather [hbm4b:s5+s2], $0x80, v4, vm1, $0xb8;
	[tilespmem:$0x18400] =	vst v63  }
0x425: {  	s22 =	simm.s32 $0xE800  }
0x426: {  	[tilespmem:s22], [sflag:$0x2] =	stream.indirect_vreg.gather [hbm4b:s4+s2], $0x80, v3, vm0, $0xb8;
	[tilespmem:$0x18400] =	vst v63  }
0x427: {  	s26 =	simm.s32 $0xF000  }
0x428: {  	[tilespmem:s26], [sflag:$0x2] =	stream.indirect_vreg.gather [hbm4b:s5+s2], $0x80, v3, vm1, $0xb8;
	[tilespmem:$0x18400] =	vst v63  }
0x429: {  	v3 =	vld [tilespmem:$0x3A0];
	_ =	sdelay $0x4  }
0x42a: {  	v58 =	vshrl.u32 v3, $0x3  }
0x42b: {  	v4 =	vmul.u32 $0x18, v58  }
0x42c: {  	v3 =	vand.u32 $0x7, v3  }
0x42d: {  	v3 =	vor.u32 v3, v4  }
0x42e: {  	v4 =	vperm.xlane v3, v0;
	_ =	sdelay $0x1  }
0x42f: {  	v4 =	vadd.s32 v1, v4;
	_ =	sdelay $0x1  }
0x430: {  	v3 =	vperm.xlane v3, v2;
	_ =	sdelay $0x1  }
0x431: {  	s28 =	simm.s32 $0xF400;
	v3 =	vadd.s32 v1, v3  }
0x432: {  	[tilespmem:s28], [sflag:$0x2] =	stream.indirect_vreg.gather [hbm4b:s4+s2], $0x80, v4, vm0, $0xb8;
	[tilespmem:$0x18400] =	vst v63  }
0x433: {  	s29 =	simm.s32 $0xFC00  }
0x434: {  	[tilespmem:s29], [sflag:$0x2] =	stream.indirect_vreg.gather [hbm4b:s5+s2], $0x80, v4, vm1, $0xb8;
	[tilespmem:$0x18400] =	vst v63  }
0x435: {  	s30 =	simm.s32 $0x10000  }
0x436: {  	[tilespmem:s30], [sflag:$0x2] =	stream.indirect_vreg.gather [hbm4b:s4+s2], $0x80, v3, vm0, $0xb8;
	[tilespmem:$0x18400] =	vst v63  }
0x437: {  	s31 =	simm.s32 $0x10800  }
0x438: {  	[tilespmem:s31], [sflag:$0x2] =	stream.indirect_vreg.gather [hbm4b:s5+s2], $0x80, v3, vm1, $0xb8;
	[tilespmem:$0x18400] =	vst v63  }
0x439: {  	v3 =	vld [tilespmem:$0x3B0];
	_ =	sdelay $0x4  }
0x43a: {  	v59 =	vshrl.u32 v3, $0x3  }
0x43b: {  	v4 =	vmul.u32 $0x18, v59  }
0x43c: {  	v3 =	vand.u32 $0x7, v3  }
0x43d: {  	v3 =	vor.u32 v3, v4  }
0x43e: {  	v4 =	vperm.xlane v3, v0;
	_ =	sdelay $0x1  }
0x43f: {  	v4 =	vadd.s32 v1, v4;
	_ =	sdelay $0x1  }
0x440: {  	v3 =	vperm.xlane v3, v2;
	_ =	sdelay $0x1  }
0x441: {  	s3 =	simm.s32 $0x10C00;
	v3 =	vadd.s32 v1, v3  }
0x442: {  	[tilespmem:s3], [sflag:$0x2] =	stream.indirect_vreg.gather [hbm4b:s4+s2], $0x80, v4, vm0, $0xb8;
	[tilespmem:$0x18400] =	vst v63  }
0x443: {  	s7 =	simm.s32 $0x11400  }
0x444: {  	[tilespmem:s7], [sflag:$0x2] =	stream.indirect_vreg.gather [hbm4b:s5+s2], $0x80, v4, vm1, $0xb8;
	[tilespmem:$0x18400] =	vst v63  }
0x445: {  	s8 =	simm.s32 $0x11800  }
0x446: {  	[tilespmem:s8], [sflag:$0x2] =	stream.indirect_vreg.gather [hbm4b:s4+s2], $0x80, v3, vm0, $0xb8;
	[tilespmem:$0x18400] =	vst v63  }
0x447: {  	s9 =	simm.s32 $0x12000  }
0x448: {  	[tilespmem:s9], [sflag:$0x2] =	stream.indirect_vreg.gather [hbm4b:s5+s2], $0x80, v3, vm1, $0xb8;
	[tilespmem:$0x18400] =	vst v63  }
0x449: {  	v3 =	vld [tilespmem:$0x3C0];
	_ =	sdelay $0x4  }
0x44a: {  	v60 =	vshrl.u32 v3, $0x3  }
0x44b: {  	v4 =	vmul.u32 $0x18, v60  }
0x44c: {  	v3 =	vand.u32 $0x7, v3  }
0x44d: {  	v3 =	vor.u32 v3, v4  }
0x44e: {  	v4 =	vperm.xlane v3, v0;
	_ =	sdelay $0x1  }
0x44f: {  	v4 =	vadd.s32 v1, v4;
	_ =	sdelay $0x1  }
0x450: {  	v3 =	vperm.xlane v3, v2;
	_ =	sdelay $0x1  }
0x451: {  	s10 =	simm.s32 $0x12400;
	v3 =	vadd.s32 v1, v3  }
0x452: {  	[tilespmem:s10], [sflag:$0x2] =	stream.indirect_vreg.gather [hbm4b:s4+s2], $0x80, v4, vm0, $0xb8;
	[tilespmem:$0x18400] =	vst v63  }
0x453: {  	s11 =	simm.s32 $0x12C00  }
0x454: {  	[tilespmem:s11], [sflag:$0x2] =	stream.indirect_vreg.gather [hbm4b:s5+s2], $0x80, v4, vm1, $0xb8;
	[tilespmem:$0x18400] =	vst v63  }
0x455: {  	s12 =	simm.s32 $0x13000  }
0x456: {  	[tilespmem:s12], [sflag:$0x2] =	stream.indirect_vreg.gather [hbm4b:s4+s2], $0x80, v3, vm0, $0xb8;
	[tilespmem:$0x18400] =	vst v63  }
0x457: {  	s13 =	simm.s32 $0x13800  }
0x458: {  	[tilespmem:s13], [sflag:$0x2] =	stream.indirect_vreg.gather [hbm4b:s5+s2], $0x80, v3, vm1, $0xb8;
	[tilespmem:$0x18400] =	vst v63  }
0x459: {  	v3 =	vld [tilespmem:$0x3D0];
	_ =	sdelay $0x4  }
0x45a: {  	v61 =	vshrl.u32 v3, $0x3  }
0x45b: {  	v4 =	vmul.u32 $0x18, v61  }
0x45c: {  	v3 =	vand.u32 $0x7, v3  }
0x45d: {  	v3 =	vor.u32 v3, v4  }
0x45e: {  	v4 =	vperm.xlane v3, v0;
	_ =	sdelay $0x1  }
0x45f: {  	v4 =	vadd.s32 v1, v4;
	_ =	sdelay $0x1  }
0x460: {  	v3 =	vperm.xlane v3, v2;
	_ =	sdelay $0x1  }
0x461: {  	s14 =	simm.s32 $0x13C00;
	v3 =	vadd.s32 v1, v3  }
0x462: {  	[tilespmem:s14], [sflag:$0x2] =	stream.indirect_vreg.gather [hbm4b:s4+s2], $0x80, v4, vm0, $0xb8;
	[tilespmem:$0x18400] =	vst v63  }
0x463: {  	s15 =	simm.s32 $0x14400  }
0x464: {  	[tilespmem:s15], [sflag:$0x2] =	stream.indirect_vreg.gather [hbm4b:s5+s2], $0x80, v4, vm1, $0xb8;
	[tilespmem:$0x18400] =	vst v63  }
0x465: {  	s16 =	simm.s32 $0x14800  }
0x466: {  	[tilespmem:s16], [sflag:$0x2] =	stream.indirect_vreg.gather [hbm4b:s4+s2], $0x80, v3, vm0, $0xb8;
	[tilespmem:$0x18400] =	vst v63  }
0x467: {  	s17 =	simm.s32 $0x15000  }
0x468: {  	[tilespmem:s17], [sflag:$0x2] =	stream.indirect_vreg.gather [hbm4b:s5+s2], $0x80, v3, vm1, $0xb8;
	[tilespmem:$0x18400] =	vst v63  }
0x469: {  	v3 =	vld [tilespmem:$0x3E0];
	_ =	sdelay $0x4  }
0x46a: {  	v62 =	vshrl.u32 v3, $0x3  }
0x46b: {  	v4 =	vmul.u32 $0x18, v62  }
0x46c: {  	v3 =	vand.u32 $0x7, v3  }
0x46d: {  	v3 =	vor.u32 v3, v4  }
0x46e: {  	v4 =	vperm.xlane v3, v0;
	_ =	sdelay $0x1  }
0x46f: {  	v4 =	vadd.s32 v1, v4;
	_ =	sdelay $0x1  }
0x470: {  	v3 =	vperm.xlane v3, v2;
	_ =	sdelay $0x1  }
0x471: {  	s18 =	simm.s32 $0x15400;
	v3 =	vadd.s32 v1, v3  }
0x472: {  	[tilespmem:s18], [sflag:$0x2] =	stream.indirect_vreg.gather [hbm4b:s4+s2], $0x80, v4, vm0, $0xb8;
	[tilespmem:$0x18400] =	vst v63  }
0x473: {  	s19 =	simm.s32 $0x15C00  }
0x474: {  	[tilespmem:s19], [sflag:$0x2] =	stream.indirect_vreg.gather [hbm4b:s5+s2], $0x80, v4, vm1, $0xb8;
	[tilespmem:$0x18400] =	vst v63  }
0x475: {  	s20 =	simm.s32 $0x16000  }
0x476: {  	[tilespmem:s20], [sflag:$0x2] =	stream.indirect_vreg.gather [hbm4b:s4+s2], $0x80, v3, vm0, $0xb8;
	[tilespmem:$0x18400] =	vst v63  }
0x477: {  	s21 =	simm.s32 $0x16800  }
0x478: {  	[tilespmem:s21], [sflag:$0x2] =	stream.indirect_vreg.gather [hbm4b:s5+s2], $0x80, v3, vm1, $0xb8;
	[tilespmem:$0x18400] =	vst v63  }
0x479: {  	v3 =	vld [tilespmem:$0x3F0];
	_ =	sdelay $0x4  }
0x47a: {  	v63 =	vshrl.u32 v3, $0x3  }
0x47b: {  	v4 =	vmul.u32 $0x18, v63  }
0x47c: {  	v3 =	vand.u32 $0x7, v3  }
0x47d: {  	v3 =	vor.u32 v3, v4  }
0x47e: {  	v4 =	vperm.xlane v3, v0;
	_ =	sdelay $0x1  }
0x47f: {  	v4 =	vadd.s32 v1, v4;
	_ =	sdelay $0x1  }
0x480: {  	v3 =	vperm.xlane v3, v2;
	_ =	sdelay $0x1  }
0x481: {  	s22 =	simm.s32 $0x16C00;
	v3 =	vadd.s32 v1, v3  }
0x482: {  	[tilespmem:s22], [sflag:$0x2] =	stream.indirect_vreg.gather [hbm4b:s4+s2], $0x80, v4, vm0, $0xb8;
	[tilespmem:$0x18400] =	vst v63  }
0x483: {  	s26 =	simm.s32 $0x17400  }
0x484: {  	[tilespmem:s26], [sflag:$0x2] =	stream.indirect_vreg.gather [hbm4b:s5+s2], $0x80, v4, vm1, $0xb8;
	[tilespmem:$0x18400] =	vst v63  }
0x485: {  	s28 =	simm.s32 $0x17800  }
0x486: {  	[tilespmem:s28], [sflag:$0x2] =	stream.indirect_vreg.gather [hbm4b:s4+s2], $0x80, v3, vm0, $0xb8;
	[tilespmem:$0x18400] =	vst v63  }
0x487: {  	s29 =	simm.s32 $0x18000  }
0x488: {  	[tilespmem:s29], [sflag:$0x2] =	stream.indirect_vreg.gather [hbm4b:s5+s2], $0x80, v3, vm1, $0xb8;
	[tilespmem:$0x18400] =	vst v63  }
0x489: {  	_ =	swait.ge [sflag:s24], $0xC000  }
0x48a: {  	s30 =	rddreg [dreg:$0xa];
	[sflag:s24] =	ssyncset.done $0x0  }
0x48b: {  	s31 =	rddreg [dreg:$0xc];
	[sflag:s24] =	ssyncadd.s32 $0xFFFF4000  }
0x48c: {  	[hbm4b:s30+s2] =	stream.linear.scatter [tilespmem:s0], [sflag:$0x4], $0xC000, $0x38;
	[tilespmem:$0x18400] =	vst v63  }
0x48d: {  	p0 =	sne.s32 s31, $0x1;
	_ =	swait.ge [sflag:s25], $0xC000  }
.Ltmp0:
0x48e: {  	[sflag:s25] =	ssyncset.done $0x0;
	(pc) =	sbr.rel @p0 .LBB2_1-.Ltmp0, $4  }
0x48f: {  	[sflag:s25] =	ssyncadd.s32 $0xFFFF4000  }
0x490: {  	_ =	swait.ge [sflag:s6], $0xC000  }
0x491: {  	[sflag:s6] =	ssyncset.done $0x0  }
0x492: {  	s0 =	sadd.s32 $0xFFFFFFFF, s31;
	[sflag:s6] =	ssyncadd.s32 $0xFFFF4000  }
0x493: {  	_ =	sfence.sel $0x180000  }
0x494: {  	[bflag:$0x0] =	sbarrier.arrive $0xFFFF  }
0x495: {  	_ =	strace $0x90000047  }
0x496: {  	s0 =	stileid.u32;
	[bflag:$0x2] =	sbarrier.arrive $0xFFFF  }
0x497: {  	p0 =	sne.s32 s0, $0x0;
	s0 =	rddreg [dreg:$0x2]  }
0x498: {  	s0 =	sadd.s32 @!p0 $0x100000, s0  }
0x499: {  	[sflag:s0] =	ssyncadd.tile.s32 @!p0 $0x1;
	_ =	shalt  }
.Lfunc_end2:
_tile_overlayer_lowered:
.L_overlay_start_2:
0x49a: {  	(tag) =	ssettag $0x2  }
0x49b: {  	s0 =	rddreg [dreg:$0x0];
	s2 =	stileid.u32  }
0x49c: {  	s1 =	rddreg [dreg:$0x1];
	p0 =	sne.s32 s2, $0x0  }
0x49d: {  	s3 =	rddreg [dreg:$0x2];
	[bflag:$0x3] =	sbarrier.arrive $0xFFFF;
	s2 =	simm.s32 @!p0 $0x1C05  }
0x49e: {  	[timem:s3], [sflag:s2] =	dma.local @!p0 [hbm:s0], s1  }
0x49f: {  	s0 =	simm.s32 @!p0 $0x5  }
0x4a0: {  	_ =	swait.ge @!p0 [sflag:s0], s1  }
0x4a1: {  	s1 =	ssub.s32 @!p0 $0x0, s1;
	[sflag:s0] =	ssyncset.done @!p0 $0x0  }
0x4a2: {  	[sflag:s0] =	ssyncadd.s32 @!p0 s1  }
0x4a3: {  	[bflag:$0x3] =	sbarrier.arrive $0xFFFF  }
0x4a4: {  	_ =	shalt  }

</sc_bundles>
